<compile_context>
chip_gen: v7x
topology: tpu7x:2x2x1
jax: 0.10.2.dev20260603
libtpu: 0.0.44.dev20260713+nightly
codegen_flags: <defaults>
</compile_context>

<pallas_src>
import jax
import jax.numpy as jnp
from jax import lax
from jax.experimental import pallas as pl
from jax.experimental.pallas import tpu as pltpu
from jax.experimental.pallas import tpu_sc as plsc

NUM_UNITS = 32
MAX_REL = 128
LQ = 2048
LK = 2048
NW = 32
ROWS_PER_W = LQ // NW
W_COLS = 2560
UT = NUM_UNITS // 8
JT = LK // 128
TAB_WORDS = (2 * MAX_REL + 1) * NUM_UNITS


def _sc_body(tab_hbm, out_hbm, tab_vmem, w_vmem, sem):
    c = lax.axis_index("c")
    s = lax.axis_index("s")
    wid = s * 2 + c
    phi = wid % 8
    q = wid // 8
    wof = (LK - 1 - 504) - phi - 512 * q

    pltpu.sync_copy(tab_hbm, tab_vmem)

    lanes = lax.iota(jnp.int32, 16)

    m_band0 = (LK - 1 - MAX_REL) - wof
    mb_lo = m_band0 // 16
    mb_hi = (m_band0 + 2 * MAX_REL + 1 + 15) // 16

    def build_u(u, _):
        ut, us = u // 8, u % 8
        t0 = plsc.load_gather(tab_vmem, [lanes * 0 + u])
        t1 = plsc.load_gather(tab_vmem, [lanes * 0 + (2 * MAX_REL * NUM_UNITS + u)])

        def fill_head(mb, _):
            w_vmem[ut, us, pl.ds(mb * 16, 16)] = t0
            return 0

        def build_band(mb, _):
            m = mb * 16
            k = wof + m - (LK - 1) + lanes
            cidx = jnp.clip(k, -MAX_REL, MAX_REL) + MAX_REL
            w_vmem[ut, us, pl.ds(m, 16)] = plsc.load_gather(
                tab_vmem, [cidx * NUM_UNITS + u])
            return 0

        def fill_tail(mb, _):
            w_vmem[ut, us, pl.ds(mb * 16, 16)] = t1
            return 0

        lax.fori_loop(0, mb_lo, fill_head, 0)
        lax.fori_loop(mb_lo, mb_hi, build_band, 0)
        lax.fori_loop(mb_hi, W_COLS // 16, fill_tail, 0)
        return 0

    lax.fori_loop(0, NUM_UNITS, build_u, 0)

    def drain_row():
        for _ in range(JT):
            pltpu.make_async_copy(
                w_vmem.at[:, :, pl.ds(0, 128)],
                out_hbm.at[0, :, 0], sem).wait()

    def row(t, _):
        @pl.when(t > 1)
        def _():
            drain_row()
        i = phi + 512 * q + 8 * t
        s0 = 8 * (ROWS_PER_W - 1 - t)
        for jt in range(JT):
            pltpu.async_copy(
                w_vmem.at[:, :, pl.ds(s0 + 128 * jt, 128)],
                out_hbm.at[i, :, jt], sem)
        return 0

    lax.fori_loop(0, ROWS_PER_W, row, 0)
    for _ in range(2):
        drain_row()


def kernel(x, embeddings_table):
    del x
    run = pl.kernel(
        _sc_body,
        out_type=jax.ShapeDtypeStruct((LQ, UT, JT, 8, 128), jnp.float32),
        mesh=plsc.VectorSubcoreMesh(core_axis_name="c", subcore_axis_name="s"),
        scratch_types=[
            pltpu.VMEM((TAB_WORDS,), jnp.float32),
            pltpu.VMEM((UT, 8, W_COLS), jnp.float32),
            pltpu.SemaphoreType.DMA,
        ],
        compiler_params=pltpu.CompilerParams(use_tc_tiling_on_sc=False,
                                             needs_layout_passes=False),
    )
    out5 = run(embeddings_table.reshape(-1))
    return out5.transpose(0, 2, 4, 1, 3).reshape(LQ, LK, NUM_UNITS)

# --- scband reference (transcript-rebuilt; emitter-appended) ---
"""Pipeline reference for scband-relative-position-34677565948393 (READ-ONLY COPY).

The authoritative reference and input builder live on the scoring server;
editing this copy changes nothing except your own understanding.
"""

import jax, jax.numpy as jnp
import numpy as np

NUM_UNITS = 32
MAX_REL_POS = 128

def setup_inputs(seed: int = 0) -> dict:
    key = jax.random.key(seed)
    k1, k2 = jax.random.split(key)
    x = jax.random.normal(k1, (1, 2048, 2048), dtype=jnp.float32)
    # xavier_uniform init for embeddings_table [2*max_rel+1, num_units]
    fan_in, fan_out = MAX_REL_POS * 2 + 1, NUM_UNITS
    limit = jnp.sqrt(6.0 / (fan_in + fan_out))
    embeddings_table = jax.random.uniform(k2, (MAX_REL_POS * 2 + 1, NUM_UNITS), dtype=jnp.float32, minval=-limit, maxval=limit)
    return {"x": x, "embeddings_table": embeddings_table}

def reference(x, embeddings_table):
    length_q = x.shape[-2]
    length_k = x.shape[-1]
    range_vec_q = jnp.arange(length_q, dtype=jnp.int32)
    range_vec_k = jnp.arange(length_k, dtype=jnp.int32)
    distance_mat = range_vec_k[None, :] - range_vec_q[:, None]
    distance_mat_clipped = jnp.clip(distance_mat, -MAX_REL_POS, MAX_REL_POS)
    final_mat = distance_mat_clipped + MAX_REL_POS
    embeddings = jnp.take(embeddings_table, final_mat, axis=0)
    return embeddings

if __name__ == "__main__":
    import jax
    _d = setup_inputs()
    print(jax.jit(kernel)(*tuple(_d.values())))

</pallas_src>

<mosaic_0001>
#map = affine_map<(d0, d1) -> (0)>
#map1 = affine_map<(d0, d1) -> (0, 0, 0, 0, 0)>
module attributes {stable_mosaic.version = 14 : i64} {
  func.func @_sc_body(%arg0: i32, %arg1: i32, %arg2: memref<8224xf32, #tpu.memory_space<hbm>>, %arg3: memref<2048x4x16x8x128xf32, #tpu.memory_space<hbm>>, %arg4: memref<8224xf32, #tpu.memory_space<vmem>>, %arg5: memref<4x8x2560xf32, #tpu.memory_space<vmem>>, %arg6: memref<!tpu.dma_semaphore, #tpu.memory_space<semaphore_mem>>) attributes {dimension_semantics = [#tpu.dimension_semantics<core_parallel>, #tpu.dimension_semantics<subcore_parallel>], iteration_bounds = array<i64: 2, 16>, scalar_prefetch = 0 : i64, scratch_operands = 3 : i64, tpu.core_type = #tpu.core_type<sc_vector_subcore>, window_params = [{transform_indices = #map}, {transform_indices = #map1}]} {
    %mul3A = arith.constant 2 : i32
    %mul3A_0 = arith.muli %arg1, %mul3A : i32
    %add3A = arith.addi %mul3A_0, %arg0 : i32
    %jit3A = arith.constant 8 : i32
    %eq3A = arith.constant 0 : i32
    %eq3A_1 = arith.cmpi eq, %jit3A, %eq3A : i32
    %jit3A_2 = arith.constant 1 : i32
    %select_n3A = arith.select %eq3A_1, %jit3A_2, %jit3A : i32
    %rem3A = arith.remsi %add3A, %select_n3A : i32
    %ne3A = arith.constant 0 : i32
    %ne3A_3 = arith.cmpi ne, %rem3A, %ne3A : i32
    %lt3A = arith.constant 0 : i32
    %lt3A_4 = arith.cmpi slt, %rem3A, %lt3A : i32
    %lt3A_5 = arith.constant 0 : i32
    %lt3A_6 = arith.cmpi slt, %select_n3A, %lt3A_5 : i32
    %ne3A_7 = arith.xori %lt3A_4, %lt3A_6 : i1
    %and3A = arith.andi %ne3A_7, %ne3A_3 : i1
    %add3A_8 = arith.addi %rem3A, %select_n3A : i32
    %select_n3A_9 = arith.select %and3A, %add3A_8, %rem3A : i32
    %jit3A_10 = arith.constant 8 : i32
    %div3A = arith.divsi %add3A, %jit3A_10 : i32
    %sign3A = arith.constant 0 : i32
    %sign3A_11 = arith.cmpi sgt, %add3A, %sign3A : i32
    %sign3A_12 = arith.extui %sign3A_11 : i1 to i32
    %sign3A_13 = arith.constant 0 : i32
    %sign3A_14 = arith.cmpi slt, %add3A, %sign3A_13 : i32
    %sign3A_15 = arith.extui %sign3A_14 : i1 to i32
    %sign3A_16 = arith.subi %sign3A_12, %sign3A_15 : i32
    %sign3A_17 = arith.constant 0 : i32
    %sign3A_18 = arith.cmpi sgt, %jit3A_10, %sign3A_17 : i32
    %sign3A_19 = arith.extui %sign3A_18 : i1 to i32
    %sign3A_20 = arith.constant 0 : i32
    %sign3A_21 = arith.cmpi slt, %jit3A_10, %sign3A_20 : i32
    %sign3A_22 = arith.extui %sign3A_21 : i1 to i32
    %sign3A_23 = arith.subi %sign3A_19, %sign3A_22 : i32
    %ne3A_24 = arith.cmpi ne, %sign3A_16, %sign3A_23 : i32
    %rem3A_25 = arith.remsi %add3A, %jit3A_10 : i32
    %ne3A_26 = arith.constant 0 : i32
    %ne3A_27 = arith.cmpi ne, %rem3A_25, %ne3A_26 : i32
    %and3A_28 = arith.andi %ne3A_24, %ne3A_27 : i1
    %sub3A = arith.constant 1 : i32
    %sub3A_29 = arith.subi %div3A, %sub3A : i32
    %select_n3A_30 = arith.select %and3A_28, %sub3A_29, %div3A : i32
    %sub3A_31 = arith.constant 1543 : i32
    %sub3A_32 = arith.subi %sub3A_31, %select_n3A_9 : i32
    %mul3A_33 = arith.constant 512 : i32
    %mul3A_34 = arith.muli %mul3A_33, %select_n3A_30 : i32
    %sub3A_35 = arith.subi %sub3A_32, %mul3A_34 : i32
    "tpu.region"() ({
      %run_scoped3A = tpu.sem_alloc : memref<!tpu.dma_semaphore, #tpu.memory_space<semaphore_mem>>
      tpu.enqueue_dma source(%arg2 : memref<8224xf32, #tpu.memory_space<hbm>>) target(%arg4 : memref<8224xf32, #tpu.memory_space<vmem>>) target_semaphore(%run_scoped3A : memref<!tpu.dma_semaphore, #tpu.memory_space<semaphore_mem>>)
      tpu.wait_dma2 semaphore(%run_scoped3A : memref<!tpu.dma_semaphore, #tpu.memory_space<semaphore_mem>>) src(%arg2 : memref<8224xf32, #tpu.memory_space<hbm>>) dst(%arg4 : memref<8224xf32, #tpu.memory_space<vmem>>)
      tpu.yield
    }) : () -> ()
    %iota3A = tpu.iota {dimensions = array<i32: 0>} : vector<16xi32>
    %sub3A_36 = arith.constant 1919 : i32
    %sub3A_37 = arith.subi %sub3A_36, %sub3A_35 : i32
    %jit3A_38 = arith.constant 16 : i32
    %div3A_39 = arith.divsi %sub3A_37, %jit3A_38 : i32
    %sign3A_40 = arith.constant 0 : i32
    %sign3A_41 = arith.cmpi sgt, %sub3A_37, %sign3A_40 : i32
    %sign3A_42 = arith.extui %sign3A_41 : i1 to i32
    %sign3A_43 = arith.constant 0 : i32
    %sign3A_44 = arith.cmpi slt, %sub3A_37, %sign3A_43 : i32
    %sign3A_45 = arith.extui %sign3A_44 : i1 to i32
    %sign3A_46 = arith.subi %sign3A_42, %sign3A_45 : i32
    %sign3A_47 = arith.constant 0 : i32
    %sign3A_48 = arith.cmpi sgt, %jit3A_38, %sign3A_47 : i32
    %sign3A_49 = arith.extui %sign3A_48 : i1 to i32
    %sign3A_50 = arith.constant 0 : i32
    %sign3A_51 = arith.cmpi slt, %jit3A_38, %sign3A_50 : i32
    %sign3A_52 = arith.extui %sign3A_51 : i1 to i32
    %sign3A_53 = arith.subi %sign3A_49, %sign3A_52 : i32
    %ne3A_54 = arith.cmpi ne, %sign3A_46, %sign3A_53 : i32
    %rem3A_55 = arith.remsi %sub3A_37, %jit3A_38 : i32
    %ne3A_56 = arith.constant 0 : i32
    %ne3A_57 = arith.cmpi ne, %rem3A_55, %ne3A_56 : i32
    %and3A_58 = arith.andi %ne3A_54, %ne3A_57 : i1
    %sub3A_59 = arith.constant 1 : i32
    %sub3A_60 = arith.subi %div3A_39, %sub3A_59 : i32
    %select_n3A_61 = arith.select %and3A_58, %sub3A_60, %div3A_39 : i32
    %add3A_62 = arith.constant 256 : i32
    %add3A_63 = arith.addi %sub3A_37, %add3A_62 : i32
    %add3A_64 = arith.constant 1 : i32
    %add3A_65 = arith.addi %add3A_63, %add3A_64 : i32
    %add3A_66 = arith.constant 15 : i32
    %add3A_67 = arith.addi %add3A_65, %add3A_66 : i32
    %jit3A_68 = arith.constant 16 : i32
    %div3A_69 = arith.divsi %add3A_67, %jit3A_68 : i32
    %sign3A_70 = arith.constant 0 : i32
    %sign3A_71 = arith.cmpi sgt, %add3A_67, %sign3A_70 : i32
    %sign3A_72 = arith.extui %sign3A_71 : i1 to i32
    %sign3A_73 = arith.constant 0 : i32
    %sign3A_74 = arith.cmpi slt, %add3A_67, %sign3A_73 : i32
    %sign3A_75 = arith.extui %sign3A_74 : i1 to i32
    %sign3A_76 = arith.subi %sign3A_72, %sign3A_75 : i32
    %sign3A_77 = arith.constant 0 : i32
    %sign3A_78 = arith.cmpi sgt, %jit3A_68, %sign3A_77 : i32
    %sign3A_79 = arith.extui %sign3A_78 : i1 to i32
    %sign3A_80 = arith.constant 0 : i32
    %sign3A_81 = arith.cmpi slt, %jit3A_68, %sign3A_80 : i32
    %sign3A_82 = arith.extui %sign3A_81 : i1 to i32
    %sign3A_83 = arith.subi %sign3A_79, %sign3A_82 : i32
    %ne3A_84 = arith.cmpi ne, %sign3A_76, %sign3A_83 : i32
    %rem3A_85 = arith.remsi %add3A_67, %jit3A_68 : i32
    %ne3A_86 = arith.constant 0 : i32
    %ne3A_87 = arith.cmpi ne, %rem3A_85, %ne3A_86 : i32
    %and3A_88 = arith.andi %ne3A_84, %ne3A_87 : i1
    %sub3A_89 = arith.constant 1 : i32
    %sub3A_90 = arith.subi %div3A_69, %sub3A_89 : i32
    %select_n3A_91 = arith.select %and3A_88, %sub3A_90, %div3A_69 : i32
    %scan3A = arith.constant 0 : i32
    %scan3A_92 = arith.constant 0 : i32
    %scan3A_93 = arith.constant 32 : i32
    %scan3A_94 = arith.addi %scan3A_92, %scan3A_93 : i32
    %scan3A_95 = arith.constant 1 : i32
    %scan3A_96 = scf.for %scan3A_744 = %scan3A_92 to %scan3A_94 step %scan3A_95 iter_args(%scan3A_745 = %scan3A) -> (i32)  : i32 {
      %jit3A_746 = arith.constant 8 : i32
      %div3A_747 = arith.divsi %scan3A_744, %jit3A_746 : i32
      %sign3A_748 = arith.constant 0 : i32
      %sign3A_749 = arith.cmpi sgt, %scan3A_744, %sign3A_748 : i32
      %sign3A_750 = arith.extui %sign3A_749 : i1 to i32
      %sign3A_751 = arith.constant 0 : i32
      %sign3A_752 = arith.cmpi slt, %scan3A_744, %sign3A_751 : i32
      %sign3A_753 = arith.extui %sign3A_752 : i1 to i32
      %sign3A_754 = arith.subi %sign3A_750, %sign3A_753 : i32
      %sign3A_755 = arith.constant 0 : i32
      %sign3A_756 = arith.cmpi sgt, %jit3A_746, %sign3A_755 : i32
      %sign3A_757 = arith.extui %sign3A_756 : i1 to i32
      %sign3A_758 = arith.constant 0 : i32
      %sign3A_759 = arith.cmpi slt, %jit3A_746, %sign3A_758 : i32
      %sign3A_760 = arith.extui %sign3A_759 : i1 to i32
      %sign3A_761 = arith.subi %sign3A_757, %sign3A_760 : i32
      %ne3A_762 = arith.cmpi ne, %sign3A_754, %sign3A_761 : i32
      %rem3A_763 = arith.remsi %scan3A_744, %jit3A_746 : i32
      %ne3A_764 = arith.constant 0 : i32
      %ne3A_765 = arith.cmpi ne, %rem3A_763, %ne3A_764 : i32
      %and3A_766 = arith.andi %ne3A_762, %ne3A_765 : i1
      %sub3A_767 = arith.constant 1 : i32
      %sub3A_768 = arith.subi %div3A_747, %sub3A_767 : i32
      %select_n3A_769 = arith.select %and3A_766, %sub3A_768, %div3A_747 : i32
      %jit3A_770 = arith.constant 8 : i32
      %eq3A_771 = arith.constant 0 : i32
      %eq3A_772 = arith.cmpi eq, %jit3A_770, %eq3A_771 : i32
      %jit3A_773 = arith.constant 1 : i32
      %select_n3A_774 = arith.select %eq3A_772, %jit3A_773, %jit3A_770 : i32
      %rem3A_775 = arith.remsi %scan3A_744, %select_n3A_774 : i32
      %ne3A_776 = arith.constant 0 : i32
      %ne3A_777 = arith.cmpi ne, %rem3A_775, %ne3A_776 : i32
      %lt3A_778 = arith.constant 0 : i32
      %lt3A_779 = arith.cmpi slt, %rem3A_775, %lt3A_778 : i32
      %lt3A_780 = arith.constant 0 : i32
      %lt3A_781 = arith.cmpi slt, %select_n3A_774, %lt3A_780 : i32
      %ne3A_782 = arith.xori %lt3A_779, %lt3A_781 : i1
      %and3A_783 = arith.andi %ne3A_782, %ne3A_777 : i1
      %add3A_784 = arith.addi %rem3A_775, %select_n3A_774 : i32
      %select_n3A_785 = arith.select %and3A_783, %add3A_784, %rem3A_775 : i32
      %mul3A_786 = arith.constant 0 : i32
      %mul3A_787 = vector.broadcast %mul3A_786 : i32 to vector<16xi32>
      %mul3A_788 = arith.muli %iota3A, %mul3A_787 : vector<16xi32>
      %add3A_789 = vector.broadcast %scan3A_744 : i32 to vector<16xi32>
      %add3A_790 = arith.addi %mul3A_788, %add3A_789 : vector<16xi32>
      %gather3A = tpu.vector_load_idx %arg4[%add3A_790] : memref<8224xf32, #tpu.memory_space<vmem>>[vector<16xi32>], vector<16xf32>,
      %mul3A_791 = arith.constant 0 : i32
      %mul3A_792 = vector.broadcast %mul3A_791 : i32 to vector<16xi32>
      %mul3A_793 = arith.muli %iota3A, %mul3A_792 : vector<16xi32>
      %add3A_794 = arith.constant 8192 : i32
      %add3A_795 = arith.addi %add3A_794, %scan3A_744 : i32
      %add3A_796 = vector.broadcast %add3A_795 : i32 to vector<16xi32>
      %add3A_797 = arith.addi %mul3A_793, %add3A_796 : vector<16xi32>
      %gather3A_798 = tpu.vector_load_idx %arg4[%add3A_797] : memref<8224xf32, #tpu.memory_space<vmem>>[vector<16xi32>], vector<16xf32>,
      %while3A = arith.constant 0 : i32
      %while3A_799 = arith.constant 0 : i32
      %while3A_800 = arith.subi %select_n3A_61, %while3A : i32
      %while3A_801 = arith.addi %while3A, %while3A_800 : i32
      %while3A_802 = arith.constant 1 : i32
      %while3A_803 = arith.divsi %while3A_800, %while3A_802 : i32
      %while3A_804 = arith.muli %while3A_803, %while3A_802 : i32
      %while3A_805 = arith.addi %while3A, %while3A_804 : i32
      %while3A_806 = arith.constant 1 : i32
      %while3A_807 = scf.for %while3A_834 = %while3A to %while3A_805 step %while3A_806 iter_args(%while3A_835 = %while3A_799) -> (i32)  : i32 {
        %mul3A_836 = arith.constant 16 : i32
        %mul3A_837 = arith.muli %while3A_834, %mul3A_836 : i32
        %swap3A = arith.index_cast %select_n3A_769 : i32 to index
        %swap3A_838 = arith.index_cast %select_n3A_785 : i32 to index
        %swap3A_839 = arith.index_cast %mul3A_837 : i32 to index
        %swap3A_840 = tpu.vector_load %arg5[%swap3A, %swap3A_838, %swap3A_839] {strides = array<i32>} : memref<4x8x2560xf32, #tpu.memory_space<vmem>>, vector<16xf32>,
        tpu.vector_store %arg5[%swap3A, %swap3A_838, %swap3A_839], %gather3A {strides = array<i32>} : memref<4x8x2560xf32, #tpu.memory_space<vmem>>, vector<16xf32>,
        %while3A_841 = arith.constant 0 : i32
        scf.yield %while3A_841 : i32
      }
      %while3A_808 = arith.constant 1 : i32
      %while3A_809 = scf.for %while3A_834 = %while3A_805 to %while3A_801 step %while3A_808 iter_args(%while3A_835 = %while3A_807) -> (i32)  : i32 {
        %mul3A_836 = arith.constant 16 : i32
        %mul3A_837 = arith.muli %while3A_834, %mul3A_836 : i32
        %swap3A = arith.index_cast %select_n3A_769 : i32 to index
        %swap3A_838 = arith.index_cast %select_n3A_785 : i32 to index
        %swap3A_839 = arith.index_cast %mul3A_837 : i32 to index
        %swap3A_840 = tpu.vector_load %arg5[%swap3A, %swap3A_838, %swap3A_839] {strides = array<i32>} : memref<4x8x2560xf32, #tpu.memory_space<vmem>>, vector<16xf32>,
        tpu.vector_store %arg5[%swap3A, %swap3A_838, %swap3A_839], %gather3A {strides = array<i32>} : memref<4x8x2560xf32, #tpu.memory_space<vmem>>, vector<16xf32>,
        %while3A_841 = arith.constant 0 : i32
        scf.yield %while3A_841 : i32
      }
      %while3A_810 = arith.constant 0 : i32
      %while3A_811 = arith.subi %select_n3A_91, %select_n3A_61 : i32
      %while3A_812 = arith.addi %select_n3A_61, %while3A_811 : i32
      %while3A_813 = arith.constant 1 : i32
      %while3A_814 = arith.divsi %while3A_811, %while3A_813 : i32
      %while3A_815 = arith.muli %while3A_814, %while3A_813 : i32
      %while3A_816 = arith.addi %select_n3A_61, %while3A_815 : i32
      %while3A_817 = arith.constant 1 : i32
      %while3A_818 = scf.for %while3A_834 = %select_n3A_61 to %while3A_816 step %while3A_817 iter_args(%while3A_835 = %while3A_810) -> (i32)  : i32 {
        %mul3A_836 = arith.constant 16 : i32
        %mul3A_837 = arith.muli %while3A_834, %mul3A_836 : i32
        %add3A_838 = arith.addi %sub3A_35, %mul3A_837 : i32
        %sub3A_839 = arith.constant 2047 : i32
        %sub3A_840 = arith.subi %add3A_838, %sub3A_839 : i32
        %add3A_841 = vector.broadcast %sub3A_840 : i32 to vector<16xi32>
        %add3A_842 = arith.addi %add3A_841, %iota3A : vector<16xi32>
        %jit3A_843 = arith.constant -128 : i32
        %jit3A_844 = arith.constant 128 : i32
        %max3A = vector.broadcast %jit3A_843 : i32 to vector<16xi32>
        %max3A_845 = arith.maxsi %max3A, %add3A_842 : vector<16xi32>
        %min3A = vector.broadcast %jit3A_844 : i32 to vector<16xi32>
        %min3A_846 = arith.minsi %min3A, %max3A_845 : vector<16xi32>
        %add3A_847 = arith.constant 128 : i32
        %add3A_848 = vector.broadcast %add3A_847 : i32 to vector<16xi32>
        %add3A_849 = arith.addi %min3A_846, %add3A_848 : vector<16xi32>
        %mul3A_850 = arith.constant 32 : i32
        %mul3A_851 = vector.broadcast %mul3A_850 : i32 to vector<16xi32>
        %mul3A_852 = arith.muli %add3A_849, %mul3A_851 : vector<16xi32>
        %add3A_853 = vector.broadcast %scan3A_744 : i32 to vector<16xi32>
        %add3A_854 = arith.addi %mul3A_852, %add3A_853 : vector<16xi32>
        %gather3A_855 = tpu.vector_load_idx %arg4[%add3A_854] : memref<8224xf32, #tpu.memory_space<vmem>>[vector<16xi32>], vector<16xf32>,
        %swap3A = arith.index_cast %select_n3A_769 : i32 to index
        %swap3A_856 = arith.index_cast %select_n3A_785 : i32 to index
        %swap3A_857 = arith.index_cast %mul3A_837 : i32 to index
        %swap3A_858 = tpu.vector_load %arg5[%swap3A, %swap3A_856, %swap3A_857] {strides = array<i32>} : memref<4x8x2560xf32, #tpu.memory_space<vmem>>, vector<16xf32>,
        tpu.vector_store %arg5[%swap3A, %swap3A_856, %swap3A_857], %gather3A_855 {strides = array<i32>} : memref<4x8x2560xf32, #tpu.memory_space<vmem>>, vector<16xf32>,
        %while3A_859 = arith.constant 0 : i32
        scf.yield %while3A_859 : i32
      }
      %while3A_819 = arith.constant 1 : i32
      %while3A_820 = scf.for %while3A_834 = %while3A_816 to %while3A_812 step %while3A_819 iter_args(%while3A_835 = %while3A_818) -> (i32)  : i32 {
        %mul3A_836 = arith.constant 16 : i32
        %mul3A_837 = arith.muli %while3A_834, %mul3A_836 : i32
        %add3A_838 = arith.addi %sub3A_35, %mul3A_837 : i32
        %sub3A_839 = arith.constant 2047 : i32
        %sub3A_840 = arith.subi %add3A_838, %sub3A_839 : i32
        %add3A_841 = vector.broadcast %sub3A_840 : i32 to vector<16xi32>
        %add3A_842 = arith.addi %add3A_841, %iota3A : vector<16xi32>
        %jit3A_843 = arith.constant -128 : i32
        %jit3A_844 = arith.constant 128 : i32
        %max3A = vector.broadcast %jit3A_843 : i32 to vector<16xi32>
        %max3A_845 = arith.maxsi %max3A, %add3A_842 : vector<16xi32>
        %min3A = vector.broadcast %jit3A_844 : i32 to vector<16xi32>
        %min3A_846 = arith.minsi %min3A, %max3A_845 : vector<16xi32>
        %add3A_847 = arith.constant 128 : i32
        %add3A_848 = vector.broadcast %add3A_847 : i32 to vector<16xi32>
        %add3A_849 = arith.addi %min3A_846, %add3A_848 : vector<16xi32>
        %mul3A_850 = arith.constant 32 : i32
        %mul3A_851 = vector.broadcast %mul3A_850 : i32 to vector<16xi32>
        %mul3A_852 = arith.muli %add3A_849, %mul3A_851 : vector<16xi32>
        %add3A_853 = vector.broadcast %scan3A_744 : i32 to vector<16xi32>
        %add3A_854 = arith.addi %mul3A_852, %add3A_853 : vector<16xi32>
        %gather3A_855 = tpu.vector_load_idx %arg4[%add3A_854] : memref<8224xf32, #tpu.memory_space<vmem>>[vector<16xi32>], vector<16xf32>,
        %swap3A = arith.index_cast %select_n3A_769 : i32 to index
        %swap3A_856 = arith.index_cast %select_n3A_785 : i32 to index
        %swap3A_857 = arith.index_cast %mul3A_837 : i32 to index
        %swap3A_858 = tpu.vector_load %arg5[%swap3A, %swap3A_856, %swap3A_857] {strides = array<i32>} : memref<4x8x2560xf32, #tpu.memory_space<vmem>>, vector<16xf32>,
        tpu.vector_store %arg5[%swap3A, %swap3A_856, %swap3A_857], %gather3A_855 {strides = array<i32>} : memref<4x8x2560xf32, #tpu.memory_space<vmem>>, vector<16xf32>,
        %while3A_859 = arith.constant 0 : i32
        scf.yield %while3A_859 : i32
      }
      %while3A_821 = arith.constant 160 : i32
      %while3A_822 = arith.constant 0 : i32
      %while3A_823 = arith.subi %while3A_821, %select_n3A_91 : i32
      %while3A_824 = arith.addi %select_n3A_91, %while3A_823 : i32
      %while3A_825 = arith.constant 1 : i32
      %while3A_826 = arith.divsi %while3A_823, %while3A_825 : i32
      %while3A_827 = arith.muli %while3A_826, %while3A_825 : i32
      %while3A_828 = arith.addi %select_n3A_91, %while3A_827 : i32
      %while3A_829 = arith.constant 1 : i32
      %while3A_830 = scf.for %while3A_834 = %select_n3A_91 to %while3A_828 step %while3A_829 iter_args(%while3A_835 = %while3A_822) -> (i32)  : i32 {
        %mul3A_836 = arith.constant 16 : i32
        %mul3A_837 = arith.muli %while3A_834, %mul3A_836 : i32
        %swap3A = arith.index_cast %select_n3A_769 : i32 to index
        %swap3A_838 = arith.index_cast %select_n3A_785 : i32 to index
        %swap3A_839 = arith.index_cast %mul3A_837 : i32 to index
        %swap3A_840 = tpu.vector_load %arg5[%swap3A, %swap3A_838, %swap3A_839] {strides = array<i32>} : memref<4x8x2560xf32, #tpu.memory_space<vmem>>, vector<16xf32>,
        tpu.vector_store %arg5[%swap3A, %swap3A_838, %swap3A_839], %gather3A_798 {strides = array<i32>} : memref<4x8x2560xf32, #tpu.memory_space<vmem>>, vector<16xf32>,
        %while3A_841 = arith.constant 0 : i32
        scf.yield %while3A_841 : i32
      }
      %while3A_831 = arith.constant 1 : i32
      %while3A_832 = scf.for %while3A_834 = %while3A_828 to %while3A_824 step %while3A_831 iter_args(%while3A_835 = %while3A_830) -> (i32)  : i32 {
        %mul3A_836 = arith.constant 16 : i32
        %mul3A_837 = arith.muli %while3A_834, %mul3A_836 : i32
        %swap3A = arith.index_cast %select_n3A_769 : i32 to index
        %swap3A_838 = arith.index_cast %select_n3A_785 : i32 to index
        %swap3A_839 = arith.index_cast %mul3A_837 : i32 to index
        %swap3A_840 = tpu.vector_load %arg5[%swap3A, %swap3A_838, %swap3A_839] {strides = array<i32>} : memref<4x8x2560xf32, #tpu.memory_space<vmem>>, vector<16xf32>,
        tpu.vector_store %arg5[%swap3A, %swap3A_838, %swap3A_839], %gather3A_798 {strides = array<i32>} : memref<4x8x2560xf32, #tpu.memory_space<vmem>>, vector<16xf32>,
        %while3A_841 = arith.constant 0 : i32
        scf.yield %while3A_841 : i32
      }
      %scan3A_833 = arith.constant 0 : i32
      scf.yield %scan3A_833 : i32
    }
    %scan3A_97 = arith.constant 32 : i32
    %scan3A_98 = arith.constant 0 : i32
    %scan3A_99 = arith.constant 0 : i32
    %scan3A_100 = arith.constant 64 : i32
    %scan3A_101 = arith.addi %scan3A_99, %scan3A_100 : i32
    %scan3A_102 = arith.constant 1 : i32
    %scan3A_103 = scf.for %scan3A_744 = %scan3A_99 to %scan3A_101 step %scan3A_102 iter_args(%scan3A_745 = %scan3A_98) -> (i32)  : i32 {
      %gt3A = arith.constant 1 : i32
      %gt3A_746 = arith.cmpi sgt, %scan3A_744, %gt3A : i32
      %convert_element_type3A = arith.extui %gt3A_746 : i1 to i32
      %cond3A = arith.constant 0 : i32
      %cond3A_747 = arith.cmpi ne, %convert_element_type3A, %cond3A : i32
      scf.if %cond3A_747 {
        %dma_wait3A_1062 = arith.constant 0 : i32
        %dma_wait3A_1063 = arith.constant 0 : i32
        %dma_wait3A_1064 = arith.constant 0 : i32
        %dma_wait3A_1065 = arith.constant 0 : i32
        %dma_wait3A_1066 = arith.constant 0 : i32
        %dma_wait3A_1067 = tpu.memref_slice %arg5[%dma_wait3A_1064, %dma_wait3A_1065, %dma_wait3A_1066] : memref<4x8x2560xf32, #tpu.memory_space<vmem>> -> memref<4x8x128xf32, #tpu.memory_space<vmem>>
        %dma_wait3A_1068 = arith.constant 0 : i32
        %dma_wait3A_1069 = arith.constant 0 : i32
        %dma_wait3A_1070 = arith.constant 0 : i32
        %dma_wait3A_1071 = tpu.memref_slice %arg3[%dma_wait3A_1062, %dma_wait3A_1068, %dma_wait3A_1063, %dma_wait3A_1069, %dma_wait3A_1070] : memref<2048x4x16x8x128xf32, #tpu.memory_space<hbm>> -> memref<1x4x1x8x128xf32, #tpu.memory_space<hbm>>
        %dma_wait3A_1072 = tpu.memref_squeeze %dma_wait3A_1071 : memref<1x4x1x8x128xf32, #tpu.memory_space<hbm>> -> memref<4x8x128xf32, #tpu.memory_space<hbm>>
        %dma_wait3A_1073 = arith.constant 0 : i32
        %dma_wait3A_1074 = arith.constant 0 : i32
        %dma_wait3A_1075 = arith.constant 0 : i32
        %dma_wait3A_1076 = tpu.memref_slice %arg3[%dma_wait3A_1062, %dma_wait3A_1073, %dma_wait3A_1063, %dma_wait3A_1074, %dma_wait3A_1075] : memref<2048x4x16x8x128xf32, #tpu.memory_space<hbm>> -> memref<1x4x1x8x128xf32, #tpu.memory_space<hbm>>
        %dma_wait3A_1077 = tpu.memref_squeeze %dma_wait3A_1076 : memref<1x4x1x8x128xf32, #tpu.memory_space<hbm>> -> memref<4x8x128xf32, #tpu.memory_space<hbm>>
        %dma_wait3A_1078 = arith.constant 0 : i32
        %dma_wait3A_1079 = arith.constant 0 : i32
        %dma_wait3A_1080 = arith.constant 0 : i32
        %dma_wait3A_1081 = tpu.memref_slice %arg5[%dma_wait3A_1078, %dma_wait3A_1079, %dma_wait3A_1080] : memref<4x8x2560xf32, #tpu.memory_space<vmem>> -> memref<4x8x128xf32, #tpu.memory_space<vmem>>
        tpu.wait_dma2 semaphore(%arg6 : memref<!tpu.dma_semaphore, #tpu.memory_space<semaphore_mem>>) src(%dma_wait3A_1081 : memref<4x8x128xf32, #tpu.memory_space<vmem>>) dst(%dma_wait3A_1077 : memref<4x8x128xf32, #tpu.memory_space<hbm>>)
        %dma_wait3A_1082 = arith.constant 0 : i32
        %dma_wait3A_1083 = arith.constant 0 : i32
        %dma_wait3A_1084 = arith.constant 0 : i32
        %dma_wait3A_1085 = arith.constant 0 : i32
        %dma_wait3A_1086 = arith.constant 0 : i32
        %dma_wait3A_1087 = tpu.memref_slice %arg5[%dma_wait3A_1084, %dma_wait3A_1085, %dma_wait3A_1086] : memref<4x8x2560xf32, #tpu.memory_space<vmem>> -> memref<4x8x128xf32, #tpu.memory_space<vmem>>
        %dma_wait3A_1088 = arith.constant 0 : i32
        %dma_wait3A_1089 = arith.constant 0 : i32
        %dma_wait3A_1090 = arith.constant 0 : i32
        %dma_wait3A_1091 = tpu.memref_slice %arg3[%dma_wait3A_1082, %dma_wait3A_1088, %dma_wait3A_1083, %dma_wait3A_1089, %dma_wait3A_1090] : memref<2048x4x16x8x128xf32, #tpu.memory_space<hbm>> -> memref<1x4x1x8x128xf32, #tpu.memory_space<hbm>>
        %dma_wait3A_1092 = tpu.memref_squeeze %dma_wait3A_1091 : memref<1x4x1x8x128xf32, #tpu.memory_space<hbm>> -> memref<4x8x128xf32, #tpu.memory_space<hbm>>
        %dma_wait3A_1093 = arith.constant 0 : i32
        %dma_wait3A_1094 = arith.constant 0 : i32
        %dma_wait3A_1095 = arith.constant 0 : i32
        %dma_wait3A_1096 = tpu.memref_slice %arg3[%dma_wait3A_1082, %dma_wait3A_1093, %dma_wait3A_1083, %dma_wait3A_1094, %dma_wait3A_1095] : memref<2048x4x16x8x128xf32, #tpu.memory_space<hbm>> -> memref<1x4x1x8x128xf32, #tpu.memory_space<hbm>>
        %dma_wait3A_1097 = tpu.memref_squeeze %dma_wait3A_1096 : memref<1x4x1x8x128xf32, #tpu.memory_space<hbm>> -> memref<4x8x128xf32, #tpu.memory_space<hbm>>
        %dma_wait3A_1098 = arith.constant 0 : i32
        %dma_wait3A_1099 = arith.constant 0 : i32
        %dma_wait3A_1100 = arith.constant 0 : i32
        %dma_wait3A_1101 = tpu.memref_slice %arg5[%dma_wait3A_1098, %dma_wait3A_1099, %dma_wait3A_1100] : memref<4x8x2560xf32, #tpu.memory_space<vmem>> -> memref<4x8x128xf32, #tpu.memory_space<vmem>>
        tpu.wait_dma2 semaphore(%arg6 : memref<!tpu.dma_semaphore, #tpu.memory_space<semaphore_mem>>) src(%dma_wait3A_1101 : memref<4x8x128xf32, #tpu.memory_space<vmem>>) dst(%dma_wait3A_1097 : memref<4x8x128xf32, #tpu.memory_space<hbm>>)
        %dma_wait3A_1102 = arith.constant 0 : i32
        %dma_wait3A_1103 = arith.constant 0 : i32
        %dma_wait3A_1104 = arith.constant 0 : i32
        %dma_wait3A_1105 = arith.constant 0 : i32
        %dma_wait3A_1106 = arith.constant 0 : i32
        %dma_wait3A_1107 = tpu.memref_slice %arg5[%dma_wait3A_1104, %dma_wait3A_1105, %dma_wait3A_1106] : memref<4x8x2560xf32, #tpu.memory_space<vmem>> -> memref<4x8x128xf32, #tpu.memory_space<vmem>>
        %dma_wait3A_1108 = arith.constant 0 : i32
        %dma_wait3A_1109 = arith.constant 0 : i32
        %dma_wait3A_1110 = arith.constant 0 : i32
        %dma_wait3A_1111 = tpu.memref_slice %arg3[%dma_wait3A_1102, %dma_wait3A_1108, %dma_wait3A_1103, %dma_wait3A_1109, %dma_wait3A_1110] : memref<2048x4x16x8x128xf32, #tpu.memory_space<hbm>> -> memref<1x4x1x8x128xf32, #tpu.memory_space<hbm>>
        %dma_wait3A_1112 = tpu.memref_squeeze %dma_wait3A_1111 : memref<1x4x1x8x128xf32, #tpu.memory_space<hbm>> -> memref<4x8x128xf32, #tpu.memory_space<hbm>>
        %dma_wait3A_1113 = arith.constant 0 : i32
        %dma_wait3A_1114 = arith.constant 0 : i32
        %dma_wait3A_1115 = arith.constant 0 : i32
        %dma_wait3A_1116 = tpu.memref_slice %arg3[%dma_wait3A_1102, %dma_wait3A_1113, %dma_wait3A_1103, %dma_wait3A_1114, %dma_wait3A_1115] : memref<2048x4x16x8x128xf32, #tpu.memory_space<hbm>> -> memref<1x4x1x8x128xf32, #tpu.memory_space<hbm>>
        %dma_wait3A_1117 = tpu.memref_squeeze %dma_wait3A_1116 : memref<1x4x1x8x128xf32, #tpu.memory_space<hbm>> -> memref<4x8x128xf32, #tpu.memory_space<hbm>>
        %dma_wait3A_1118 = arith.constant 0 : i32
        %dma_wait3A_1119 = arith.constant 0 : i32
        %dma_wait3A_1120 = arith.constant 0 : i32
        %dma_wait3A_1121 = tpu.memref_slice %arg5[%dma_wait3A_1118, %dma_wait3A_1119, %dma_wait3A_1120] : memref<4x8x2560xf32, #tpu.memory_space<vmem>> -> memref<4x8x128xf32, #tpu.memory_space<vmem>>
        tpu.wait_dma2 semaphore(%arg6 : memref<!tpu.dma_semaphore, #tpu.memory_space<semaphore_mem>>) src(%dma_wait3A_1121 : memref<4x8x128xf32, #tpu.memory_space<vmem>>) dst(%dma_wait3A_1117 : memref<4x8x128xf32, #tpu.memory_space<hbm>>)
        %dma_wait3A_1122 = arith.constant 0 : i32
        %dma_wait3A_1123 = arith.constant 0 : i32
        %dma_wait3A_1124 = arith.constant 0 : i32
        %dma_wait3A_1125 = arith.constant 0 : i32
        %dma_wait3A_1126 = arith.constant 0 : i32
        %dma_wait3A_1127 = tpu.memref_slice %arg5[%dma_wait3A_1124, %dma_wait3A_1125, %dma_wait3A_1126] : memref<4x8x2560xf32, #tpu.memory_space<vmem>> -> memref<4x8x128xf32, #tpu.memory_space<vmem>>
        %dma_wait3A_1128 = arith.constant 0 : i32
        %dma_wait3A_1129 = arith.constant 0 : i32
        %dma_wait3A_1130 = arith.constant 0 : i32
        %dma_wait3A_1131 = tpu.memref_slice %arg3[%dma_wait3A_1122, %dma_wait3A_1128, %dma_wait3A_1123, %dma_wait3A_1129, %dma_wait3A_1130] : memref<2048x4x16x8x128xf32, #tpu.memory_space<hbm>> -> memref<1x4x1x8x128xf32, #tpu.memory_space<hbm>>
        %dma_wait3A_1132 = tpu.memref_squeeze %dma_wait3A_1131 : memref<1x4x1x8x128xf32, #tpu.memory_space<hbm>> -> memref<4x8x128xf32, #tpu.memory_space<hbm>>
        %dma_wait3A_1133 = arith.constant 0 : i32
        %dma_wait3A_1134 = arith.constant 0 : i32
        %dma_wait3A_1135 = arith.constant 0 : i32
        %dma_wait3A_1136 = tpu.memref_slice %arg3[%dma_wait3A_1122, %dma_wait3A_1133, %dma_wait3A_1123, %dma_wait3A_1134, %dma_wait3A_1135] : memref<2048x4x16x8x128xf32, #tpu.memory_space<hbm>> -> memref<1x4x1x8x128xf32, #tpu.memory_space<hbm>>
        %dma_wait3A_1137 = tpu.memref_squeeze %dma_wait3A_1136 : memref<1x4x1x8x128xf32, #tpu.memory_space<hbm>> -> memref<4x8x128xf32, #tpu.memory_space<hbm>>
        %dma_wait3A_1138 = arith.constant 0 : i32
        %dma_wait3A_1139 = arith.constant 0 : i32
        %dma_wait3A_1140 = arith.constant 0 : i32
        %dma_wait3A_1141 = tpu.memref_slice %arg5[%dma_wait3A_1138, %dma_wait3A_1139, %dma_wait3A_1140] : memref<4x8x2560xf32, #tpu.memory_space<vmem>> -> memref<4x8x128xf32, #tpu.memory_space<vmem>>
        tpu.wait_dma2 semaphore(%arg6 : memref<!tpu.dma_semaphore, #tpu.memory_space<semaphore_mem>>) src(%dma_wait3A_1141 : memref<4x8x128xf32, #tpu.memory_space<vmem>>) dst(%dma_wait3A_1137 : memref<4x8x128xf32, #tpu.memory_space<hbm>>)
        %dma_wait3A_1142 = arith.constant 0 : i32
        %dma_wait3A_1143 = arith.constant 0 : i32
        %dma_wait3A_1144 = arith.constant 0 : i32
        %dma_wait3A_1145 = arith.constant 0 : i32
        %dma_wait3A_1146 = arith.constant 0 : i32
        %dma_wait3A_1147 = tpu.memref_slice %arg5[%dma_wait3A_1144, %dma_wait3A_1145, %dma_wait3A_1146] : memref<4x8x2560xf32, #tpu.memory_space<vmem>> -> memref<4x8x128xf32, #tpu.memory_space<vmem>>
        %dma_wait3A_1148 = arith.constant 0 : i32
        %dma_wait3A_1149 = arith.constant 0 : i32
        %dma_wait3A_1150 = arith.constant 0 : i32
        %dma_wait3A_1151 = tpu.memref_slice %arg3[%dma_wait3A_1142, %dma_wait3A_1148, %dma_wait3A_1143, %dma_wait3A_1149, %dma_wait3A_1150] : memref<2048x4x16x8x128xf32, #tpu.memory_space<hbm>> -> memref<1x4x1x8x128xf32, #tpu.memory_space<hbm>>
        %dma_wait3A_1152 = tpu.memref_squeeze %dma_wait3A_1151 : memref<1x4x1x8x128xf32, #tpu.memory_space<hbm>> -> memref<4x8x128xf32, #tpu.memory_space<hbm>>
        %dma_wait3A_1153 = arith.constant 0 : i32
        %dma_wait3A_1154 = arith.constant 0 : i32
        %dma_wait3A_1155 = arith.constant 0 : i32
        %dma_wait3A_1156 = tpu.memref_slice %arg3[%dma_wait3A_1142, %dma_wait3A_1153, %dma_wait3A_1143, %dma_wait3A_1154, %dma_wait3A_1155] : memref<2048x4x16x8x128xf32, #tpu.memory_space<hbm>> -> memref<1x4x1x8x128xf32, #tpu.memory_space<hbm>>
        %dma_wait3A_1157 = tpu.memref_squeeze %dma_wait3A_1156 : memref<1x4x1x8x128xf32, #tpu.memory_space<hbm>> -> memref<4x8x128xf32, #tpu.memory_space<hbm>>
        %dma_wait3A_1158 = arith.constant 0 : i32
        %dma_wait3A_1159 = arith.constant 0 : i32
        %dma_wait3A_1160 = arith.constant 0 : i32
        %dma_wait3A_1161 = tpu.memref_slice %arg5[%dma_wait3A_1158, %dma_wait3A_1159, %dma_wait3A_1160] : memref<4x8x2560xf32, #tpu.memory_space<vmem>> -> memref<4x8x128xf32, #tpu.memory_space<vmem>>
        tpu.wait_dma2 semaphore(%arg6 : memref<!tpu.dma_semaphore, #tpu.memory_space<semaphore_mem>>) src(%dma_wait3A_1161 : memref<4x8x128xf32, #tpu.memory_space<vmem>>) dst(%dma_wait3A_1157 : memref<4x8x128xf32, #tpu.memory_space<hbm>>)
        %dma_wait3A_1162 = arith.constant 0 : i32
        %dma_wait3A_1163 = arith.constant 0 : i32
        %dma_wait3A_1164 = arith.constant 0 : i32
        %dma_wait3A_1165 = arith.constant 0 : i32
        %dma_wait3A_1166 = arith.constant 0 : i32
        %dma_wait3A_1167 = tpu.memref_slice %arg5[%dma_wait3A_1164, %dma_wait3A_1165, %dma_wait3A_1166] : memref<4x8x2560xf32, #tpu.memory_space<vmem>> -> memref<4x8x128xf32, #tpu.memory_space<vmem>>
        %dma_wait3A_1168 = arith.constant 0 : i32
        %dma_wait3A_1169 = arith.constant 0 : i32
        %dma_wait3A_1170 = arith.constant 0 : i32
        %dma_wait3A_1171 = tpu.memref_slice %arg3[%dma_wait3A_1162, %dma_wait3A_1168, %dma_wait3A_1163, %dma_wait3A_1169, %dma_wait3A_1170] : memref<2048x4x16x8x128xf32, #tpu.memory_space<hbm>> -> memref<1x4x1x8x128xf32, #tpu.memory_space<hbm>>
        %dma_wait3A_1172 = tpu.memref_squeeze %dma_wait3A_1171 : memref<1x4x1x8x128xf32, #tpu.memory_space<hbm>> -> memref<4x8x128xf32, #tpu.memory_space<hbm>>
        %dma_wait3A_1173 = arith.constant 0 : i32
        %dma_wait3A_1174 = arith.constant 0 : i32
        %dma_wait3A_1175 = arith.constant 0 : i32
        %dma_wait3A_1176 = tpu.memref_slice %arg3[%dma_wait3A_1162, %dma_wait3A_1173, %dma_wait3A_1163, %dma_wait3A_1174, %dma_wait3A_1175] : memref<2048x4x16x8x128xf32, #tpu.memory_space<hbm>> -> memref<1x4x1x8x128xf32, #tpu.memory_space<hbm>>
        %dma_wait3A_1177 = tpu.memref_squeeze %dma_wait3A_1176 : memref<1x4x1x8x128xf32, #tpu.memory_space<hbm>> -> memref<4x8x128xf32, #tpu.memory_space<hbm>>
        %dma_wait3A_1178 = arith.constant 0 : i32
        %dma_wait3A_1179 = arith.constant 0 : i32
        %dma_wait3A_1180 = arith.constant 0 : i32
        %dma_wait3A_1181 = tpu.memref_slice %arg5[%dma_wait3A_1178, %dma_wait3A_1179, %dma_wait3A_1180] : memref<4x8x2560xf32, #tpu.memory_space<vmem>> -> memref<4x8x128xf32, #tpu.memory_space<vmem>>
        tpu.wait_dma2 semaphore(%arg6 : memref<!tpu.dma_semaphore, #tpu.memory_space<semaphore_mem>>) src(%dma_wait3A_1181 : memref<4x8x128xf32, #tpu.memory_space<vmem>>) dst(%dma_wait3A_1177 : memref<4x8x128xf32, #tpu.memory_space<hbm>>)
        %dma_wait3A_1182 = arith.constant 0 : i32
        %dma_wait3A_1183 = arith.constant 0 : i32
        %dma_wait3A_1184 = arith.constant 0 : i32
        %dma_wait3A_1185 = arith.constant 0 : i32
        %dma_wait3A_1186 = arith.constant 0 : i32
        %dma_wait3A_1187 = tpu.memref_slice %arg5[%dma_wait3A_1184, %dma_wait3A_1185, %dma_wait3A_1186] : memref<4x8x2560xf32, #tpu.memory_space<vmem>> -> memref<4x8x128xf32, #tpu.memory_space<vmem>>
        %dma_wait3A_1188 = arith.constant 0 : i32
        %dma_wait3A_1189 = arith.constant 0 : i32
        %dma_wait3A_1190 = arith.constant 0 : i32
        %dma_wait3A_1191 = tpu.memref_slice %arg3[%dma_wait3A_1182, %dma_wait3A_1188, %dma_wait3A_1183, %dma_wait3A_1189, %dma_wait3A_1190] : memref<2048x4x16x8x128xf32, #tpu.memory_space<hbm>> -> memref<1x4x1x8x128xf32, #tpu.memory_space<hbm>>
        %dma_wait3A_1192 = tpu.memref_squeeze %dma_wait3A_1191 : memref<1x4x1x8x128xf32, #tpu.memory_space<hbm>> -> memref<4x8x128xf32, #tpu.memory_space<hbm>>
        %dma_wait3A_1193 = arith.constant 0 : i32
        %dma_wait3A_1194 = arith.constant 0 : i32
        %dma_wait3A_1195 = arith.constant 0 : i32
        %dma_wait3A_1196 = tpu.memref_slice %arg3[%dma_wait3A_1182, %dma_wait3A_1193, %dma_wait3A_1183, %dma_wait3A_1194, %dma_wait3A_1195] : memref<2048x4x16x8x128xf32, #tpu.memory_space<hbm>> -> memref<1x4x1x8x128xf32, #tpu.memory_space<hbm>>
        %dma_wait3A_1197 = tpu.memref_squeeze %dma_wait3A_1196 : memref<1x4x1x8x128xf32, #tpu.memory_space<hbm>> -> memref<4x8x128xf32, #tpu.memory_space<hbm>>
        %dma_wait3A_1198 = arith.constant 0 : i32
        %dma_wait3A_1199 = arith.constant 0 : i32
        %dma_wait3A_1200 = arith.constant 0 : i32
        %dma_wait3A_1201 = tpu.memref_slice %arg5[%dma_wait3A_1198, %dma_wait3A_1199, %dma_wait3A_1200] : memref<4x8x2560xf32, #tpu.memory_space<vmem>> -> memref<4x8x128xf32, #tpu.memory_space<vmem>>
        tpu.wait_dma2 semaphore(%arg6 : memref<!tpu.dma_semaphore, #tpu.memory_space<semaphore_mem>>) src(%dma_wait3A_1201 : memref<4x8x128xf32, #tpu.memory_space<vmem>>) dst(%dma_wait3A_1197 : memref<4x8x128xf32, #tpu.memory_space<hbm>>)
        %dma_wait3A_1202 = arith.constant 0 : i32
        %dma_wait3A_1203 = arith.constant 0 : i32
        %dma_wait3A_1204 = arith.constant 0 : i32
        %dma_wait3A_1205 = arith.constant 0 : i32
        %dma_wait3A_1206 = arith.constant 0 : i32
        %dma_wait3A_1207 = tpu.memref_slice %arg5[%dma_wait3A_1204, %dma_wait3A_1205, %dma_wait3A_1206] : memref<4x8x2560xf32, #tpu.memory_space<vmem>> -> memref<4x8x128xf32, #tpu.memory_space<vmem>>
        %dma_wait3A_1208 = arith.constant 0 : i32
        %dma_wait3A_1209 = arith.constant 0 : i32
        %dma_wait3A_1210 = arith.constant 0 : i32
        %dma_wait3A_1211 = tpu.memref_slice %arg3[%dma_wait3A_1202, %dma_wait3A_1208, %dma_wait3A_1203, %dma_wait3A_1209, %dma_wait3A_1210] : memref<2048x4x16x8x128xf32, #tpu.memory_space<hbm>> -> memref<1x4x1x8x128xf32, #tpu.memory_space<hbm>>
        %dma_wait3A_1212 = tpu.memref_squeeze %dma_wait3A_1211 : memref<1x4x1x8x128xf32, #tpu.memory_space<hbm>> -> memref<4x8x128xf32, #tpu.memory_space<hbm>>
        %dma_wait3A_1213 = arith.constant 0 : i32
        %dma_wait3A_1214 = arith.constant 0 : i32
        %dma_wait3A_1215 = arith.constant 0 : i32
        %dma_wait3A_1216 = tpu.memref_slice %arg3[%dma_wait3A_1202, %dma_wait3A_1213, %dma_wait3A_1203, %dma_wait3A_1214, %dma_wait3A_1215] : memref<2048x4x16x8x128xf32, #tpu.memory_space<hbm>> -> memref<1x4x1x8x128xf32, #tpu.memory_space<hbm>>
        %dma_wait3A_1217 = tpu.memref_squeeze %dma_wait3A_1216 : memref<1x4x1x8x128xf32, #tpu.memory_space<hbm>> -> memref<4x8x128xf32, #tpu.memory_space<hbm>>
        %dma_wait3A_1218 = arith.constant 0 : i32
        %dma_wait3A_1219 = arith.constant 0 : i32
        %dma_wait3A_1220 = arith.constant 0 : i32
        %dma_wait3A_1221 = tpu.memref_slice %arg5[%dma_wait3A_1218, %dma_wait3A_1219, %dma_wait3A_1220] : memref<4x8x2560xf32, #tpu.memory_space<vmem>> -> memref<4x8x128xf32, #tpu.memory_space<vmem>>
        tpu.wait_dma2 semaphore(%arg6 : memref<!tpu.dma_semaphore, #tpu.memory_space<semaphore_mem>>) src(%dma_wait3A_1221 : memref<4x8x128xf32, #tpu.memory_space<vmem>>) dst(%dma_wait3A_1217 : memref<4x8x128xf32, #tpu.memory_space<hbm>>)
        %dma_wait3A_1222 = arith.constant 0 : i32
        %dma_wait3A_1223 = arith.constant 0 : i32
        %dma_wait3A_1224 = arith.constant 0 : i32
        %dma_wait3A_1225 = arith.constant 0 : i32
        %dma_wait3A_1226 = arith.constant 0 : i32
        %dma_wait3A_1227 = tpu.memref_slice %arg5[%dma_wait3A_1224, %dma_wait3A_1225, %dma_wait3A_1226] : memref<4x8x2560xf32, #tpu.memory_space<vmem>> -> memref<4x8x128xf32, #tpu.memory_space<vmem>>
        %dma_wait3A_1228 = arith.constant 0 : i32
        %dma_wait3A_1229 = arith.constant 0 : i32
        %dma_wait3A_1230 = arith.constant 0 : i32
        %dma_wait3A_1231 = tpu.memref_slice %arg3[%dma_wait3A_1222, %dma_wait3A_1228, %dma_wait3A_1223, %dma_wait3A_1229, %dma_wait3A_1230] : memref<2048x4x16x8x128xf32, #tpu.memory_space<hbm>> -> memref<1x4x1x8x128xf32, #tpu.memory_space<hbm>>
        %dma_wait3A_1232 = tpu.memref_squeeze %dma_wait3A_1231 : memref<1x4x1x8x128xf32, #tpu.memory_space<hbm>> -> memref<4x8x128xf32, #tpu.memory_space<hbm>>
        %dma_wait3A_1233 = arith.constant 0 : i32
        %dma_wait3A_1234 = arith.constant 0 : i32
        %dma_wait3A_1235 = arith.constant 0 : i32
        %dma_wait3A_1236 = tpu.memref_slice %arg3[%dma_wait3A_1222, %dma_wait3A_1233, %dma_wait3A_1223, %dma_wait3A_1234, %dma_wait3A_1235] : memref<2048x4x16x8x128xf32, #tpu.memory_space<hbm>> -> memref<1x4x1x8x128xf32, #tpu.memory_space<hbm>>
        %dma_wait3A_1237 = tpu.memref_squeeze %dma_wait3A_1236 : memref<1x4x1x8x128xf32, #tpu.memory_space<hbm>> -> memref<4x8x128xf32, #tpu.memory_space<hbm>>
        %dma_wait3A_1238 = arith.constant 0 : i32
        %dma_wait3A_1239 = arith.constant 0 : i32
        %dma_wait3A_1240 = arith.constant 0 : i32
        %dma_wait3A_1241 = tpu.memref_slice %arg5[%dma_wait3A_1238, %dma_wait3A_1239, %dma_wait3A_1240] : memref<4x8x2560xf32, #tpu.memory_space<vmem>> -> memref<4x8x128xf32, #tpu.memory_space<vmem>>
        tpu.wait_dma2 semaphore(%arg6 : memref<!tpu.dma_semaphore, #tpu.memory_space<semaphore_mem>>) src(%dma_wait3A_1241 : memref<4x8x128xf32, #tpu.memory_space<vmem>>) dst(%dma_wait3A_1237 : memref<4x8x128xf32, #tpu.memory_space<hbm>>)
        %dma_wait3A_1242 = arith.constant 0 : i32
        %dma_wait3A_1243 = arith.constant 0 : i32
        %dma_wait3A_1244 = arith.constant 0 : i32
        %dma_wait3A_1245 = arith.constant 0 : i32
        %dma_wait3A_1246 = arith.constant 0 : i32
        %dma_wait3A_1247 = tpu.memref_slice %arg5[%dma_wait3A_1244, %dma_wait3A_1245, %dma_wait3A_1246] : memref<4x8x2560xf32, #tpu.memory_space<vmem>> -> memref<4x8x128xf32, #tpu.memory_space<vmem>>
        %dma_wait3A_1248 = arith.constant 0 : i32
        %dma_wait3A_1249 = arith.constant 0 : i32
        %dma_wait3A_1250 = arith.constant 0 : i32
        %dma_wait3A_1251 = tpu.memref_slice %arg3[%dma_wait3A_1242, %dma_wait3A_1248, %dma_wait3A_1243, %dma_wait3A_1249, %dma_wait3A_1250] : memref<2048x4x16x8x128xf32, #tpu.memory_space<hbm>> -> memref<1x4x1x8x128xf32, #tpu.memory_space<hbm>>
        %dma_wait3A_1252 = tpu.memref_squeeze %dma_wait3A_1251 : memref<1x4x1x8x128xf32, #tpu.memory_space<hbm>> -> memref<4x8x128xf32, #tpu.memory_space<hbm>>
        %dma_wait3A_1253 = arith.constant 0 : i32
        %dma_wait3A_1254 = arith.constant 0 : i32
        %dma_wait3A_1255 = arith.constant 0 : i32
        %dma_wait3A_1256 = tpu.memref_slice %arg3[%dma_wait3A_1242, %dma_wait3A_1253, %dma_wait3A_1243, %dma_wait3A_1254, %dma_wait3A_1255] : memref<2048x4x16x8x128xf32, #tpu.memory_space<hbm>> -> memref<1x4x1x8x128xf32, #tpu.memory_space<hbm>>
        %dma_wait3A_1257 = tpu.memref_squeeze %dma_wait3A_1256 : memref<1x4x1x8x128xf32, #tpu.memory_space<hbm>> -> memref<4x8x128xf32, #tpu.memory_space<hbm>>
        %dma_wait3A_1258 = arith.constant 0 : i32
        %dma_wait3A_1259 = arith.constant 0 : i32
        %dma_wait3A_1260 = arith.constant 0 : i32
        %dma_wait3A_1261 = tpu.memref_slice %arg5[%dma_wait3A_1258, %dma_wait3A_1259, %dma_wait3A_1260] : memref<4x8x2560xf32, #tpu.memory_space<vmem>> -> memref<4x8x128xf32, #tpu.memory_space<vmem>>
        tpu.wait_dma2 semaphore(%arg6 : memref<!tpu.dma_semaphore, #tpu.memory_space<semaphore_mem>>) src(%dma_wait3A_1261 : memref<4x8x128xf32, #tpu.memory_space<vmem>>) dst(%dma_wait3A_1257 : memref<4x8x128xf32, #tpu.memory_space<hbm>>)
        %dma_wait3A_1262 = arith.constant 0 : i32
        %dma_wait3A_1263 = arith.constant 0 : i32
        %dma_wait3A_1264 = arith.constant 0 : i32
        %dma_wait3A_1265 = arith.constant 0 : i32
        %dma_wait3A_1266 = arith.constant 0 : i32
        %dma_wait3A_1267 = tpu.memref_slice %arg5[%dma_wait3A_1264, %dma_wait3A_1265, %dma_wait3A_1266] : memref<4x8x2560xf32, #tpu.memory_space<vmem>> -> memref<4x8x128xf32, #tpu.memory_space<vmem>>
        %dma_wait3A_1268 = arith.constant 0 : i32
        %dma_wait3A_1269 = arith.constant 0 : i32
        %dma_wait3A_1270 = arith.constant 0 : i32
        %dma_wait3A_1271 = tpu.memref_slice %arg3[%dma_wait3A_1262, %dma_wait3A_1268, %dma_wait3A_1263, %dma_wait3A_1269, %dma_wait3A_1270] : memref<2048x4x16x8x128xf32, #tpu.memory_space<hbm>> -> memref<1x4x1x8x128xf32, #tpu.memory_space<hbm>>
        %dma_wait3A_1272 = tpu.memref_squeeze %dma_wait3A_1271 : memref<1x4x1x8x128xf32, #tpu.memory_space<hbm>> -> memref<4x8x128xf32, #tpu.memory_space<hbm>>
        %dma_wait3A_1273 = arith.constant 0 : i32
        %dma_wait3A_1274 = arith.constant 0 : i32
        %dma_wait3A_1275 = arith.constant 0 : i32
        %dma_wait3A_1276 = tpu.memref_slice %arg3[%dma_wait3A_1262, %dma_wait3A_1273, %dma_wait3A_1263, %dma_wait3A_1274, %dma_wait3A_1275] : memref<2048x4x16x8x128xf32, #tpu.memory_space<hbm>> -> memref<1x4x1x8x128xf32, #tpu.memory_space<hbm>>
        %dma_wait3A_1277 = tpu.memref_squeeze %dma_wait3A_1276 : memref<1x4x1x8x128xf32, #tpu.memory_space<hbm>> -> memref<4x8x128xf32, #tpu.memory_space<hbm>>
        %dma_wait3A_1278 = arith.constant 0 : i32
        %dma_wait3A_1279 = arith.constant 0 : i32
        %dma_wait3A_1280 = arith.constant 0 : i32
        %dma_wait3A_1281 = tpu.memref_slice %arg5[%dma_wait3A_1278, %dma_wait3A_1279, %dma_wait3A_1280] : memref<4x8x2560xf32, #tpu.memory_space<vmem>> -> memref<4x8x128xf32, #tpu.memory_space<vmem>>
        tpu.wait_dma2 semaphore(%arg6 : memref<!tpu.dma_semaphore, #tpu.memory_space<semaphore_mem>>) src(%dma_wait3A_1281 : memref<4x8x128xf32, #tpu.memory_space<vmem>>) dst(%dma_wait3A_1277 : memref<4x8x128xf32, #tpu.memory_space<hbm>>)
        %dma_wait3A_1282 = arith.constant 0 : i32
        %dma_wait3A_1283 = arith.constant 0 : i32
        %dma_wait3A_1284 = arith.constant 0 : i32
        %dma_wait3A_1285 = arith.constant 0 : i32
        %dma_wait3A_1286 = arith.constant 0 : i32
        %dma_wait3A_1287 = tpu.memref_slice %arg5[%dma_wait3A_1284, %dma_wait3A_1285, %dma_wait3A_1286] : memref<4x8x2560xf32, #tpu.memory_space<vmem>> -> memref<4x8x128xf32, #tpu.memory_space<vmem>>
        %dma_wait3A_1288 = arith.constant 0 : i32
        %dma_wait3A_1289 = arith.constant 0 : i32
        %dma_wait3A_1290 = arith.constant 0 : i32
        %dma_wait3A_1291 = tpu.memref_slice %arg3[%dma_wait3A_1282, %dma_wait3A_1288, %dma_wait3A_1283, %dma_wait3A_1289, %dma_wait3A_1290] : memref<2048x4x16x8x128xf32, #tpu.memory_space<hbm>> -> memref<1x4x1x8x128xf32, #tpu.memory_space<hbm>>
        %dma_wait3A_1292 = tpu.memref_squeeze %dma_wait3A_1291 : memref<1x4x1x8x128xf32, #tpu.memory_space<hbm>> -> memref<4x8x128xf32, #tpu.memory_space<hbm>>
        %dma_wait3A_1293 = arith.constant 0 : i32
        %dma_wait3A_1294 = arith.constant 0 : i32
        %dma_wait3A_1295 = arith.constant 0 : i32
        %dma_wait3A_1296 = tpu.memref_slice %arg3[%dma_wait3A_1282, %dma_wait3A_1293, %dma_wait3A_1283, %dma_wait3A_1294, %dma_wait3A_1295] : memref<2048x4x16x8x128xf32, #tpu.memory_space<hbm>> -> memref<1x4x1x8x128xf32, #tpu.memory_space<hbm>>
        %dma_wait3A_1297 = tpu.memref_squeeze %dma_wait3A_1296 : memref<1x4x1x8x128xf32, #tpu.memory_space<hbm>> -> memref<4x8x128xf32, #tpu.memory_space<hbm>>
        %dma_wait3A_1298 = arith.constant 0 : i32
        %dma_wait3A_1299 = arith.constant 0 : i32
        %dma_wait3A_1300 = arith.constant 0 : i32
        %dma_wait3A_1301 = tpu.memref_slice %arg5[%dma_wait3A_1298, %dma_wait3A_1299, %dma_wait3A_1300] : memref<4x8x2560xf32, #tpu.memory_space<vmem>> -> memref<4x8x128xf32, #tpu.memory_space<vmem>>
        tpu.wait_dma2 semaphore(%arg6 : memref<!tpu.dma_semaphore, #tpu.memory_space<semaphore_mem>>) src(%dma_wait3A_1301 : memref<4x8x128xf32, #tpu.memory_space<vmem>>) dst(%dma_wait3A_1297 : memref<4x8x128xf32, #tpu.memory_space<hbm>>)
        %dma_wait3A_1302 = arith.constant 0 : i32
        %dma_wait3A_1303 = arith.constant 0 : i32
        %dma_wait3A_1304 = arith.constant 0 : i32
        %dma_wait3A_1305 = arith.constant 0 : i32
        %dma_wait3A_1306 = arith.constant 0 : i32
        %dma_wait3A_1307 = tpu.memref_slice %arg5[%dma_wait3A_1304, %dma_wait3A_1305, %dma_wait3A_1306] : memref<4x8x2560xf32, #tpu.memory_space<vmem>> -> memref<4x8x128xf32, #tpu.memory_space<vmem>>
        %dma_wait3A_1308 = arith.constant 0 : i32
        %dma_wait3A_1309 = arith.constant 0 : i32
        %dma_wait3A_1310 = arith.constant 0 : i32
        %dma_wait3A_1311 = tpu.memref_slice %arg3[%dma_wait3A_1302, %dma_wait3A_1308, %dma_wait3A_1303, %dma_wait3A_1309, %dma_wait3A_1310] : memref<2048x4x16x8x128xf32, #tpu.memory_space<hbm>> -> memref<1x4x1x8x128xf32, #tpu.memory_space<hbm>>
        %dma_wait3A_1312 = tpu.memref_squeeze %dma_wait3A_1311 : memref<1x4x1x8x128xf32, #tpu.memory_space<hbm>> -> memref<4x8x128xf32, #tpu.memory_space<hbm>>
        %dma_wait3A_1313 = arith.constant 0 : i32
        %dma_wait3A_1314 = arith.constant 0 : i32
        %dma_wait3A_1315 = arith.constant 0 : i32
        %dma_wait3A_1316 = tpu.memref_slice %arg3[%dma_wait3A_1302, %dma_wait3A_1313, %dma_wait3A_1303, %dma_wait3A_1314, %dma_wait3A_1315] : memref<2048x4x16x8x128xf32, #tpu.memory_space<hbm>> -> memref<1x4x1x8x128xf32, #tpu.memory_space<hbm>>
        %dma_wait3A_1317 = tpu.memref_squeeze %dma_wait3A_1316 : memref<1x4x1x8x128xf32, #tpu.memory_space<hbm>> -> memref<4x8x128xf32, #tpu.memory_space<hbm>>
        %dma_wait3A_1318 = arith.constant 0 : i32
        %dma_wait3A_1319 = arith.constant 0 : i32
        %dma_wait3A_1320 = arith.constant 0 : i32
        %dma_wait3A_1321 = tpu.memref_slice %arg5[%dma_wait3A_1318, %dma_wait3A_1319, %dma_wait3A_1320] : memref<4x8x2560xf32, #tpu.memory_space<vmem>> -> memref<4x8x128xf32, #tpu.memory_space<vmem>>
        tpu.wait_dma2 semaphore(%arg6 : memref<!tpu.dma_semaphore, #tpu.memory_space<semaphore_mem>>) src(%dma_wait3A_1321 : memref<4x8x128xf32, #tpu.memory_space<vmem>>) dst(%dma_wait3A_1317 : memref<4x8x128xf32, #tpu.memory_space<hbm>>)
        %dma_wait3A_1322 = arith.constant 0 : i32
        %dma_wait3A_1323 = arith.constant 0 : i32
        %dma_wait3A_1324 = arith.constant 0 : i32
        %dma_wait3A_1325 = arith.constant 0 : i32
        %dma_wait3A_1326 = arith.constant 0 : i32
        %dma_wait3A_1327 = tpu.memref_slice %arg5[%dma_wait3A_1324, %dma_wait3A_1325, %dma_wait3A_1326] : memref<4x8x2560xf32, #tpu.memory_space<vmem>> -> memref<4x8x128xf32, #tpu.memory_space<vmem>>
        %dma_wait3A_1328 = arith.constant 0 : i32
        %dma_wait3A_1329 = arith.constant 0 : i32
        %dma_wait3A_1330 = arith.constant 0 : i32
        %dma_wait3A_1331 = tpu.memref_slice %arg3[%dma_wait3A_1322, %dma_wait3A_1328, %dma_wait3A_1323, %dma_wait3A_1329, %dma_wait3A_1330] : memref<2048x4x16x8x128xf32, #tpu.memory_space<hbm>> -> memref<1x4x1x8x128xf32, #tpu.memory_space<hbm>>
        %dma_wait3A_1332 = tpu.memref_squeeze %dma_wait3A_1331 : memref<1x4x1x8x128xf32, #tpu.memory_space<hbm>> -> memref<4x8x128xf32, #tpu.memory_space<hbm>>
        %dma_wait3A_1333 = arith.constant 0 : i32
        %dma_wait3A_1334 = arith.constant 0 : i32
        %dma_wait3A_1335 = arith.constant 0 : i32
        %dma_wait3A_1336 = tpu.memref_slice %arg3[%dma_wait3A_1322, %dma_wait3A_1333, %dma_wait3A_1323, %dma_wait3A_1334, %dma_wait3A_1335] : memref<2048x4x16x8x128xf32, #tpu.memory_space<hbm>> -> memref<1x4x1x8x128xf32, #tpu.memory_space<hbm>>
        %dma_wait3A_1337 = tpu.memref_squeeze %dma_wait3A_1336 : memref<1x4x1x8x128xf32, #tpu.memory_space<hbm>> -> memref<4x8x128xf32, #tpu.memory_space<hbm>>
        %dma_wait3A_1338 = arith.constant 0 : i32
        %dma_wait3A_1339 = arith.constant 0 : i32
        %dma_wait3A_1340 = arith.constant 0 : i32
        %dma_wait3A_1341 = tpu.memref_slice %arg5[%dma_wait3A_1338, %dma_wait3A_1339, %dma_wait3A_1340] : memref<4x8x2560xf32, #tpu.memory_space<vmem>> -> memref<4x8x128xf32, #tpu.memory_space<vmem>>
        tpu.wait_dma2 semaphore(%arg6 : memref<!tpu.dma_semaphore, #tpu.memory_space<semaphore_mem>>) src(%dma_wait3A_1341 : memref<4x8x128xf32, #tpu.memory_space<vmem>>) dst(%dma_wait3A_1337 : memref<4x8x128xf32, #tpu.memory_space<hbm>>)
        %dma_wait3A_1342 = arith.constant 0 : i32
        %dma_wait3A_1343 = arith.constant 0 : i32
        %dma_wait3A_1344 = arith.constant 0 : i32
        %dma_wait3A_1345 = arith.constant 0 : i32
        %dma_wait3A_1346 = arith.constant 0 : i32
        %dma_wait3A_1347 = tpu.memref_slice %arg5[%dma_wait3A_1344, %dma_wait3A_1345, %dma_wait3A_1346] : memref<4x8x2560xf32, #tpu.memory_space<vmem>> -> memref<4x8x128xf32, #tpu.memory_space<vmem>>
        %dma_wait3A_1348 = arith.constant 0 : i32
        %dma_wait3A_1349 = arith.constant 0 : i32
        %dma_wait3A_1350 = arith.constant 0 : i32
        %dma_wait3A_1351 = tpu.memref_slice %arg3[%dma_wait3A_1342, %dma_wait3A_1348, %dma_wait3A_1343, %dma_wait3A_1349, %dma_wait3A_1350] : memref<2048x4x16x8x128xf32, #tpu.memory_space<hbm>> -> memref<1x4x1x8x128xf32, #tpu.memory_space<hbm>>
        %dma_wait3A_1352 = tpu.memref_squeeze %dma_wait3A_1351 : memref<1x4x1x8x128xf32, #tpu.memory_space<hbm>> -> memref<4x8x128xf32, #tpu.memory_space<hbm>>
        %dma_wait3A_1353 = arith.constant 0 : i32
        %dma_wait3A_1354 = arith.constant 0 : i32
        %dma_wait3A_1355 = arith.constant 0 : i32
        %dma_wait3A_1356 = tpu.memref_slice %arg3[%dma_wait3A_1342, %dma_wait3A_1353, %dma_wait3A_1343, %dma_wait3A_1354, %dma_wait3A_1355] : memref<2048x4x16x8x128xf32, #tpu.memory_space<hbm>> -> memref<1x4x1x8x128xf32, #tpu.memory_space<hbm>>
        %dma_wait3A_1357 = tpu.memref_squeeze %dma_wait3A_1356 : memref<1x4x1x8x128xf32, #tpu.memory_space<hbm>> -> memref<4x8x128xf32, #tpu.memory_space<hbm>>
        %dma_wait3A_1358 = arith.constant 0 : i32
        %dma_wait3A_1359 = arith.constant 0 : i32
        %dma_wait3A_1360 = arith.constant 0 : i32
        %dma_wait3A_1361 = tpu.memref_slice %arg5[%dma_wait3A_1358, %dma_wait3A_1359, %dma_wait3A_1360] : memref<4x8x2560xf32, #tpu.memory_space<vmem>> -> memref<4x8x128xf32, #tpu.memory_space<vmem>>
        tpu.wait_dma2 semaphore(%arg6 : memref<!tpu.dma_semaphore, #tpu.memory_space<semaphore_mem>>) src(%dma_wait3A_1361 : memref<4x8x128xf32, #tpu.memory_space<vmem>>) dst(%dma_wait3A_1357 : memref<4x8x128xf32, #tpu.memory_space<hbm>>)
        %dma_wait3A_1362 = arith.constant 0 : i32
        %dma_wait3A_1363 = arith.constant 0 : i32
        %dma_wait3A_1364 = arith.constant 0 : i32
        %dma_wait3A_1365 = arith.constant 0 : i32
        %dma_wait3A_1366 = arith.constant 0 : i32
        %dma_wait3A_1367 = tpu.memref_slice %arg5[%dma_wait3A_1364, %dma_wait3A_1365, %dma_wait3A_1366] : memref<4x8x2560xf32, #tpu.memory_space<vmem>> -> memref<4x8x128xf32, #tpu.memory_space<vmem>>
        %dma_wait3A_1368 = arith.constant 0 : i32
        %dma_wait3A_1369 = arith.constant 0 : i32
        %dma_wait3A_1370 = arith.constant 0 : i32
        %dma_wait3A_1371 = tpu.memref_slice %arg3[%dma_wait3A_1362, %dma_wait3A_1368, %dma_wait3A_1363, %dma_wait3A_1369, %dma_wait3A_1370] : memref<2048x4x16x8x128xf32, #tpu.memory_space<hbm>> -> memref<1x4x1x8x128xf32, #tpu.memory_space<hbm>>
        %dma_wait3A_1372 = tpu.memref_squeeze %dma_wait3A_1371 : memref<1x4x1x8x128xf32, #tpu.memory_space<hbm>> -> memref<4x8x128xf32, #tpu.memory_space<hbm>>
        %dma_wait3A_1373 = arith.constant 0 : i32
        %dma_wait3A_1374 = arith.constant 0 : i32
        %dma_wait3A_1375 = arith.constant 0 : i32
        %dma_wait3A_1376 = tpu.memref_slice %arg3[%dma_wait3A_1362, %dma_wait3A_1373, %dma_wait3A_1363, %dma_wait3A_1374, %dma_wait3A_1375] : memref<2048x4x16x8x128xf32, #tpu.memory_space<hbm>> -> memref<1x4x1x8x128xf32, #tpu.memory_space<hbm>>
        %dma_wait3A_1377 = tpu.memref_squeeze %dma_wait3A_1376 : memref<1x4x1x8x128xf32, #tpu.memory_space<hbm>> -> memref<4x8x128xf32, #tpu.memory_space<hbm>>
        %dma_wait3A_1378 = arith.constant 0 : i32
        %dma_wait3A_1379 = arith.constant 0 : i32
        %dma_wait3A_1380 = arith.constant 0 : i32
        %dma_wait3A_1381 = tpu.memref_slice %arg5[%dma_wait3A_1378, %dma_wait3A_1379, %dma_wait3A_1380] : memref<4x8x2560xf32, #tpu.memory_space<vmem>> -> memref<4x8x128xf32, #tpu.memory_space<vmem>>
        tpu.wait_dma2 semaphore(%arg6 : memref<!tpu.dma_semaphore, #tpu.memory_space<semaphore_mem>>) src(%dma_wait3A_1381 : memref<4x8x128xf32, #tpu.memory_space<vmem>>) dst(%dma_wait3A_1377 : memref<4x8x128xf32, #tpu.memory_space<hbm>>)
      } else {
      }
      %mul3A_748 = arith.constant 512 : i32
      %mul3A_749 = arith.muli %mul3A_748, %select_n3A_30 : i32
      %add3A_750 = arith.addi %select_n3A_9, %mul3A_749 : i32
      %mul3A_751 = arith.constant 8 : i32
      %mul3A_752 = arith.muli %mul3A_751, %scan3A_744 : i32
      %add3A_753 = arith.addi %add3A_750, %mul3A_752 : i32
      %sub3A_754 = arith.constant 63 : i32
      %sub3A_755 = arith.subi %sub3A_754, %scan3A_744 : i32
      %mul3A_756 = arith.constant 8 : i32
      %mul3A_757 = arith.muli %mul3A_756, %sub3A_755 : i32
      %add3A_758 = arith.constant 0 : i32
      %add3A_759 = arith.addi %mul3A_757, %add3A_758 : i32
      %dma_start3A = arith.constant 0 : i32
      %dma_start3A_760 = arith.constant 0 : i32
      %dma_start3A_761 = arith.constant 0 : i32
      %dma_start3A_762 = tpu.memref_slice %arg5[%dma_start3A_760, %dma_start3A_761, %add3A_759] : memref<4x8x2560xf32, #tpu.memory_space<vmem>> -> memref<4x8x128xf32, #tpu.memory_space<vmem>>
      %dma_start3A_763 = arith.constant 0 : i32
      %dma_start3A_764 = arith.constant 0 : i32
      %dma_start3A_765 = arith.constant 0 : i32
      %dma_start3A_766 = tpu.memref_slice %arg3[%add3A_753, %dma_start3A_763, %dma_start3A, %dma_start3A_764, %dma_start3A_765] : memref<2048x4x16x8x128xf32, #tpu.memory_space<hbm>> -> memref<1x4x1x8x128xf32, #tpu.memory_space<hbm>>
      %dma_start3A_767 = tpu.memref_squeeze %dma_start3A_766 : memref<1x4x1x8x128xf32, #tpu.memory_space<hbm>> -> memref<4x8x128xf32, #tpu.memory_space<hbm>>
      %dma_start3A_768 = arith.constant 0 : i32
      %dma_start3A_769 = arith.constant 0 : i32
      %dma_start3A_770 = arith.constant 0 : i32
      %dma_start3A_771 = tpu.memref_slice %arg3[%add3A_753, %dma_start3A_768, %dma_start3A, %dma_start3A_769, %dma_start3A_770] : memref<2048x4x16x8x128xf32, #tpu.memory_space<hbm>> -> memref<1x4x1x8x128xf32, #tpu.memory_space<hbm>>
      %dma_start3A_772 = tpu.memref_squeeze %dma_start3A_771 : memref<1x4x1x8x128xf32, #tpu.memory_space<hbm>> -> memref<4x8x128xf32, #tpu.memory_space<hbm>>
      %dma_start3A_773 = arith.constant 0 : i32
      %dma_start3A_774 = arith.constant 0 : i32
      %dma_start3A_775 = tpu.memref_slice %arg5[%dma_start3A_773, %dma_start3A_774, %add3A_759] : memref<4x8x2560xf32, #tpu.memory_space<vmem>> -> memref<4x8x128xf32, #tpu.memory_space<vmem>>
      tpu.enqueue_dma source(%dma_start3A_775 : memref<4x8x128xf32, #tpu.memory_space<vmem>>) target(%dma_start3A_772 : memref<4x8x128xf32, #tpu.memory_space<hbm>>) target_semaphore(%arg6 : memref<!tpu.dma_semaphore, #tpu.memory_space<semaphore_mem>>)
      %add3A_776 = arith.constant 128 : i32
      %add3A_777 = arith.addi %mul3A_757, %add3A_776 : i32
      %dma_start3A_778 = arith.constant 1 : i32
      %dma_start3A_779 = arith.constant 0 : i32
      %dma_start3A_780 = arith.constant 0 : i32
      %dma_start3A_781 = tpu.memref_slice %arg5[%dma_start3A_779, %dma_start3A_780, %add3A_777] : memref<4x8x2560xf32, #tpu.memory_space<vmem>> -> memref<4x8x128xf32, #tpu.memory_space<vmem>>
      %dma_start3A_782 = arith.constant 0 : i32
      %dma_start3A_783 = arith.constant 0 : i32
      %dma_start3A_784 = arith.constant 0 : i32
      %dma_start3A_785 = tpu.memref_slice %arg3[%add3A_753, %dma_start3A_782, %dma_start3A_778, %dma_start3A_783, %dma_start3A_784] : memref<2048x4x16x8x128xf32, #tpu.memory_space<hbm>> -> memref<1x4x1x8x128xf32, #tpu.memory_space<hbm>>
      %dma_start3A_786 = tpu.memref_squeeze %dma_start3A_785 : memref<1x4x1x8x128xf32, #tpu.memory_space<hbm>> -> memref<4x8x128xf32, #tpu.memory_space<hbm>>
      %dma_start3A_787 = arith.constant 0 : i32
      %dma_start3A_788 = arith.constant 0 : i32
      %dma_start3A_789 = arith.constant 0 : i32
      %dma_start3A_790 = tpu.memref_slice %arg3[%add3A_753, %dma_start3A_787, %dma_start3A_778, %dma_start3A_788, %dma_start3A_789] : memref<2048x4x16x8x128xf32, #tpu.memory_space<hbm>> -> memref<1x4x1x8x128xf32, #tpu.memory_space<hbm>>
      %dma_start3A_791 = tpu.memref_squeeze %dma_start3A_790 : memref<1x4x1x8x128xf32, #tpu.memory_space<hbm>> -> memref<4x8x128xf32, #tpu.memory_space<hbm>>
      %dma_start3A_792 = arith.constant 0 : i32
      %dma_start3A_793 = arith.constant 0 : i32
      %dma_start3A_794 = tpu.memref_slice %arg5[%dma_start3A_792, %dma_start3A_793, %add3A_777] : memref<4x8x2560xf32, #tpu.memory_space<vmem>> -> memref<4x8x128xf32, #tpu.memory_space<vmem>>
      tpu.enqueue_dma source(%dma_start3A_794 : memref<4x8x128xf32, #tpu.memory_space<vmem>>) target(%dma_start3A_791 : memref<4x8x128xf32, #tpu.memory_space<hbm>>) target_semaphore(%arg6 : memref<!tpu.dma_semaphore, #tpu.memory_space<semaphore_mem>>)
      %add3A_795 = arith.constant 256 : i32
      %add3A_796 = arith.addi %mul3A_757, %add3A_795 : i32
      %dma_start3A_797 = arith.constant 2 : i32
      %dma_start3A_798 = arith.constant 0 : i32
      %dma_start3A_799 = arith.constant 0 : i32
      %dma_start3A_800 = tpu.memref_slice %arg5[%dma_start3A_798, %dma_start3A_799, %add3A_796] : memref<4x8x2560xf32, #tpu.memory_space<vmem>> -> memref<4x8x128xf32, #tpu.memory_space<vmem>>
      %dma_start3A_801 = arith.constant 0 : i32
      %dma_start3A_802 = arith.constant 0 : i32
      %dma_start3A_803 = arith.constant 0 : i32
      %dma_start3A_804 = tpu.memref_slice %arg3[%add3A_753, %dma_start3A_801, %dma_start3A_797, %dma_start3A_802, %dma_start3A_803] : memref<2048x4x16x8x128xf32, #tpu.memory_space<hbm>> -> memref<1x4x1x8x128xf32, #tpu.memory_space<hbm>>
      %dma_start3A_805 = tpu.memref_squeeze %dma_start3A_804 : memref<1x4x1x8x128xf32, #tpu.memory_space<hbm>> -> memref<4x8x128xf32, #tpu.memory_space<hbm>>
      %dma_start3A_806 = arith.constant 0 : i32
      %dma_start3A_807 = arith.constant 0 : i32
      %dma_start3A_808 = arith.constant 0 : i32
      %dma_start3A_809 = tpu.memref_slice %arg3[%add3A_753, %dma_start3A_806, %dma_start3A_797, %dma_start3A_807, %dma_start3A_808] : memref<2048x4x16x8x128xf32, #tpu.memory_space<hbm>> -> memref<1x4x1x8x128xf32, #tpu.memory_space<hbm>>
      %dma_start3A_810 = tpu.memref_squeeze %dma_start3A_809 : memref<1x4x1x8x128xf32, #tpu.memory_space<hbm>> -> memref<4x8x128xf32, #tpu.memory_space<hbm>>
      %dma_start3A_811 = arith.constant 0 : i32
      %dma_start3A_812 = arith.constant 0 : i32
      %dma_start3A_813 = tpu.memref_slice %arg5[%dma_start3A_811, %dma_start3A_812, %add3A_796] : memref<4x8x2560xf32, #tpu.memory_space<vmem>> -> memref<4x8x128xf32, #tpu.memory_space<vmem>>
      tpu.enqueue_dma source(%dma_start3A_813 : memref<4x8x128xf32, #tpu.memory_space<vmem>>) target(%dma_start3A_810 : memref<4x8x128xf32, #tpu.memory_space<hbm>>) target_semaphore(%arg6 : memref<!tpu.dma_semaphore, #tpu.memory_space<semaphore_mem>>)
      %add3A_814 = arith.constant 384 : i32
      %add3A_815 = arith.addi %mul3A_757, %add3A_814 : i32
      %dma_start3A_816 = arith.constant 3 : i32
      %dma_start3A_817 = arith.constant 0 : i32
      %dma_start3A_818 = arith.constant 0 : i32
      %dma_start3A_819 = tpu.memref_slice %arg5[%dma_start3A_817, %dma_start3A_818, %add3A_815] : memref<4x8x2560xf32, #tpu.memory_space<vmem>> -> memref<4x8x128xf32, #tpu.memory_space<vmem>>
      %dma_start3A_820 = arith.constant 0 : i32
      %dma_start3A_821 = arith.constant 0 : i32
      %dma_start3A_822 = arith.constant 0 : i32
      %dma_start3A_823 = tpu.memref_slice %arg3[%add3A_753, %dma_start3A_820, %dma_start3A_816, %dma_start3A_821, %dma_start3A_822] : memref<2048x4x16x8x128xf32, #tpu.memory_space<hbm>> -> memref<1x4x1x8x128xf32, #tpu.memory_space<hbm>>
      %dma_start3A_824 = tpu.memref_squeeze %dma_start3A_823 : memref<1x4x1x8x128xf32, #tpu.memory_space<hbm>> -> memref<4x8x128xf32, #tpu.memory_space<hbm>>
      %dma_start3A_825 = arith.constant 0 : i32
      %dma_start3A_826 = arith.constant 0 : i32
      %dma_start3A_827 = arith.constant 0 : i32
      %dma_start3A_828 = tpu.memref_slice %arg3[%add3A_753, %dma_start3A_825, %dma_start3A_816, %dma_start3A_826, %dma_start3A_827] : memref<2048x4x16x8x128xf32, #tpu.memory_space<hbm>> -> memref<1x4x1x8x128xf32, #tpu.memory_space<hbm>>
      %dma_start3A_829 = tpu.memref_squeeze %dma_start3A_828 : memref<1x4x1x8x128xf32, #tpu.memory_space<hbm>> -> memref<4x8x128xf32, #tpu.memory_space<hbm>>
      %dma_start3A_830 = arith.constant 0 : i32
      %dma_start3A_831 = arith.constant 0 : i32
      %dma_start3A_832 = tpu.memref_slice %arg5[%dma_start3A_830, %dma_start3A_831, %add3A_815] : memref<4x8x2560xf32, #tpu.memory_space<vmem>> -> memref<4x8x128xf32, #tpu.memory_space<vmem>>
      tpu.enqueue_dma source(%dma_start3A_832 : memref<4x8x128xf32, #tpu.memory_space<vmem>>) target(%dma_start3A_829 : memref<4x8x128xf32, #tpu.memory_space<hbm>>) target_semaphore(%arg6 : memref<!tpu.dma_semaphore, #tpu.memory_space<semaphore_mem>>)
      %add3A_833 = arith.constant 512 : i32
      %add3A_834 = arith.addi %mul3A_757, %add3A_833 : i32
      %dma_start3A_835 = arith.constant 4 : i32
      %dma_start3A_836 = arith.constant 0 : i32
      %dma_start3A_837 = arith.constant 0 : i32
      %dma_start3A_838 = tpu.memref_slice %arg5[%dma_start3A_836, %dma_start3A_837, %add3A_834] : memref<4x8x2560xf32, #tpu.memory_space<vmem>> -> memref<4x8x128xf32, #tpu.memory_space<vmem>>
      %dma_start3A_839 = arith.constant 0 : i32
      %dma_start3A_840 = arith.constant 0 : i32
      %dma_start3A_841 = arith.constant 0 : i32
      %dma_start3A_842 = tpu.memref_slice %arg3[%add3A_753, %dma_start3A_839, %dma_start3A_835, %dma_start3A_840, %dma_start3A_841] : memref<2048x4x16x8x128xf32, #tpu.memory_space<hbm>> -> memref<1x4x1x8x128xf32, #tpu.memory_space<hbm>>
      %dma_start3A_843 = tpu.memref_squeeze %dma_start3A_842 : memref<1x4x1x8x128xf32, #tpu.memory_space<hbm>> -> memref<4x8x128xf32, #tpu.memory_space<hbm>>
      %dma_start3A_844 = arith.constant 0 : i32
      %dma_start3A_845 = arith.constant 0 : i32
      %dma_start3A_846 = arith.constant 0 : i32
      %dma_start3A_847 = tpu.memref_slice %arg3[%add3A_753, %dma_start3A_844, %dma_start3A_835, %dma_start3A_845, %dma_start3A_846] : memref<2048x4x16x8x128xf32, #tpu.memory_space<hbm>> -> memref<1x4x1x8x128xf32, #tpu.memory_space<hbm>>
      %dma_start3A_848 = tpu.memref_squeeze %dma_start3A_847 : memref<1x4x1x8x128xf32, #tpu.memory_space<hbm>> -> memref<4x8x128xf32, #tpu.memory_space<hbm>>
      %dma_start3A_849 = arith.constant 0 : i32
      %dma_start3A_850 = arith.constant 0 : i32
      %dma_start3A_851 = tpu.memref_slice %arg5[%dma_start3A_849, %dma_start3A_850, %add3A_834] : memref<4x8x2560xf32, #tpu.memory_space<vmem>> -> memref<4x8x128xf32, #tpu.memory_space<vmem>>
      tpu.enqueue_dma source(%dma_start3A_851 : memref<4x8x128xf32, #tpu.memory_space<vmem>>) target(%dma_start3A_848 : memref<4x8x128xf32, #tpu.memory_space<hbm>>) target_semaphore(%arg6 : memref<!tpu.dma_semaphore, #tpu.memory_space<semaphore_mem>>)
      %add3A_852 = arith.constant 640 : i32
      %add3A_853 = arith.addi %mul3A_757, %add3A_852 : i32
      %dma_start3A_854 = arith.constant 5 : i32
      %dma_start3A_855 = arith.constant 0 : i32
      %dma_start3A_856 = arith.constant 0 : i32
      %dma_start3A_857 = tpu.memref_slice %arg5[%dma_start3A_855, %dma_start3A_856, %add3A_853] : memref<4x8x2560xf32, #tpu.memory_space<vmem>> -> memref<4x8x128xf32, #tpu.memory_space<vmem>>
      %dma_start3A_858 = arith.constant 0 : i32
      %dma_start3A_859 = arith.constant 0 : i32
      %dma_start3A_860 = arith.constant 0 : i32
      %dma_start3A_861 = tpu.memref_slice %arg3[%add3A_753, %dma_start3A_858, %dma_start3A_854, %dma_start3A_859, %dma_start3A_860] : memref<2048x4x16x8x128xf32, #tpu.memory_space<hbm>> -> memref<1x4x1x8x128xf32, #tpu.memory_space<hbm>>
      %dma_start3A_862 = tpu.memref_squeeze %dma_start3A_861 : memref<1x4x1x8x128xf32, #tpu.memory_space<hbm>> -> memref<4x8x128xf32, #tpu.memory_space<hbm>>
      %dma_start3A_863 = arith.constant 0 : i32
      %dma_start3A_864 = arith.constant 0 : i32
      %dma_start3A_865 = arith.constant 0 : i32
      %dma_start3A_866 = tpu.memref_slice %arg3[%add3A_753, %dma_start3A_863, %dma_start3A_854, %dma_start3A_864, %dma_start3A_865] : memref<2048x4x16x8x128xf32, #tpu.memory_space<hbm>> -> memref<1x4x1x8x128xf32, #tpu.memory_space<hbm>>
      %dma_start3A_867 = tpu.memref_squeeze %dma_start3A_866 : memref<1x4x1x8x128xf32, #tpu.memory_space<hbm>> -> memref<4x8x128xf32, #tpu.memory_space<hbm>>
      %dma_start3A_868 = arith.constant 0 : i32
      %dma_start3A_869 = arith.constant 0 : i32
      %dma_start3A_870 = tpu.memref_slice %arg5[%dma_start3A_868, %dma_start3A_869, %add3A_853] : memref<4x8x2560xf32, #tpu.memory_space<vmem>> -> memref<4x8x128xf32, #tpu.memory_space<vmem>>
      tpu.enqueue_dma source(%dma_start3A_870 : memref<4x8x128xf32, #tpu.memory_space<vmem>>) target(%dma_start3A_867 : memref<4x8x128xf32, #tpu.memory_space<hbm>>) target_semaphore(%arg6 : memref<!tpu.dma_semaphore, #tpu.memory_space<semaphore_mem>>)
      %add3A_871 = arith.constant 768 : i32
      %add3A_872 = arith.addi %mul3A_757, %add3A_871 : i32
      %dma_start3A_873 = arith.constant 6 : i32
      %dma_start3A_874 = arith.constant 0 : i32
      %dma_start3A_875 = arith.constant 0 : i32
      %dma_start3A_876 = tpu.memref_slice %arg5[%dma_start3A_874, %dma_start3A_875, %add3A_872] : memref<4x8x2560xf32, #tpu.memory_space<vmem>> -> memref<4x8x128xf32, #tpu.memory_space<vmem>>
      %dma_start3A_877 = arith.constant 0 : i32
      %dma_start3A_878 = arith.constant 0 : i32
      %dma_start3A_879 = arith.constant 0 : i32
      %dma_start3A_880 = tpu.memref_slice %arg3[%add3A_753, %dma_start3A_877, %dma_start3A_873, %dma_start3A_878, %dma_start3A_879] : memref<2048x4x16x8x128xf32, #tpu.memory_space<hbm>> -> memref<1x4x1x8x128xf32, #tpu.memory_space<hbm>>
      %dma_start3A_881 = tpu.memref_squeeze %dma_start3A_880 : memref<1x4x1x8x128xf32, #tpu.memory_space<hbm>> -> memref<4x8x128xf32, #tpu.memory_space<hbm>>
      %dma_start3A_882 = arith.constant 0 : i32
      %dma_start3A_883 = arith.constant 0 : i32
      %dma_start3A_884 = arith.constant 0 : i32
      %dma_start3A_885 = tpu.memref_slice %arg3[%add3A_753, %dma_start3A_882, %dma_start3A_873, %dma_start3A_883, %dma_start3A_884] : memref<2048x4x16x8x128xf32, #tpu.memory_space<hbm>> -> memref<1x4x1x8x128xf32, #tpu.memory_space<hbm>>
      %dma_start3A_886 = tpu.memref_squeeze %dma_start3A_885 : memref<1x4x1x8x128xf32, #tpu.memory_space<hbm>> -> memref<4x8x128xf32, #tpu.memory_space<hbm>>
      %dma_start3A_887 = arith.constant 0 : i32
      %dma_start3A_888 = arith.constant 0 : i32
      %dma_start3A_889 = tpu.memref_slice %arg5[%dma_start3A_887, %dma_start3A_888, %add3A_872] : memref<4x8x2560xf32, #tpu.memory_space<vmem>> -> memref<4x8x128xf32, #tpu.memory_space<vmem>>
      tpu.enqueue_dma source(%dma_start3A_889 : memref<4x8x128xf32, #tpu.memory_space<vmem>>) target(%dma_start3A_886 : memref<4x8x128xf32, #tpu.memory_space<hbm>>) target_semaphore(%arg6 : memref<!tpu.dma_semaphore, #tpu.memory_space<semaphore_mem>>)
      %add3A_890 = arith.constant 896 : i32
      %add3A_891 = arith.addi %mul3A_757, %add3A_890 : i32
      %dma_start3A_892 = arith.constant 7 : i32
      %dma_start3A_893 = arith.constant 0 : i32
      %dma_start3A_894 = arith.constant 0 : i32
      %dma_start3A_895 = tpu.memref_slice %arg5[%dma_start3A_893, %dma_start3A_894, %add3A_891] : memref<4x8x2560xf32, #tpu.memory_space<vmem>> -> memref<4x8x128xf32, #tpu.memory_space<vmem>>
      %dma_start3A_896 = arith.constant 0 : i32
      %dma_start3A_897 = arith.constant 0 : i32
      %dma_start3A_898 = arith.constant 0 : i32
      %dma_start3A_899 = tpu.memref_slice %arg3[%add3A_753, %dma_start3A_896, %dma_start3A_892, %dma_start3A_897, %dma_start3A_898] : memref<2048x4x16x8x128xf32, #tpu.memory_space<hbm>> -> memref<1x4x1x8x128xf32, #tpu.memory_space<hbm>>
      %dma_start3A_900 = tpu.memref_squeeze %dma_start3A_899 : memref<1x4x1x8x128xf32, #tpu.memory_space<hbm>> -> memref<4x8x128xf32, #tpu.memory_space<hbm>>
      %dma_start3A_901 = arith.constant 0 : i32
      %dma_start3A_902 = arith.constant 0 : i32
      %dma_start3A_903 = arith.constant 0 : i32
      %dma_start3A_904 = tpu.memref_slice %arg3[%add3A_753, %dma_start3A_901, %dma_start3A_892, %dma_start3A_902, %dma_start3A_903] : memref<2048x4x16x8x128xf32, #tpu.memory_space<hbm>> -> memref<1x4x1x8x128xf32, #tpu.memory_space<hbm>>
      %dma_start3A_905 = tpu.memref_squeeze %dma_start3A_904 : memref<1x4x1x8x128xf32, #tpu.memory_space<hbm>> -> memref<4x8x128xf32, #tpu.memory_space<hbm>>
      %dma_start3A_906 = arith.constant 0 : i32
      %dma_start3A_907 = arith.constant 0 : i32
      %dma_start3A_908 = tpu.memref_slice %arg5[%dma_start3A_906, %dma_start3A_907, %add3A_891] : memref<4x8x2560xf32, #tpu.memory_space<vmem>> -> memref<4x8x128xf32, #tpu.memory_space<vmem>>
      tpu.enqueue_dma source(%dma_start3A_908 : memref<4x8x128xf32, #tpu.memory_space<vmem>>) target(%dma_start3A_905 : memref<4x8x128xf32, #tpu.memory_space<hbm>>) target_semaphore(%arg6 : memref<!tpu.dma_semaphore, #tpu.memory_space<semaphore_mem>>)
      %add3A_909 = arith.constant 1024 : i32
      %add3A_910 = arith.addi %mul3A_757, %add3A_909 : i32
      %dma_start3A_911 = arith.constant 8 : i32
      %dma_start3A_912 = arith.constant 0 : i32
      %dma_start3A_913 = arith.constant 0 : i32
      %dma_start3A_914 = tpu.memref_slice %arg5[%dma_start3A_912, %dma_start3A_913, %add3A_910] : memref<4x8x2560xf32, #tpu.memory_space<vmem>> -> memref<4x8x128xf32, #tpu.memory_space<vmem>>
      %dma_start3A_915 = arith.constant 0 : i32
      %dma_start3A_916 = arith.constant 0 : i32
      %dma_start3A_917 = arith.constant 0 : i32
      %dma_start3A_918 = tpu.memref_slice %arg3[%add3A_753, %dma_start3A_915, %dma_start3A_911, %dma_start3A_916, %dma_start3A_917] : memref<2048x4x16x8x128xf32, #tpu.memory_space<hbm>> -> memref<1x4x1x8x128xf32, #tpu.memory_space<hbm>>
      %dma_start3A_919 = tpu.memref_squeeze %dma_start3A_918 : memref<1x4x1x8x128xf32, #tpu.memory_space<hbm>> -> memref<4x8x128xf32, #tpu.memory_space<hbm>>
      %dma_start3A_920 = arith.constant 0 : i32
      %dma_start3A_921 = arith.constant 0 : i32
      %dma_start3A_922 = arith.constant 0 : i32
      %dma_start3A_923 = tpu.memref_slice %arg3[%add3A_753, %dma_start3A_920, %dma_start3A_911, %dma_start3A_921, %dma_start3A_922] : memref<2048x4x16x8x128xf32, #tpu.memory_space<hbm>> -> memref<1x4x1x8x128xf32, #tpu.memory_space<hbm>>
      %dma_start3A_924 = tpu.memref_squeeze %dma_start3A_923 : memref<1x4x1x8x128xf32, #tpu.memory_space<hbm>> -> memref<4x8x128xf32, #tpu.memory_space<hbm>>
      %dma_start3A_925 = arith.constant 0 : i32
      %dma_start3A_926 = arith.constant 0 : i32
      %dma_start3A_927 = tpu.memref_slice %arg5[%dma_start3A_925, %dma_start3A_926, %add3A_910] : memref<4x8x2560xf32, #tpu.memory_space<vmem>> -> memref<4x8x128xf32, #tpu.memory_space<vmem>>
      tpu.enqueue_dma source(%dma_start3A_927 : memref<4x8x128xf32, #tpu.memory_space<vmem>>) target(%dma_start3A_924 : memref<4x8x128xf32, #tpu.memory_space<hbm>>) target_semaphore(%arg6 : memref<!tpu.dma_semaphore, #tpu.memory_space<semaphore_mem>>)
      %add3A_928 = arith.constant 1152 : i32
      %add3A_929 = arith.addi %mul3A_757, %add3A_928 : i32
      %dma_start3A_930 = arith.constant 9 : i32
      %dma_start3A_931 = arith.constant 0 : i32
      %dma_start3A_932 = arith.constant 0 : i32
      %dma_start3A_933 = tpu.memref_slice %arg5[%dma_start3A_931, %dma_start3A_932, %add3A_929] : memref<4x8x2560xf32, #tpu.memory_space<vmem>> -> memref<4x8x128xf32, #tpu.memory_space<vmem>>
      %dma_start3A_934 = arith.constant 0 : i32
      %dma_start3A_935 = arith.constant 0 : i32
      %dma_start3A_936 = arith.constant 0 : i32
      %dma_start3A_937 = tpu.memref_slice %arg3[%add3A_753, %dma_start3A_934, %dma_start3A_930, %dma_start3A_935, %dma_start3A_936] : memref<2048x4x16x8x128xf32, #tpu.memory_space<hbm>> -> memref<1x4x1x8x128xf32, #tpu.memory_space<hbm>>
      %dma_start3A_938 = tpu.memref_squeeze %dma_start3A_937 : memref<1x4x1x8x128xf32, #tpu.memory_space<hbm>> -> memref<4x8x128xf32, #tpu.memory_space<hbm>>
      %dma_start3A_939 = arith.constant 0 : i32
      %dma_start3A_940 = arith.constant 0 : i32
      %dma_start3A_941 = arith.constant 0 : i32
      %dma_start3A_942 = tpu.memref_slice %arg3[%add3A_753, %dma_start3A_939, %dma_start3A_930, %dma_start3A_940, %dma_start3A_941] : memref<2048x4x16x8x128xf32, #tpu.memory_space<hbm>> -> memref<1x4x1x8x128xf32, #tpu.memory_space<hbm>>
      %dma_start3A_943 = tpu.memref_squeeze %dma_start3A_942 : memref<1x4x1x8x128xf32, #tpu.memory_space<hbm>> -> memref<4x8x128xf32, #tpu.memory_space<hbm>>
      %dma_start3A_944 = arith.constant 0 : i32
      %dma_start3A_945 = arith.constant 0 : i32
      %dma_start3A_946 = tpu.memref_slice %arg5[%dma_start3A_944, %dma_start3A_945, %add3A_929] : memref<4x8x2560xf32, #tpu.memory_space<vmem>> -> memref<4x8x128xf32, #tpu.memory_space<vmem>>
      tpu.enqueue_dma source(%dma_start3A_946 : memref<4x8x128xf32, #tpu.memory_space<vmem>>) target(%dma_start3A_943 : memref<4x8x128xf32, #tpu.memory_space<hbm>>) target_semaphore(%arg6 : memref<!tpu.dma_semaphore, #tpu.memory_space<semaphore_mem>>)
      %add3A_947 = arith.constant 1280 : i32
      %add3A_948 = arith.addi %mul3A_757, %add3A_947 : i32
      %dma_start3A_949 = arith.constant 10 : i32
      %dma_start3A_950 = arith.constant 0 : i32
      %dma_start3A_951 = arith.constant 0 : i32
      %dma_start3A_952 = tpu.memref_slice %arg5[%dma_start3A_950, %dma_start3A_951, %add3A_948] : memref<4x8x2560xf32, #tpu.memory_space<vmem>> -> memref<4x8x128xf32, #tpu.memory_space<vmem>>
      %dma_start3A_953 = arith.constant 0 : i32
      %dma_start3A_954 = arith.constant 0 : i32
      %dma_start3A_955 = arith.constant 0 : i32
      %dma_start3A_956 = tpu.memref_slice %arg3[%add3A_753, %dma_start3A_953, %dma_start3A_949, %dma_start3A_954, %dma_start3A_955] : memref<2048x4x16x8x128xf32, #tpu.memory_space<hbm>> -> memref<1x4x1x8x128xf32, #tpu.memory_space<hbm>>
      %dma_start3A_957 = tpu.memref_squeeze %dma_start3A_956 : memref<1x4x1x8x128xf32, #tpu.memory_space<hbm>> -> memref<4x8x128xf32, #tpu.memory_space<hbm>>
      %dma_start3A_958 = arith.constant 0 : i32
      %dma_start3A_959 = arith.constant 0 : i32
      %dma_start3A_960 = arith.constant 0 : i32
      %dma_start3A_961 = tpu.memref_slice %arg3[%add3A_753, %dma_start3A_958, %dma_start3A_949, %dma_start3A_959, %dma_start3A_960] : memref<2048x4x16x8x128xf32, #tpu.memory_space<hbm>> -> memref<1x4x1x8x128xf32, #tpu.memory_space<hbm>>
      %dma_start3A_962 = tpu.memref_squeeze %dma_start3A_961 : memref<1x4x1x8x128xf32, #tpu.memory_space<hbm>> -> memref<4x8x128xf32, #tpu.memory_space<hbm>>
      %dma_start3A_963 = arith.constant 0 : i32
      %dma_start3A_964 = arith.constant 0 : i32
      %dma_start3A_965 = tpu.memref_slice %arg5[%dma_start3A_963, %dma_start3A_964, %add3A_948] : memref<4x8x2560xf32, #tpu.memory_space<vmem>> -> memref<4x8x128xf32, #tpu.memory_space<vmem>>
      tpu.enqueue_dma source(%dma_start3A_965 : memref<4x8x128xf32, #tpu.memory_space<vmem>>) target(%dma_start3A_962 : memref<4x8x128xf32, #tpu.memory_space<hbm>>) target_semaphore(%arg6 : memref<!tpu.dma_semaphore, #tpu.memory_space<semaphore_mem>>)
      %add3A_966 = arith.constant 1408 : i32
      %add3A_967 = arith.addi %mul3A_757, %add3A_966 : i32
      %dma_start3A_968 = arith.constant 11 : i32
      %dma_start3A_969 = arith.constant 0 : i32
      %dma_start3A_970 = arith.constant 0 : i32
      %dma_start3A_971 = tpu.memref_slice %arg5[%dma_start3A_969, %dma_start3A_970, %add3A_967] : memref<4x8x2560xf32, #tpu.memory_space<vmem>> -> memref<4x8x128xf32, #tpu.memory_space<vmem>>
      %dma_start3A_972 = arith.constant 0 : i32
      %dma_start3A_973 = arith.constant 0 : i32
      %dma_start3A_974 = arith.constant 0 : i32
      %dma_start3A_975 = tpu.memref_slice %arg3[%add3A_753, %dma_start3A_972, %dma_start3A_968, %dma_start3A_973, %dma_start3A_974] : memref<2048x4x16x8x128xf32, #tpu.memory_space<hbm>> -> memref<1x4x1x8x128xf32, #tpu.memory_space<hbm>>
      %dma_start3A_976 = tpu.memref_squeeze %dma_start3A_975 : memref<1x4x1x8x128xf32, #tpu.memory_space<hbm>> -> memref<4x8x128xf32, #tpu.memory_space<hbm>>
      %dma_start3A_977 = arith.constant 0 : i32
      %dma_start3A_978 = arith.constant 0 : i32
      %dma_start3A_979 = arith.constant 0 : i32
      %dma_start3A_980 = tpu.memref_slice %arg3[%add3A_753, %dma_start3A_977, %dma_start3A_968, %dma_start3A_978, %dma_start3A_979] : memref<2048x4x16x8x128xf32, #tpu.memory_space<hbm>> -> memref<1x4x1x8x128xf32, #tpu.memory_space<hbm>>
      %dma_start3A_981 = tpu.memref_squeeze %dma_start3A_980 : memref<1x4x1x8x128xf32, #tpu.memory_space<hbm>> -> memref<4x8x128xf32, #tpu.memory_space<hbm>>
      %dma_start3A_982 = arith.constant 0 : i32
      %dma_start3A_983 = arith.constant 0 : i32
      %dma_start3A_984 = tpu.memref_slice %arg5[%dma_start3A_982, %dma_start3A_983, %add3A_967] : memref<4x8x2560xf32, #tpu.memory_space<vmem>> -> memref<4x8x128xf32, #tpu.memory_space<vmem>>
      tpu.enqueue_dma source(%dma_start3A_984 : memref<4x8x128xf32, #tpu.memory_space<vmem>>) target(%dma_start3A_981 : memref<4x8x128xf32, #tpu.memory_space<hbm>>) target_semaphore(%arg6 : memref<!tpu.dma_semaphore, #tpu.memory_space<semaphore_mem>>)
      %add3A_985 = arith.constant 1536 : i32
      %add3A_986 = arith.addi %mul3A_757, %add3A_985 : i32
      %dma_start3A_987 = arith.constant 12 : i32
      %dma_start3A_988 = arith.constant 0 : i32
      %dma_start3A_989 = arith.constant 0 : i32
      %dma_start3A_990 = tpu.memref_slice %arg5[%dma_start3A_988, %dma_start3A_989, %add3A_986] : memref<4x8x2560xf32, #tpu.memory_space<vmem>> -> memref<4x8x128xf32, #tpu.memory_space<vmem>>
      %dma_start3A_991 = arith.constant 0 : i32
      %dma_start3A_992 = arith.constant 0 : i32
      %dma_start3A_993 = arith.constant 0 : i32
      %dma_start3A_994 = tpu.memref_slice %arg3[%add3A_753, %dma_start3A_991, %dma_start3A_987, %dma_start3A_992, %dma_start3A_993] : memref<2048x4x16x8x128xf32, #tpu.memory_space<hbm>> -> memref<1x4x1x8x128xf32, #tpu.memory_space<hbm>>
      %dma_start3A_995 = tpu.memref_squeeze %dma_start3A_994 : memref<1x4x1x8x128xf32, #tpu.memory_space<hbm>> -> memref<4x8x128xf32, #tpu.memory_space<hbm>>
      %dma_start3A_996 = arith.constant 0 : i32
      %dma_start3A_997 = arith.constant 0 : i32
      %dma_start3A_998 = arith.constant 0 : i32
      %dma_start3A_999 = tpu.memref_slice %arg3[%add3A_753, %dma_start3A_996, %dma_start3A_987, %dma_start3A_997, %dma_start3A_998] : memref<2048x4x16x8x128xf32, #tpu.memory_space<hbm>> -> memref<1x4x1x8x128xf32, #tpu.memory_space<hbm>>
      %dma_start3A_1000 = tpu.memref_squeeze %dma_start3A_999 : memref<1x4x1x8x128xf32, #tpu.memory_space<hbm>> -> memref<4x8x128xf32, #tpu.memory_space<hbm>>
      %dma_start3A_1001 = arith.constant 0 : i32
      %dma_start3A_1002 = arith.constant 0 : i32
      %dma_start3A_1003 = tpu.memref_slice %arg5[%dma_start3A_1001, %dma_start3A_1002, %add3A_986] : memref<4x8x2560xf32, #tpu.memory_space<vmem>> -> memref<4x8x128xf32, #tpu.memory_space<vmem>>
      tpu.enqueue_dma source(%dma_start3A_1003 : memref<4x8x128xf32, #tpu.memory_space<vmem>>) target(%dma_start3A_1000 : memref<4x8x128xf32, #tpu.memory_space<hbm>>) target_semaphore(%arg6 : memref<!tpu.dma_semaphore, #tpu.memory_space<semaphore_mem>>)
      %add3A_1004 = arith.constant 1664 : i32
      %add3A_1005 = arith.addi %mul3A_757, %add3A_1004 : i32
      %dma_start3A_1006 = arith.constant 13 : i32
      %dma_start3A_1007 = arith.constant 0 : i32
      %dma_start3A_1008 = arith.constant 0 : i32
      %dma_start3A_1009 = tpu.memref_slice %arg5[%dma_start3A_1007, %dma_start3A_1008, %add3A_1005] : memref<4x8x2560xf32, #tpu.memory_space<vmem>> -> memref<4x8x128xf32, #tpu.memory_space<vmem>>
      %dma_start3A_1010 = arith.constant 0 : i32
      %dma_start3A_1011 = arith.constant 0 : i32
      %dma_start3A_1012 = arith.constant 0 : i32
      %dma_start3A_1013 = tpu.memref_slice %arg3[%add3A_753, %dma_start3A_1010, %dma_start3A_1006, %dma_start3A_1011, %dma_start3A_1012] : memref<2048x4x16x8x128xf32, #tpu.memory_space<hbm>> -> memref<1x4x1x8x128xf32, #tpu.memory_space<hbm>>
      %dma_start3A_1014 = tpu.memref_squeeze %dma_start3A_1013 : memref<1x4x1x8x128xf32, #tpu.memory_space<hbm>> -> memref<4x8x128xf32, #tpu.memory_space<hbm>>
      %dma_start3A_1015 = arith.constant 0 : i32
      %dma_start3A_1016 = arith.constant 0 : i32
      %dma_start3A_1017 = arith.constant 0 : i32
      %dma_start3A_1018 = tpu.memref_slice %arg3[%add3A_753, %dma_start3A_1015, %dma_start3A_1006, %dma_start3A_1016, %dma_start3A_1017] : memref<2048x4x16x8x128xf32, #tpu.memory_space<hbm>> -> memref<1x4x1x8x128xf32, #tpu.memory_space<hbm>>
      %dma_start3A_1019 = tpu.memref_squeeze %dma_start3A_1018 : memref<1x4x1x8x128xf32, #tpu.memory_space<hbm>> -> memref<4x8x128xf32, #tpu.memory_space<hbm>>
      %dma_start3A_1020 = arith.constant 0 : i32
      %dma_start3A_1021 = arith.constant 0 : i32
      %dma_start3A_1022 = tpu.memref_slice %arg5[%dma_start3A_1020, %dma_start3A_1021, %add3A_1005] : memref<4x8x2560xf32, #tpu.memory_space<vmem>> -> memref<4x8x128xf32, #tpu.memory_space<vmem>>
      tpu.enqueue_dma source(%dma_start3A_1022 : memref<4x8x128xf32, #tpu.memory_space<vmem>>) target(%dma_start3A_1019 : memref<4x8x128xf32, #tpu.memory_space<hbm>>) target_semaphore(%arg6 : memref<!tpu.dma_semaphore, #tpu.memory_space<semaphore_mem>>)
      %add3A_1023 = arith.constant 1792 : i32
      %add3A_1024 = arith.addi %mul3A_757, %add3A_1023 : i32
      %dma_start3A_1025 = arith.constant 14 : i32
      %dma_start3A_1026 = arith.constant 0 : i32
      %dma_start3A_1027 = arith.constant 0 : i32
      %dma_start3A_1028 = tpu.memref_slice %arg5[%dma_start3A_1026, %dma_start3A_1027, %add3A_1024] : memref<4x8x2560xf32, #tpu.memory_space<vmem>> -> memref<4x8x128xf32, #tpu.memory_space<vmem>>
      %dma_start3A_1029 = arith.constant 0 : i32
      %dma_start3A_1030 = arith.constant 0 : i32
      %dma_start3A_1031 = arith.constant 0 : i32
      %dma_start3A_1032 = tpu.memref_slice %arg3[%add3A_753, %dma_start3A_1029, %dma_start3A_1025, %dma_start3A_1030, %dma_start3A_1031] : memref<2048x4x16x8x128xf32, #tpu.memory_space<hbm>> -> memref<1x4x1x8x128xf32, #tpu.memory_space<hbm>>
      %dma_start3A_1033 = tpu.memref_squeeze %dma_start3A_1032 : memref<1x4x1x8x128xf32, #tpu.memory_space<hbm>> -> memref<4x8x128xf32, #tpu.memory_space<hbm>>
      %dma_start3A_1034 = arith.constant 0 : i32
      %dma_start3A_1035 = arith.constant 0 : i32
      %dma_start3A_1036 = arith.constant 0 : i32
      %dma_start3A_1037 = tpu.memref_slice %arg3[%add3A_753, %dma_start3A_1034, %dma_start3A_1025, %dma_start3A_1035, %dma_start3A_1036] : memref<2048x4x16x8x128xf32, #tpu.memory_space<hbm>> -> memref<1x4x1x8x128xf32, #tpu.memory_space<hbm>>
      %dma_start3A_1038 = tpu.memref_squeeze %dma_start3A_1037 : memref<1x4x1x8x128xf32, #tpu.memory_space<hbm>> -> memref<4x8x128xf32, #tpu.memory_space<hbm>>
      %dma_start3A_1039 = arith.constant 0 : i32
      %dma_start3A_1040 = arith.constant 0 : i32
      %dma_start3A_1041 = tpu.memref_slice %arg5[%dma_start3A_1039, %dma_start3A_1040, %add3A_1024] : memref<4x8x2560xf32, #tpu.memory_space<vmem>> -> memref<4x8x128xf32, #tpu.memory_space<vmem>>
      tpu.enqueue_dma source(%dma_start3A_1041 : memref<4x8x128xf32, #tpu.memory_space<vmem>>) target(%dma_start3A_1038 : memref<4x8x128xf32, #tpu.memory_space<hbm>>) target_semaphore(%arg6 : memref<!tpu.dma_semaphore, #tpu.memory_space<semaphore_mem>>)
      %add3A_1042 = arith.constant 1920 : i32
      %add3A_1043 = arith.addi %mul3A_757, %add3A_1042 : i32
      %dma_start3A_1044 = arith.constant 15 : i32
      %dma_start3A_1045 = arith.constant 0 : i32
      %dma_start3A_1046 = arith.constant 0 : i32
      %dma_start3A_1047 = tpu.memref_slice %arg5[%dma_start3A_1045, %dma_start3A_1046, %add3A_1043] : memref<4x8x2560xf32, #tpu.memory_space<vmem>> -> memref<4x8x128xf32, #tpu.memory_space<vmem>>
      %dma_start3A_1048 = arith.constant 0 : i32
      %dma_start3A_1049 = arith.constant 0 : i32
      %dma_start3A_1050 = arith.constant 0 : i32
      %dma_start3A_1051 = tpu.memref_slice %arg3[%add3A_753, %dma_start3A_1048, %dma_start3A_1044, %dma_start3A_1049, %dma_start3A_1050] : memref<2048x4x16x8x128xf32, #tpu.memory_space<hbm>> -> memref<1x4x1x8x128xf32, #tpu.memory_space<hbm>>
      %dma_start3A_1052 = tpu.memref_squeeze %dma_start3A_1051 : memref<1x4x1x8x128xf32, #tpu.memory_space<hbm>> -> memref<4x8x128xf32, #tpu.memory_space<hbm>>
      %dma_start3A_1053 = arith.constant 0 : i32
      %dma_start3A_1054 = arith.constant 0 : i32
      %dma_start3A_1055 = arith.constant 0 : i32
      %dma_start3A_1056 = tpu.memref_slice %arg3[%add3A_753, %dma_start3A_1053, %dma_start3A_1044, %dma_start3A_1054, %dma_start3A_1055] : memref<2048x4x16x8x128xf32, #tpu.memory_space<hbm>> -> memref<1x4x1x8x128xf32, #tpu.memory_space<hbm>>
      %dma_start3A_1057 = tpu.memref_squeeze %dma_start3A_1056 : memref<1x4x1x8x128xf32, #tpu.memory_space<hbm>> -> memref<4x8x128xf32, #tpu.memory_space<hbm>>
      %dma_start3A_1058 = arith.constant 0 : i32
      %dma_start3A_1059 = arith.constant 0 : i32
      %dma_start3A_1060 = tpu.memref_slice %arg5[%dma_start3A_1058, %dma_start3A_1059, %add3A_1043] : memref<4x8x2560xf32, #tpu.memory_space<vmem>> -> memref<4x8x128xf32, #tpu.memory_space<vmem>>
      tpu.enqueue_dma source(%dma_start3A_1060 : memref<4x8x128xf32, #tpu.memory_space<vmem>>) target(%dma_start3A_1057 : memref<4x8x128xf32, #tpu.memory_space<hbm>>) target_semaphore(%arg6 : memref<!tpu.dma_semaphore, #tpu.memory_space<semaphore_mem>>)
      %scan3A_1061 = arith.constant 0 : i32
      scf.yield %scan3A_1061 : i32
    }
    %scan3A_104 = arith.constant 64 : i32
    %dma_wait3A = arith.constant 0 : i32
    %dma_wait3A_105 = arith.constant 0 : i32
    %dma_wait3A_106 = arith.constant 0 : i32
    %dma_wait3A_107 = arith.constant 0 : i32
    %dma_wait3A_108 = arith.constant 0 : i32
    %dma_wait3A_109 = tpu.memref_slice %arg5[%dma_wait3A_106, %dma_wait3A_107, %dma_wait3A_108] : memref<4x8x2560xf32, #tpu.memory_space<vmem>> -> memref<4x8x128xf32, #tpu.memory_space<vmem>>
    %dma_wait3A_110 = arith.constant 0 : i32
    %dma_wait3A_111 = arith.constant 0 : i32
    %dma_wait3A_112 = arith.constant 0 : i32
    %dma_wait3A_113 = tpu.memref_slice %arg3[%dma_wait3A, %dma_wait3A_110, %dma_wait3A_105, %dma_wait3A_111, %dma_wait3A_112] : memref<2048x4x16x8x128xf32, #tpu.memory_space<hbm>> -> memref<1x4x1x8x128xf32, #tpu.memory_space<hbm>>
    %dma_wait3A_114 = tpu.memref_squeeze %dma_wait3A_113 : memref<1x4x1x8x128xf32, #tpu.memory_space<hbm>> -> memref<4x8x128xf32, #tpu.memory_space<hbm>>
    %dma_wait3A_115 = arith.constant 0 : i32
    %dma_wait3A_116 = arith.constant 0 : i32
    %dma_wait3A_117 = arith.constant 0 : i32
    %dma_wait3A_118 = tpu.memref_slice %arg3[%dma_wait3A, %dma_wait3A_115, %dma_wait3A_105, %dma_wait3A_116, %dma_wait3A_117] : memref<2048x4x16x8x128xf32, #tpu.memory_space<hbm>> -> memref<1x4x1x8x128xf32, #tpu.memory_space<hbm>>
    %dma_wait3A_119 = tpu.memref_squeeze %dma_wait3A_118 : memref<1x4x1x8x128xf32, #tpu.memory_space<hbm>> -> memref<4x8x128xf32, #tpu.memory_space<hbm>>
    %dma_wait3A_120 = arith.constant 0 : i32
    %dma_wait3A_121 = arith.constant 0 : i32
    %dma_wait3A_122 = arith.constant 0 : i32
    %dma_wait3A_123 = tpu.memref_slice %arg5[%dma_wait3A_120, %dma_wait3A_121, %dma_wait3A_122] : memref<4x8x2560xf32, #tpu.memory_space<vmem>> -> memref<4x8x128xf32, #tpu.memory_space<vmem>>
    tpu.wait_dma2 semaphore(%arg6 : memref<!tpu.dma_semaphore, #tpu.memory_space<semaphore_mem>>) src(%dma_wait3A_123 : memref<4x8x128xf32, #tpu.memory_space<vmem>>) dst(%dma_wait3A_119 : memref<4x8x128xf32, #tpu.memory_space<hbm>>)
    %dma_wait3A_124 = arith.constant 0 : i32
    %dma_wait3A_125 = arith.constant 0 : i32
    %dma_wait3A_126 = arith.constant 0 : i32
    %dma_wait3A_127 = arith.constant 0 : i32
    %dma_wait3A_128 = arith.constant 0 : i32
    %dma_wait3A_129 = tpu.memref_slice %arg5[%dma_wait3A_126, %dma_wait3A_127, %dma_wait3A_128] : memref<4x8x2560xf32, #tpu.memory_space<vmem>> -> memref<4x8x128xf32, #tpu.memory_space<vmem>>
    %dma_wait3A_130 = arith.constant 0 : i32
    %dma_wait3A_131 = arith.constant 0 : i32
    %dma_wait3A_132 = arith.constant 0 : i32
    %dma_wait3A_133 = tpu.memref_slice %arg3[%dma_wait3A_124, %dma_wait3A_130, %dma_wait3A_125, %dma_wait3A_131, %dma_wait3A_132] : memref<2048x4x16x8x128xf32, #tpu.memory_space<hbm>> -> memref<1x4x1x8x128xf32, #tpu.memory_space<hbm>>
    %dma_wait3A_134 = tpu.memref_squeeze %dma_wait3A_133 : memref<1x4x1x8x128xf32, #tpu.memory_space<hbm>> -> memref<4x8x128xf32, #tpu.memory_space<hbm>>
    %dma_wait3A_135 = arith.constant 0 : i32
    %dma_wait3A_136 = arith.constant 0 : i32
    %dma_wait3A_137 = arith.constant 0 : i32
    %dma_wait3A_138 = tpu.memref_slice %arg3[%dma_wait3A_124, %dma_wait3A_135, %dma_wait3A_125, %dma_wait3A_136, %dma_wait3A_137] : memref<2048x4x16x8x128xf32, #tpu.memory_space<hbm>> -> memref<1x4x1x8x128xf32, #tpu.memory_space<hbm>>
    %dma_wait3A_139 = tpu.memref_squeeze %dma_wait3A_138 : memref<1x4x1x8x128xf32, #tpu.memory_space<hbm>> -> memref<4x8x128xf32, #tpu.memory_space<hbm>>
    %dma_wait3A_140 = arith.constant 0 : i32
    %dma_wait3A_141 = arith.constant 0 : i32
    %dma_wait3A_142 = arith.constant 0 : i32
    %dma_wait3A_143 = tpu.memref_slice %arg5[%dma_wait3A_140, %dma_wait3A_141, %dma_wait3A_142] : memref<4x8x2560xf32, #tpu.memory_space<vmem>> -> memref<4x8x128xf32, #tpu.memory_space<vmem>>
    tpu.wait_dma2 semaphore(%arg6 : memref<!tpu.dma_semaphore, #tpu.memory_space<semaphore_mem>>) src(%dma_wait3A_143 : memref<4x8x128xf32, #tpu.memory_space<vmem>>) dst(%dma_wait3A_139 : memref<4x8x128xf32, #tpu.memory_space<hbm>>)
    %dma_wait3A_144 = arith.constant 0 : i32
    %dma_wait3A_145 = arith.constant 0 : i32
    %dma_wait3A_146 = arith.constant 0 : i32
    %dma_wait3A_147 = arith.constant 0 : i32
    %dma_wait3A_148 = arith.constant 0 : i32
    %dma_wait3A_149 = tpu.memref_slice %arg5[%dma_wait3A_146, %dma_wait3A_147, %dma_wait3A_148] : memref<4x8x2560xf32, #tpu.memory_space<vmem>> -> memref<4x8x128xf32, #tpu.memory_space<vmem>>
    %dma_wait3A_150 = arith.constant 0 : i32
    %dma_wait3A_151 = arith.constant 0 : i32
    %dma_wait3A_152 = arith.constant 0 : i32
    %dma_wait3A_153 = tpu.memref_slice %arg3[%dma_wait3A_144, %dma_wait3A_150, %dma_wait3A_145, %dma_wait3A_151, %dma_wait3A_152] : memref<2048x4x16x8x128xf32, #tpu.memory_space<hbm>> -> memref<1x4x1x8x128xf32, #tpu.memory_space<hbm>>
    %dma_wait3A_154 = tpu.memref_squeeze %dma_wait3A_153 : memref<1x4x1x8x128xf32, #tpu.memory_space<hbm>> -> memref<4x8x128xf32, #tpu.memory_space<hbm>>
    %dma_wait3A_155 = arith.constant 0 : i32
    %dma_wait3A_156 = arith.constant 0 : i32
    %dma_wait3A_157 = arith.constant 0 : i32
    %dma_wait3A_158 = tpu.memref_slice %arg3[%dma_wait3A_144, %dma_wait3A_155, %dma_wait3A_145, %dma_wait3A_156, %dma_wait3A_157] : memref<2048x4x16x8x128xf32, #tpu.memory_space<hbm>> -> memref<1x4x1x8x128xf32, #tpu.memory_space<hbm>>
    %dma_wait3A_159 = tpu.memref_squeeze %dma_wait3A_158 : memref<1x4x1x8x128xf32, #tpu.memory_space<hbm>> -> memref<4x8x128xf32, #tpu.memory_space<hbm>>
    %dma_wait3A_160 = arith.constant 0 : i32
    %dma_wait3A_161 = arith.constant 0 : i32
    %dma_wait3A_162 = arith.constant 0 : i32
    %dma_wait3A_163 = tpu.memref_slice %arg5[%dma_wait3A_160, %dma_wait3A_161, %dma_wait3A_162] : memref<4x8x2560xf32, #tpu.memory_space<vmem>> -> memref<4x8x128xf32, #tpu.memory_space<vmem>>
    tpu.wait_dma2 semaphore(%arg6 : memref<!tpu.dma_semaphore, #tpu.memory_space<semaphore_mem>>) src(%dma_wait3A_163 : memref<4x8x128xf32, #tpu.memory_space<vmem>>) dst(%dma_wait3A_159 : memref<4x8x128xf32, #tpu.memory_space<hbm>>)
    %dma_wait3A_164 = arith.constant 0 : i32
    %dma_wait3A_165 = arith.constant 0 : i32
    %dma_wait3A_166 = arith.constant 0 : i32
    %dma_wait3A_167 = arith.constant 0 : i32
    %dma_wait3A_168 = arith.constant 0 : i32
    %dma_wait3A_169 = tpu.memref_slice %arg5[%dma_wait3A_166, %dma_wait3A_167, %dma_wait3A_168] : memref<4x8x2560xf32, #tpu.memory_space<vmem>> -> memref<4x8x128xf32, #tpu.memory_space<vmem>>
    %dma_wait3A_170 = arith.constant 0 : i32
    %dma_wait3A_171 = arith.constant 0 : i32
    %dma_wait3A_172 = arith.constant 0 : i32
    %dma_wait3A_173 = tpu.memref_slice %arg3[%dma_wait3A_164, %dma_wait3A_170, %dma_wait3A_165, %dma_wait3A_171, %dma_wait3A_172] : memref<2048x4x16x8x128xf32, #tpu.memory_space<hbm>> -> memref<1x4x1x8x128xf32, #tpu.memory_space<hbm>>
    %dma_wait3A_174 = tpu.memref_squeeze %dma_wait3A_173 : memref<1x4x1x8x128xf32, #tpu.memory_space<hbm>> -> memref<4x8x128xf32, #tpu.memory_space<hbm>>
    %dma_wait3A_175 = arith.constant 0 : i32
    %dma_wait3A_176 = arith.constant 0 : i32
    %dma_wait3A_177 = arith.constant 0 : i32
    %dma_wait3A_178 = tpu.memref_slice %arg3[%dma_wait3A_164, %dma_wait3A_175, %dma_wait3A_165, %dma_wait3A_176, %dma_wait3A_177] : memref<2048x4x16x8x128xf32, #tpu.memory_space<hbm>> -> memref<1x4x1x8x128xf32, #tpu.memory_space<hbm>>
    %dma_wait3A_179 = tpu.memref_squeeze %dma_wait3A_178 : memref<1x4x1x8x128xf32, #tpu.memory_space<hbm>> -> memref<4x8x128xf32, #tpu.memory_space<hbm>>
    %dma_wait3A_180 = arith.constant 0 : i32
    %dma_wait3A_181 = arith.constant 0 : i32
    %dma_wait3A_182 = arith.constant 0 : i32
    %dma_wait3A_183 = tpu.memref_slice %arg5[%dma_wait3A_180, %dma_wait3A_181, %dma_wait3A_182] : memref<4x8x2560xf32, #tpu.memory_space<vmem>> -> memref<4x8x128xf32, #tpu.memory_space<vmem>>
    tpu.wait_dma2 semaphore(%arg6 : memref<!tpu.dma_semaphore, #tpu.memory_space<semaphore_mem>>) src(%dma_wait3A_183 : memref<4x8x128xf32, #tpu.memory_space<vmem>>) dst(%dma_wait3A_179 : memref<4x8x128xf32, #tpu.memory_space<hbm>>)
    %dma_wait3A_184 = arith.constant 0 : i32
    %dma_wait3A_185 = arith.constant 0 : i32
    %dma_wait3A_186 = arith.constant 0 : i32
    %dma_wait3A_187 = arith.constant 0 : i32
    %dma_wait3A_188 = arith.constant 0 : i32
    %dma_wait3A_189 = tpu.memref_slice %arg5[%dma_wait3A_186, %dma_wait3A_187, %dma_wait3A_188] : memref<4x8x2560xf32, #tpu.memory_space<vmem>> -> memref<4x8x128xf32, #tpu.memory_space<vmem>>
    %dma_wait3A_190 = arith.constant 0 : i32
    %dma_wait3A_191 = arith.constant 0 : i32
    %dma_wait3A_192 = arith.constant 0 : i32
    %dma_wait3A_193 = tpu.memref_slice %arg3[%dma_wait3A_184, %dma_wait3A_190, %dma_wait3A_185, %dma_wait3A_191, %dma_wait3A_192] : memref<2048x4x16x8x128xf32, #tpu.memory_space<hbm>> -> memref<1x4x1x8x128xf32, #tpu.memory_space<hbm>>
    %dma_wait3A_194 = tpu.memref_squeeze %dma_wait3A_193 : memref<1x4x1x8x128xf32, #tpu.memory_space<hbm>> -> memref<4x8x128xf32, #tpu.memory_space<hbm>>
    %dma_wait3A_195 = arith.constant 0 : i32
    %dma_wait3A_196 = arith.constant 0 : i32
    %dma_wait3A_197 = arith.constant 0 : i32
    %dma_wait3A_198 = tpu.memref_slice %arg3[%dma_wait3A_184, %dma_wait3A_195, %dma_wait3A_185, %dma_wait3A_196, %dma_wait3A_197] : memref<2048x4x16x8x128xf32, #tpu.memory_space<hbm>> -> memref<1x4x1x8x128xf32, #tpu.memory_space<hbm>>
    %dma_wait3A_199 = tpu.memref_squeeze %dma_wait3A_198 : memref<1x4x1x8x128xf32, #tpu.memory_space<hbm>> -> memref<4x8x128xf32, #tpu.memory_space<hbm>>
    %dma_wait3A_200 = arith.constant 0 : i32
    %dma_wait3A_201 = arith.constant 0 : i32
    %dma_wait3A_202 = arith.constant 0 : i32
    %dma_wait3A_203 = tpu.memref_slice %arg5[%dma_wait3A_200, %dma_wait3A_201, %dma_wait3A_202] : memref<4x8x2560xf32, #tpu.memory_space<vmem>> -> memref<4x8x128xf32, #tpu.memory_space<vmem>>
    tpu.wait_dma2 semaphore(%arg6 : memref<!tpu.dma_semaphore, #tpu.memory_space<semaphore_mem>>) src(%dma_wait3A_203 : memref<4x8x128xf32, #tpu.memory_space<vmem>>) dst(%dma_wait3A_199 : memref<4x8x128xf32, #tpu.memory_space<hbm>>)
    %dma_wait3A_204 = arith.constant 0 : i32
    %dma_wait3A_205 = arith.constant 0 : i32
    %dma_wait3A_206 = arith.constant 0 : i32
    %dma_wait3A_207 = arith.constant 0 : i32
    %dma_wait3A_208 = arith.constant 0 : i32
    %dma_wait3A_209 = tpu.memref_slice %arg5[%dma_wait3A_206, %dma_wait3A_207, %dma_wait3A_208] : memref<4x8x2560xf32, #tpu.memory_space<vmem>> -> memref<4x8x128xf32, #tpu.memory_space<vmem>>
    %dma_wait3A_210 = arith.constant 0 : i32
    %dma_wait3A_211 = arith.constant 0 : i32
    %dma_wait3A_212 = arith.constant 0 : i32
    %dma_wait3A_213 = tpu.memref_slice %arg3[%dma_wait3A_204, %dma_wait3A_210, %dma_wait3A_205, %dma_wait3A_211, %dma_wait3A_212] : memref<2048x4x16x8x128xf32, #tpu.memory_space<hbm>> -> memref<1x4x1x8x128xf32, #tpu.memory_space<hbm>>
    %dma_wait3A_214 = tpu.memref_squeeze %dma_wait3A_213 : memref<1x4x1x8x128xf32, #tpu.memory_space<hbm>> -> memref<4x8x128xf32, #tpu.memory_space<hbm>>
    %dma_wait3A_215 = arith.constant 0 : i32
    %dma_wait3A_216 = arith.constant 0 : i32
    %dma_wait3A_217 = arith.constant 0 : i32
    %dma_wait3A_218 = tpu.memref_slice %arg3[%dma_wait3A_204, %dma_wait3A_215, %dma_wait3A_205, %dma_wait3A_216, %dma_wait3A_217] : memref<2048x4x16x8x128xf32, #tpu.memory_space<hbm>> -> memref<1x4x1x8x128xf32, #tpu.memory_space<hbm>>
    %dma_wait3A_219 = tpu.memref_squeeze %dma_wait3A_218 : memref<1x4x1x8x128xf32, #tpu.memory_space<hbm>> -> memref<4x8x128xf32, #tpu.memory_space<hbm>>
    %dma_wait3A_220 = arith.constant 0 : i32
    %dma_wait3A_221 = arith.constant 0 : i32
    %dma_wait3A_222 = arith.constant 0 : i32
    %dma_wait3A_223 = tpu.memref_slice %arg5[%dma_wait3A_220, %dma_wait3A_221, %dma_wait3A_222] : memref<4x8x2560xf32, #tpu.memory_space<vmem>> -> memref<4x8x128xf32, #tpu.memory_space<vmem>>
    tpu.wait_dma2 semaphore(%arg6 : memref<!tpu.dma_semaphore, #tpu.memory_space<semaphore_mem>>) src(%dma_wait3A_223 : memref<4x8x128xf32, #tpu.memory_space<vmem>>) dst(%dma_wait3A_219 : memref<4x8x128xf32, #tpu.memory_space<hbm>>)
    %dma_wait3A_224 = arith.constant 0 : i32
    %dma_wait3A_225 = arith.constant 0 : i32
    %dma_wait3A_226 = arith.constant 0 : i32
    %dma_wait3A_227 = arith.constant 0 : i32
    %dma_wait3A_228 = arith.constant 0 : i32
    %dma_wait3A_229 = tpu.memref_slice %arg5[%dma_wait3A_226, %dma_wait3A_227, %dma_wait3A_228] : memref<4x8x2560xf32, #tpu.memory_space<vmem>> -> memref<4x8x128xf32, #tpu.memory_space<vmem>>
    %dma_wait3A_230 = arith.constant 0 : i32
    %dma_wait3A_231 = arith.constant 0 : i32
    %dma_wait3A_232 = arith.constant 0 : i32
    %dma_wait3A_233 = tpu.memref_slice %arg3[%dma_wait3A_224, %dma_wait3A_230, %dma_wait3A_225, %dma_wait3A_231, %dma_wait3A_232] : memref<2048x4x16x8x128xf32, #tpu.memory_space<hbm>> -> memref<1x4x1x8x128xf32, #tpu.memory_space<hbm>>
    %dma_wait3A_234 = tpu.memref_squeeze %dma_wait3A_233 : memref<1x4x1x8x128xf32, #tpu.memory_space<hbm>> -> memref<4x8x128xf32, #tpu.memory_space<hbm>>
    %dma_wait3A_235 = arith.constant 0 : i32
    %dma_wait3A_236 = arith.constant 0 : i32
    %dma_wait3A_237 = arith.constant 0 : i32
    %dma_wait3A_238 = tpu.memref_slice %arg3[%dma_wait3A_224, %dma_wait3A_235, %dma_wait3A_225, %dma_wait3A_236, %dma_wait3A_237] : memref<2048x4x16x8x128xf32, #tpu.memory_space<hbm>> -> memref<1x4x1x8x128xf32, #tpu.memory_space<hbm>>
    %dma_wait3A_239 = tpu.memref_squeeze %dma_wait3A_238 : memref<1x4x1x8x128xf32, #tpu.memory_space<hbm>> -> memref<4x8x128xf32, #tpu.memory_space<hbm>>
    %dma_wait3A_240 = arith.constant 0 : i32
    %dma_wait3A_241 = arith.constant 0 : i32
    %dma_wait3A_242 = arith.constant 0 : i32
    %dma_wait3A_243 = tpu.memref_slice %arg5[%dma_wait3A_240, %dma_wait3A_241, %dma_wait3A_242] : memref<4x8x2560xf32, #tpu.memory_space<vmem>> -> memref<4x8x128xf32, #tpu.memory_space<vmem>>
    tpu.wait_dma2 semaphore(%arg6 : memref<!tpu.dma_semaphore, #tpu.memory_space<semaphore_mem>>) src(%dma_wait3A_243 : memref<4x8x128xf32, #tpu.memory_space<vmem>>) dst(%dma_wait3A_239 : memref<4x8x128xf32, #tpu.memory_space<hbm>>)
    %dma_wait3A_244 = arith.constant 0 : i32
    %dma_wait3A_245 = arith.constant 0 : i32
    %dma_wait3A_246 = arith.constant 0 : i32
    %dma_wait3A_247 = arith.constant 0 : i32
    %dma_wait3A_248 = arith.constant 0 : i32
    %dma_wait3A_249 = tpu.memref_slice %arg5[%dma_wait3A_246, %dma_wait3A_247, %dma_wait3A_248] : memref<4x8x2560xf32, #tpu.memory_space<vmem>> -> memref<4x8x128xf32, #tpu.memory_space<vmem>>
    %dma_wait3A_250 = arith.constant 0 : i32
    %dma_wait3A_251 = arith.constant 0 : i32
    %dma_wait3A_252 = arith.constant 0 : i32
    %dma_wait3A_253 = tpu.memref_slice %arg3[%dma_wait3A_244, %dma_wait3A_250, %dma_wait3A_245, %dma_wait3A_251, %dma_wait3A_252] : memref<2048x4x16x8x128xf32, #tpu.memory_space<hbm>> -> memref<1x4x1x8x128xf32, #tpu.memory_space<hbm>>
    %dma_wait3A_254 = tpu.memref_squeeze %dma_wait3A_253 : memref<1x4x1x8x128xf32, #tpu.memory_space<hbm>> -> memref<4x8x128xf32, #tpu.memory_space<hbm>>
    %dma_wait3A_255 = arith.constant 0 : i32
    %dma_wait3A_256 = arith.constant 0 : i32
    %dma_wait3A_257 = arith.constant 0 : i32
    %dma_wait3A_258 = tpu.memref_slice %arg3[%dma_wait3A_244, %dma_wait3A_255, %dma_wait3A_245, %dma_wait3A_256, %dma_wait3A_257] : memref<2048x4x16x8x128xf32, #tpu.memory_space<hbm>> -> memref<1x4x1x8x128xf32, #tpu.memory_space<hbm>>
    %dma_wait3A_259 = tpu.memref_squeeze %dma_wait3A_258 : memref<1x4x1x8x128xf32, #tpu.memory_space<hbm>> -> memref<4x8x128xf32, #tpu.memory_space<hbm>>
    %dma_wait3A_260 = arith.constant 0 : i32
    %dma_wait3A_261 = arith.constant 0 : i32
    %dma_wait3A_262 = arith.constant 0 : i32
    %dma_wait3A_263 = tpu.memref_slice %arg5[%dma_wait3A_260, %dma_wait3A_261, %dma_wait3A_262] : memref<4x8x2560xf32, #tpu.memory_space<vmem>> -> memref<4x8x128xf32, #tpu.memory_space<vmem>>
    tpu.wait_dma2 semaphore(%arg6 : memref<!tpu.dma_semaphore, #tpu.memory_space<semaphore_mem>>) src(%dma_wait3A_263 : memref<4x8x128xf32, #tpu.memory_space<vmem>>) dst(%dma_wait3A_259 : memref<4x8x128xf32, #tpu.memory_space<hbm>>)
    %dma_wait3A_264 = arith.constant 0 : i32
    %dma_wait3A_265 = arith.constant 0 : i32
    %dma_wait3A_266 = arith.constant 0 : i32
    %dma_wait3A_267 = arith.constant 0 : i32
    %dma_wait3A_268 = arith.constant 0 : i32
    %dma_wait3A_269 = tpu.memref_slice %arg5[%dma_wait3A_266, %dma_wait3A_267, %dma_wait3A_268] : memref<4x8x2560xf32, #tpu.memory_space<vmem>> -> memref<4x8x128xf32, #tpu.memory_space<vmem>>
    %dma_wait3A_270 = arith.constant 0 : i32
    %dma_wait3A_271 = arith.constant 0 : i32
    %dma_wait3A_272 = arith.constant 0 : i32
    %dma_wait3A_273 = tpu.memref_slice %arg3[%dma_wait3A_264, %dma_wait3A_270, %dma_wait3A_265, %dma_wait3A_271, %dma_wait3A_272] : memref<2048x4x16x8x128xf32, #tpu.memory_space<hbm>> -> memref<1x4x1x8x128xf32, #tpu.memory_space<hbm>>
    %dma_wait3A_274 = tpu.memref_squeeze %dma_wait3A_273 : memref<1x4x1x8x128xf32, #tpu.memory_space<hbm>> -> memref<4x8x128xf32, #tpu.memory_space<hbm>>
    %dma_wait3A_275 = arith.constant 0 : i32
    %dma_wait3A_276 = arith.constant 0 : i32
    %dma_wait3A_277 = arith.constant 0 : i32
    %dma_wait3A_278 = tpu.memref_slice %arg3[%dma_wait3A_264, %dma_wait3A_275, %dma_wait3A_265, %dma_wait3A_276, %dma_wait3A_277] : memref<2048x4x16x8x128xf32, #tpu.memory_space<hbm>> -> memref<1x4x1x8x128xf32, #tpu.memory_space<hbm>>
    %dma_wait3A_279 = tpu.memref_squeeze %dma_wait3A_278 : memref<1x4x1x8x128xf32, #tpu.memory_space<hbm>> -> memref<4x8x128xf32, #tpu.memory_space<hbm>>
    %dma_wait3A_280 = arith.constant 0 : i32
    %dma_wait3A_281 = arith.constant 0 : i32
    %dma_wait3A_282 = arith.constant 0 : i32
    %dma_wait3A_283 = tpu.memref_slice %arg5[%dma_wait3A_280, %dma_wait3A_281, %dma_wait3A_282] : memref<4x8x2560xf32, #tpu.memory_space<vmem>> -> memref<4x8x128xf32, #tpu.memory_space<vmem>>
    tpu.wait_dma2 semaphore(%arg6 : memref<!tpu.dma_semaphore, #tpu.memory_space<semaphore_mem>>) src(%dma_wait3A_283 : memref<4x8x128xf32, #tpu.memory_space<vmem>>) dst(%dma_wait3A_279 : memref<4x8x128xf32, #tpu.memory_space<hbm>>)
    %dma_wait3A_284 = arith.constant 0 : i32
    %dma_wait3A_285 = arith.constant 0 : i32
    %dma_wait3A_286 = arith.constant 0 : i32
    %dma_wait3A_287 = arith.constant 0 : i32
    %dma_wait3A_288 = arith.constant 0 : i32
    %dma_wait3A_289 = tpu.memref_slice %arg5[%dma_wait3A_286, %dma_wait3A_287, %dma_wait3A_288] : memref<4x8x2560xf32, #tpu.memory_space<vmem>> -> memref<4x8x128xf32, #tpu.memory_space<vmem>>
    %dma_wait3A_290 = arith.constant 0 : i32
    %dma_wait3A_291 = arith.constant 0 : i32
    %dma_wait3A_292 = arith.constant 0 : i32
    %dma_wait3A_293 = tpu.memref_slice %arg3[%dma_wait3A_284, %dma_wait3A_290, %dma_wait3A_285, %dma_wait3A_291, %dma_wait3A_292] : memref<2048x4x16x8x128xf32, #tpu.memory_space<hbm>> -> memref<1x4x1x8x128xf32, #tpu.memory_space<hbm>>
    %dma_wait3A_294 = tpu.memref_squeeze %dma_wait3A_293 : memref<1x4x1x8x128xf32, #tpu.memory_space<hbm>> -> memref<4x8x128xf32, #tpu.memory_space<hbm>>
    %dma_wait3A_295 = arith.constant 0 : i32
    %dma_wait3A_296 = arith.constant 0 : i32
    %dma_wait3A_297 = arith.constant 0 : i32
    %dma_wait3A_298 = tpu.memref_slice %arg3[%dma_wait3A_284, %dma_wait3A_295, %dma_wait3A_285, %dma_wait3A_296, %dma_wait3A_297] : memref<2048x4x16x8x128xf32, #tpu.memory_space<hbm>> -> memref<1x4x1x8x128xf32, #tpu.memory_space<hbm>>
    %dma_wait3A_299 = tpu.memref_squeeze %dma_wait3A_298 : memref<1x4x1x8x128xf32, #tpu.memory_space<hbm>> -> memref<4x8x128xf32, #tpu.memory_space<hbm>>
    %dma_wait3A_300 = arith.constant 0 : i32
    %dma_wait3A_301 = arith.constant 0 : i32
    %dma_wait3A_302 = arith.constant 0 : i32
    %dma_wait3A_303 = tpu.memref_slice %arg5[%dma_wait3A_300, %dma_wait3A_301, %dma_wait3A_302] : memref<4x8x2560xf32, #tpu.memory_space<vmem>> -> memref<4x8x128xf32, #tpu.memory_space<vmem>>
    tpu.wait_dma2 semaphore(%arg6 : memref<!tpu.dma_semaphore, #tpu.memory_space<semaphore_mem>>) src(%dma_wait3A_303 : memref<4x8x128xf32, #tpu.memory_space<vmem>>) dst(%dma_wait3A_299 : memref<4x8x128xf32, #tpu.memory_space<hbm>>)
    %dma_wait3A_304 = arith.constant 0 : i32
    %dma_wait3A_305 = arith.constant 0 : i32
    %dma_wait3A_306 = arith.constant 0 : i32
    %dma_wait3A_307 = arith.constant 0 : i32
    %dma_wait3A_308 = arith.constant 0 : i32
    %dma_wait3A_309 = tpu.memref_slice %arg5[%dma_wait3A_306, %dma_wait3A_307, %dma_wait3A_308] : memref<4x8x2560xf32, #tpu.memory_space<vmem>> -> memref<4x8x128xf32, #tpu.memory_space<vmem>>
    %dma_wait3A_310 = arith.constant 0 : i32
    %dma_wait3A_311 = arith.constant 0 : i32
    %dma_wait3A_312 = arith.constant 0 : i32
    %dma_wait3A_313 = tpu.memref_slice %arg3[%dma_wait3A_304, %dma_wait3A_310, %dma_wait3A_305, %dma_wait3A_311, %dma_wait3A_312] : memref<2048x4x16x8x128xf32, #tpu.memory_space<hbm>> -> memref<1x4x1x8x128xf32, #tpu.memory_space<hbm>>
    %dma_wait3A_314 = tpu.memref_squeeze %dma_wait3A_313 : memref<1x4x1x8x128xf32, #tpu.memory_space<hbm>> -> memref<4x8x128xf32, #tpu.memory_space<hbm>>
    %dma_wait3A_315 = arith.constant 0 : i32
    %dma_wait3A_316 = arith.constant 0 : i32
    %dma_wait3A_317 = arith.constant 0 : i32
    %dma_wait3A_318 = tpu.memref_slice %arg3[%dma_wait3A_304, %dma_wait3A_315, %dma_wait3A_305, %dma_wait3A_316, %dma_wait3A_317] : memref<2048x4x16x8x128xf32, #tpu.memory_space<hbm>> -> memref<1x4x1x8x128xf32, #tpu.memory_space<hbm>>
    %dma_wait3A_319 = tpu.memref_squeeze %dma_wait3A_318 : memref<1x4x1x8x128xf32, #tpu.memory_space<hbm>> -> memref<4x8x128xf32, #tpu.memory_space<hbm>>
    %dma_wait3A_320 = arith.constant 0 : i32
    %dma_wait3A_321 = arith.constant 0 : i32
    %dma_wait3A_322 = arith.constant 0 : i32
    %dma_wait3A_323 = tpu.memref_slice %arg5[%dma_wait3A_320, %dma_wait3A_321, %dma_wait3A_322] : memref<4x8x2560xf32, #tpu.memory_space<vmem>> -> memref<4x8x128xf32, #tpu.memory_space<vmem>>
    tpu.wait_dma2 semaphore(%arg6 : memref<!tpu.dma_semaphore, #tpu.memory_space<semaphore_mem>>) src(%dma_wait3A_323 : memref<4x8x128xf32, #tpu.memory_space<vmem>>) dst(%dma_wait3A_319 : memref<4x8x128xf32, #tpu.memory_space<hbm>>)
    %dma_wait3A_324 = arith.constant 0 : i32
    %dma_wait3A_325 = arith.constant 0 : i32
    %dma_wait3A_326 = arith.constant 0 : i32
    %dma_wait3A_327 = arith.constant 0 : i32
    %dma_wait3A_328 = arith.constant 0 : i32
    %dma_wait3A_329 = tpu.memref_slice %arg5[%dma_wait3A_326, %dma_wait3A_327, %dma_wait3A_328] : memref<4x8x2560xf32, #tpu.memory_space<vmem>> -> memref<4x8x128xf32, #tpu.memory_space<vmem>>
    %dma_wait3A_330 = arith.constant 0 : i32
    %dma_wait3A_331 = arith.constant 0 : i32
    %dma_wait3A_332 = arith.constant 0 : i32
    %dma_wait3A_333 = tpu.memref_slice %arg3[%dma_wait3A_324, %dma_wait3A_330, %dma_wait3A_325, %dma_wait3A_331, %dma_wait3A_332] : memref<2048x4x16x8x128xf32, #tpu.memory_space<hbm>> -> memref<1x4x1x8x128xf32, #tpu.memory_space<hbm>>
    %dma_wait3A_334 = tpu.memref_squeeze %dma_wait3A_333 : memref<1x4x1x8x128xf32, #tpu.memory_space<hbm>> -> memref<4x8x128xf32, #tpu.memory_space<hbm>>
    %dma_wait3A_335 = arith.constant 0 : i32
    %dma_wait3A_336 = arith.constant 0 : i32
    %dma_wait3A_337 = arith.constant 0 : i32
    %dma_wait3A_338 = tpu.memref_slice %arg3[%dma_wait3A_324, %dma_wait3A_335, %dma_wait3A_325, %dma_wait3A_336, %dma_wait3A_337] : memref<2048x4x16x8x128xf32, #tpu.memory_space<hbm>> -> memref<1x4x1x8x128xf32, #tpu.memory_space<hbm>>
    %dma_wait3A_339 = tpu.memref_squeeze %dma_wait3A_338 : memref<1x4x1x8x128xf32, #tpu.memory_space<hbm>> -> memref<4x8x128xf32, #tpu.memory_space<hbm>>
    %dma_wait3A_340 = arith.constant 0 : i32
    %dma_wait3A_341 = arith.constant 0 : i32
    %dma_wait3A_342 = arith.constant 0 : i32
    %dma_wait3A_343 = tpu.memref_slice %arg5[%dma_wait3A_340, %dma_wait3A_341, %dma_wait3A_342] : memref<4x8x2560xf32, #tpu.memory_space<vmem>> -> memref<4x8x128xf32, #tpu.memory_space<vmem>>
    tpu.wait_dma2 semaphore(%arg6 : memref<!tpu.dma_semaphore, #tpu.memory_space<semaphore_mem>>) src(%dma_wait3A_343 : memref<4x8x128xf32, #tpu.memory_space<vmem>>) dst(%dma_wait3A_339 : memref<4x8x128xf32, #tpu.memory_space<hbm>>)
    %dma_wait3A_344 = arith.constant 0 : i32
    %dma_wait3A_345 = arith.constant 0 : i32
    %dma_wait3A_346 = arith.constant 0 : i32
    %dma_wait3A_347 = arith.constant 0 : i32
    %dma_wait3A_348 = arith.constant 0 : i32
    %dma_wait3A_349 = tpu.memref_slice %arg5[%dma_wait3A_346, %dma_wait3A_347, %dma_wait3A_348] : memref<4x8x2560xf32, #tpu.memory_space<vmem>> -> memref<4x8x128xf32, #tpu.memory_space<vmem>>
    %dma_wait3A_350 = arith.constant 0 : i32
    %dma_wait3A_351 = arith.constant 0 : i32
    %dma_wait3A_352 = arith.constant 0 : i32
    %dma_wait3A_353 = tpu.memref_slice %arg3[%dma_wait3A_344, %dma_wait3A_350, %dma_wait3A_345, %dma_wait3A_351, %dma_wait3A_352] : memref<2048x4x16x8x128xf32, #tpu.memory_space<hbm>> -> memref<1x4x1x8x128xf32, #tpu.memory_space<hbm>>
    %dma_wait3A_354 = tpu.memref_squeeze %dma_wait3A_353 : memref<1x4x1x8x128xf32, #tpu.memory_space<hbm>> -> memref<4x8x128xf32, #tpu.memory_space<hbm>>
    %dma_wait3A_355 = arith.constant 0 : i32
    %dma_wait3A_356 = arith.constant 0 : i32
    %dma_wait3A_357 = arith.constant 0 : i32
    %dma_wait3A_358 = tpu.memref_slice %arg3[%dma_wait3A_344, %dma_wait3A_355, %dma_wait3A_345, %dma_wait3A_356, %dma_wait3A_357] : memref<2048x4x16x8x128xf32, #tpu.memory_space<hbm>> -> memref<1x4x1x8x128xf32, #tpu.memory_space<hbm>>
    %dma_wait3A_359 = tpu.memref_squeeze %dma_wait3A_358 : memref<1x4x1x8x128xf32, #tpu.memory_space<hbm>> -> memref<4x8x128xf32, #tpu.memory_space<hbm>>
    %dma_wait3A_360 = arith.constant 0 : i32
    %dma_wait3A_361 = arith.constant 0 : i32
    %dma_wait3A_362 = arith.constant 0 : i32
    %dma_wait3A_363 = tpu.memref_slice %arg5[%dma_wait3A_360, %dma_wait3A_361, %dma_wait3A_362] : memref<4x8x2560xf32, #tpu.memory_space<vmem>> -> memref<4x8x128xf32, #tpu.memory_space<vmem>>
    tpu.wait_dma2 semaphore(%arg6 : memref<!tpu.dma_semaphore, #tpu.memory_space<semaphore_mem>>) src(%dma_wait3A_363 : memref<4x8x128xf32, #tpu.memory_space<vmem>>) dst(%dma_wait3A_359 : memref<4x8x128xf32, #tpu.memory_space<hbm>>)
    %dma_wait3A_364 = arith.constant 0 : i32
    %dma_wait3A_365 = arith.constant 0 : i32
    %dma_wait3A_366 = arith.constant 0 : i32
    %dma_wait3A_367 = arith.constant 0 : i32
    %dma_wait3A_368 = arith.constant 0 : i32
    %dma_wait3A_369 = tpu.memref_slice %arg5[%dma_wait3A_366, %dma_wait3A_367, %dma_wait3A_368] : memref<4x8x2560xf32, #tpu.memory_space<vmem>> -> memref<4x8x128xf32, #tpu.memory_space<vmem>>
    %dma_wait3A_370 = arith.constant 0 : i32
    %dma_wait3A_371 = arith.constant 0 : i32
    %dma_wait3A_372 = arith.constant 0 : i32
    %dma_wait3A_373 = tpu.memref_slice %arg3[%dma_wait3A_364, %dma_wait3A_370, %dma_wait3A_365, %dma_wait3A_371, %dma_wait3A_372] : memref<2048x4x16x8x128xf32, #tpu.memory_space<hbm>> -> memref<1x4x1x8x128xf32, #tpu.memory_space<hbm>>
    %dma_wait3A_374 = tpu.memref_squeeze %dma_wait3A_373 : memref<1x4x1x8x128xf32, #tpu.memory_space<hbm>> -> memref<4x8x128xf32, #tpu.memory_space<hbm>>
    %dma_wait3A_375 = arith.constant 0 : i32
    %dma_wait3A_376 = arith.constant 0 : i32
    %dma_wait3A_377 = arith.constant 0 : i32
    %dma_wait3A_378 = tpu.memref_slice %arg3[%dma_wait3A_364, %dma_wait3A_375, %dma_wait3A_365, %dma_wait3A_376, %dma_wait3A_377] : memref<2048x4x16x8x128xf32, #tpu.memory_space<hbm>> -> memref<1x4x1x8x128xf32, #tpu.memory_space<hbm>>
    %dma_wait3A_379 = tpu.memref_squeeze %dma_wait3A_378 : memref<1x4x1x8x128xf32, #tpu.memory_space<hbm>> -> memref<4x8x128xf32, #tpu.memory_space<hbm>>
    %dma_wait3A_380 = arith.constant 0 : i32
    %dma_wait3A_381 = arith.constant 0 : i32
    %dma_wait3A_382 = arith.constant 0 : i32
    %dma_wait3A_383 = tpu.memref_slice %arg5[%dma_wait3A_380, %dma_wait3A_381, %dma_wait3A_382] : memref<4x8x2560xf32, #tpu.memory_space<vmem>> -> memref<4x8x128xf32, #tpu.memory_space<vmem>>
    tpu.wait_dma2 semaphore(%arg6 : memref<!tpu.dma_semaphore, #tpu.memory_space<semaphore_mem>>) src(%dma_wait3A_383 : memref<4x8x128xf32, #tpu.memory_space<vmem>>) dst(%dma_wait3A_379 : memref<4x8x128xf32, #tpu.memory_space<hbm>>)
    %dma_wait3A_384 = arith.constant 0 : i32
    %dma_wait3A_385 = arith.constant 0 : i32
    %dma_wait3A_386 = arith.constant 0 : i32
    %dma_wait3A_387 = arith.constant 0 : i32
    %dma_wait3A_388 = arith.constant 0 : i32
    %dma_wait3A_389 = tpu.memref_slice %arg5[%dma_wait3A_386, %dma_wait3A_387, %dma_wait3A_388] : memref<4x8x2560xf32, #tpu.memory_space<vmem>> -> memref<4x8x128xf32, #tpu.memory_space<vmem>>
    %dma_wait3A_390 = arith.constant 0 : i32
    %dma_wait3A_391 = arith.constant 0 : i32
    %dma_wait3A_392 = arith.constant 0 : i32
    %dma_wait3A_393 = tpu.memref_slice %arg3[%dma_wait3A_384, %dma_wait3A_390, %dma_wait3A_385, %dma_wait3A_391, %dma_wait3A_392] : memref<2048x4x16x8x128xf32, #tpu.memory_space<hbm>> -> memref<1x4x1x8x128xf32, #tpu.memory_space<hbm>>
    %dma_wait3A_394 = tpu.memref_squeeze %dma_wait3A_393 : memref<1x4x1x8x128xf32, #tpu.memory_space<hbm>> -> memref<4x8x128xf32, #tpu.memory_space<hbm>>
    %dma_wait3A_395 = arith.constant 0 : i32
    %dma_wait3A_396 = arith.constant 0 : i32
    %dma_wait3A_397 = arith.constant 0 : i32
    %dma_wait3A_398 = tpu.memref_slice %arg3[%dma_wait3A_384, %dma_wait3A_395, %dma_wait3A_385, %dma_wait3A_396, %dma_wait3A_397] : memref<2048x4x16x8x128xf32, #tpu.memory_space<hbm>> -> memref<1x4x1x8x128xf32, #tpu.memory_space<hbm>>
    %dma_wait3A_399 = tpu.memref_squeeze %dma_wait3A_398 : memref<1x4x1x8x128xf32, #tpu.memory_space<hbm>> -> memref<4x8x128xf32, #tpu.memory_space<hbm>>
    %dma_wait3A_400 = arith.constant 0 : i32
    %dma_wait3A_401 = arith.constant 0 : i32
    %dma_wait3A_402 = arith.constant 0 : i32
    %dma_wait3A_403 = tpu.memref_slice %arg5[%dma_wait3A_400, %dma_wait3A_401, %dma_wait3A_402] : memref<4x8x2560xf32, #tpu.memory_space<vmem>> -> memref<4x8x128xf32, #tpu.memory_space<vmem>>
    tpu.wait_dma2 semaphore(%arg6 : memref<!tpu.dma_semaphore, #tpu.memory_space<semaphore_mem>>) src(%dma_wait3A_403 : memref<4x8x128xf32, #tpu.memory_space<vmem>>) dst(%dma_wait3A_399 : memref<4x8x128xf32, #tpu.memory_space<hbm>>)
    %dma_wait3A_404 = arith.constant 0 : i32
    %dma_wait3A_405 = arith.constant 0 : i32
    %dma_wait3A_406 = arith.constant 0 : i32
    %dma_wait3A_407 = arith.constant 0 : i32
    %dma_wait3A_408 = arith.constant 0 : i32
    %dma_wait3A_409 = tpu.memref_slice %arg5[%dma_wait3A_406, %dma_wait3A_407, %dma_wait3A_408] : memref<4x8x2560xf32, #tpu.memory_space<vmem>> -> memref<4x8x128xf32, #tpu.memory_space<vmem>>
    %dma_wait3A_410 = arith.constant 0 : i32
    %dma_wait3A_411 = arith.constant 0 : i32
    %dma_wait3A_412 = arith.constant 0 : i32
    %dma_wait3A_413 = tpu.memref_slice %arg3[%dma_wait3A_404, %dma_wait3A_410, %dma_wait3A_405, %dma_wait3A_411, %dma_wait3A_412] : memref<2048x4x16x8x128xf32, #tpu.memory_space<hbm>> -> memref<1x4x1x8x128xf32, #tpu.memory_space<hbm>>
    %dma_wait3A_414 = tpu.memref_squeeze %dma_wait3A_413 : memref<1x4x1x8x128xf32, #tpu.memory_space<hbm>> -> memref<4x8x128xf32, #tpu.memory_space<hbm>>
    %dma_wait3A_415 = arith.constant 0 : i32
    %dma_wait3A_416 = arith.constant 0 : i32
    %dma_wait3A_417 = arith.constant 0 : i32
    %dma_wait3A_418 = tpu.memref_slice %arg3[%dma_wait3A_404, %dma_wait3A_415, %dma_wait3A_405, %dma_wait3A_416, %dma_wait3A_417] : memref<2048x4x16x8x128xf32, #tpu.memory_space<hbm>> -> memref<1x4x1x8x128xf32, #tpu.memory_space<hbm>>
    %dma_wait3A_419 = tpu.memref_squeeze %dma_wait3A_418 : memref<1x4x1x8x128xf32, #tpu.memory_space<hbm>> -> memref<4x8x128xf32, #tpu.memory_space<hbm>>
    %dma_wait3A_420 = arith.constant 0 : i32
    %dma_wait3A_421 = arith.constant 0 : i32
    %dma_wait3A_422 = arith.constant 0 : i32
    %dma_wait3A_423 = tpu.memref_slice %arg5[%dma_wait3A_420, %dma_wait3A_421, %dma_wait3A_422] : memref<4x8x2560xf32, #tpu.memory_space<vmem>> -> memref<4x8x128xf32, #tpu.memory_space<vmem>>
    tpu.wait_dma2 semaphore(%arg6 : memref<!tpu.dma_semaphore, #tpu.memory_space<semaphore_mem>>) src(%dma_wait3A_423 : memref<4x8x128xf32, #tpu.memory_space<vmem>>) dst(%dma_wait3A_419 : memref<4x8x128xf32, #tpu.memory_space<hbm>>)
    %dma_wait3A_424 = arith.constant 0 : i32
    %dma_wait3A_425 = arith.constant 0 : i32
    %dma_wait3A_426 = arith.constant 0 : i32
    %dma_wait3A_427 = arith.constant 0 : i32
    %dma_wait3A_428 = arith.constant 0 : i32
    %dma_wait3A_429 = tpu.memref_slice %arg5[%dma_wait3A_426, %dma_wait3A_427, %dma_wait3A_428] : memref<4x8x2560xf32, #tpu.memory_space<vmem>> -> memref<4x8x128xf32, #tpu.memory_space<vmem>>
    %dma_wait3A_430 = arith.constant 0 : i32
    %dma_wait3A_431 = arith.constant 0 : i32
    %dma_wait3A_432 = arith.constant 0 : i32
    %dma_wait3A_433 = tpu.memref_slice %arg3[%dma_wait3A_424, %dma_wait3A_430, %dma_wait3A_425, %dma_wait3A_431, %dma_wait3A_432] : memref<2048x4x16x8x128xf32, #tpu.memory_space<hbm>> -> memref<1x4x1x8x128xf32, #tpu.memory_space<hbm>>
    %dma_wait3A_434 = tpu.memref_squeeze %dma_wait3A_433 : memref<1x4x1x8x128xf32, #tpu.memory_space<hbm>> -> memref<4x8x128xf32, #tpu.memory_space<hbm>>
    %dma_wait3A_435 = arith.constant 0 : i32
    %dma_wait3A_436 = arith.constant 0 : i32
    %dma_wait3A_437 = arith.constant 0 : i32
    %dma_wait3A_438 = tpu.memref_slice %arg3[%dma_wait3A_424, %dma_wait3A_435, %dma_wait3A_425, %dma_wait3A_436, %dma_wait3A_437] : memref<2048x4x16x8x128xf32, #tpu.memory_space<hbm>> -> memref<1x4x1x8x128xf32, #tpu.memory_space<hbm>>
    %dma_wait3A_439 = tpu.memref_squeeze %dma_wait3A_438 : memref<1x4x1x8x128xf32, #tpu.memory_space<hbm>> -> memref<4x8x128xf32, #tpu.memory_space<hbm>>
    %dma_wait3A_440 = arith.constant 0 : i32
    %dma_wait3A_441 = arith.constant 0 : i32
    %dma_wait3A_442 = arith.constant 0 : i32
    %dma_wait3A_443 = tpu.memref_slice %arg5[%dma_wait3A_440, %dma_wait3A_441, %dma_wait3A_442] : memref<4x8x2560xf32, #tpu.memory_space<vmem>> -> memref<4x8x128xf32, #tpu.memory_space<vmem>>
    tpu.wait_dma2 semaphore(%arg6 : memref<!tpu.dma_semaphore, #tpu.memory_space<semaphore_mem>>) src(%dma_wait3A_443 : memref<4x8x128xf32, #tpu.memory_space<vmem>>) dst(%dma_wait3A_439 : memref<4x8x128xf32, #tpu.memory_space<hbm>>)
    %dma_wait3A_444 = arith.constant 0 : i32
    %dma_wait3A_445 = arith.constant 0 : i32
    %dma_wait3A_446 = arith.constant 0 : i32
    %dma_wait3A_447 = arith.constant 0 : i32
    %dma_wait3A_448 = arith.constant 0 : i32
    %dma_wait3A_449 = tpu.memref_slice %arg5[%dma_wait3A_446, %dma_wait3A_447, %dma_wait3A_448] : memref<4x8x2560xf32, #tpu.memory_space<vmem>> -> memref<4x8x128xf32, #tpu.memory_space<vmem>>
    %dma_wait3A_450 = arith.constant 0 : i32
    %dma_wait3A_451 = arith.constant 0 : i32
    %dma_wait3A_452 = arith.constant 0 : i32
    %dma_wait3A_453 = tpu.memref_slice %arg3[%dma_wait3A_444, %dma_wait3A_450, %dma_wait3A_445, %dma_wait3A_451, %dma_wait3A_452] : memref<2048x4x16x8x128xf32, #tpu.memory_space<hbm>> -> memref<1x4x1x8x128xf32, #tpu.memory_space<hbm>>
    %dma_wait3A_454 = tpu.memref_squeeze %dma_wait3A_453 : memref<1x4x1x8x128xf32, #tpu.memory_space<hbm>> -> memref<4x8x128xf32, #tpu.memory_space<hbm>>
    %dma_wait3A_455 = arith.constant 0 : i32
    %dma_wait3A_456 = arith.constant 0 : i32
    %dma_wait3A_457 = arith.constant 0 : i32
    %dma_wait3A_458 = tpu.memref_slice %arg3[%dma_wait3A_444, %dma_wait3A_455, %dma_wait3A_445, %dma_wait3A_456, %dma_wait3A_457] : memref<2048x4x16x8x128xf32, #tpu.memory_space<hbm>> -> memref<1x4x1x8x128xf32, #tpu.memory_space<hbm>>
    %dma_wait3A_459 = tpu.memref_squeeze %dma_wait3A_458 : memref<1x4x1x8x128xf32, #tpu.memory_space<hbm>> -> memref<4x8x128xf32, #tpu.memory_space<hbm>>
    %dma_wait3A_460 = arith.constant 0 : i32
    %dma_wait3A_461 = arith.constant 0 : i32
    %dma_wait3A_462 = arith.constant 0 : i32
    %dma_wait3A_463 = tpu.memref_slice %arg5[%dma_wait3A_460, %dma_wait3A_461, %dma_wait3A_462] : memref<4x8x2560xf32, #tpu.memory_space<vmem>> -> memref<4x8x128xf32, #tpu.memory_space<vmem>>
    tpu.wait_dma2 semaphore(%arg6 : memref<!tpu.dma_semaphore, #tpu.memory_space<semaphore_mem>>) src(%dma_wait3A_463 : memref<4x8x128xf32, #tpu.memory_space<vmem>>) dst(%dma_wait3A_459 : memref<4x8x128xf32, #tpu.memory_space<hbm>>)
    %dma_wait3A_464 = arith.constant 0 : i32
    %dma_wait3A_465 = arith.constant 0 : i32
    %dma_wait3A_466 = arith.constant 0 : i32
    %dma_wait3A_467 = arith.constant 0 : i32
    %dma_wait3A_468 = arith.constant 0 : i32
    %dma_wait3A_469 = tpu.memref_slice %arg5[%dma_wait3A_466, %dma_wait3A_467, %dma_wait3A_468] : memref<4x8x2560xf32, #tpu.memory_space<vmem>> -> memref<4x8x128xf32, #tpu.memory_space<vmem>>
    %dma_wait3A_470 = arith.constant 0 : i32
    %dma_wait3A_471 = arith.constant 0 : i32
    %dma_wait3A_472 = arith.constant 0 : i32
    %dma_wait3A_473 = tpu.memref_slice %arg3[%dma_wait3A_464, %dma_wait3A_470, %dma_wait3A_465, %dma_wait3A_471, %dma_wait3A_472] : memref<2048x4x16x8x128xf32, #tpu.memory_space<hbm>> -> memref<1x4x1x8x128xf32, #tpu.memory_space<hbm>>
    %dma_wait3A_474 = tpu.memref_squeeze %dma_wait3A_473 : memref<1x4x1x8x128xf32, #tpu.memory_space<hbm>> -> memref<4x8x128xf32, #tpu.memory_space<hbm>>
    %dma_wait3A_475 = arith.constant 0 : i32
    %dma_wait3A_476 = arith.constant 0 : i32
    %dma_wait3A_477 = arith.constant 0 : i32
    %dma_wait3A_478 = tpu.memref_slice %arg3[%dma_wait3A_464, %dma_wait3A_475, %dma_wait3A_465, %dma_wait3A_476, %dma_wait3A_477] : memref<2048x4x16x8x128xf32, #tpu.memory_space<hbm>> -> memref<1x4x1x8x128xf32, #tpu.memory_space<hbm>>
    %dma_wait3A_479 = tpu.memref_squeeze %dma_wait3A_478 : memref<1x4x1x8x128xf32, #tpu.memory_space<hbm>> -> memref<4x8x128xf32, #tpu.memory_space<hbm>>
    %dma_wait3A_480 = arith.constant 0 : i32
    %dma_wait3A_481 = arith.constant 0 : i32
    %dma_wait3A_482 = arith.constant 0 : i32
    %dma_wait3A_483 = tpu.memref_slice %arg5[%dma_wait3A_480, %dma_wait3A_481, %dma_wait3A_482] : memref<4x8x2560xf32, #tpu.memory_space<vmem>> -> memref<4x8x128xf32, #tpu.memory_space<vmem>>
    tpu.wait_dma2 semaphore(%arg6 : memref<!tpu.dma_semaphore, #tpu.memory_space<semaphore_mem>>) src(%dma_wait3A_483 : memref<4x8x128xf32, #tpu.memory_space<vmem>>) dst(%dma_wait3A_479 : memref<4x8x128xf32, #tpu.memory_space<hbm>>)
    %dma_wait3A_484 = arith.constant 0 : i32
    %dma_wait3A_485 = arith.constant 0 : i32
    %dma_wait3A_486 = arith.constant 0 : i32
    %dma_wait3A_487 = arith.constant 0 : i32
    %dma_wait3A_488 = arith.constant 0 : i32
    %dma_wait3A_489 = tpu.memref_slice %arg5[%dma_wait3A_486, %dma_wait3A_487, %dma_wait3A_488] : memref<4x8x2560xf32, #tpu.memory_space<vmem>> -> memref<4x8x128xf32, #tpu.memory_space<vmem>>
    %dma_wait3A_490 = arith.constant 0 : i32
    %dma_wait3A_491 = arith.constant 0 : i32
    %dma_wait3A_492 = arith.constant 0 : i32
    %dma_wait3A_493 = tpu.memref_slice %arg3[%dma_wait3A_484, %dma_wait3A_490, %dma_wait3A_485, %dma_wait3A_491, %dma_wait3A_492] : memref<2048x4x16x8x128xf32, #tpu.memory_space<hbm>> -> memref<1x4x1x8x128xf32, #tpu.memory_space<hbm>>
    %dma_wait3A_494 = tpu.memref_squeeze %dma_wait3A_493 : memref<1x4x1x8x128xf32, #tpu.memory_space<hbm>> -> memref<4x8x128xf32, #tpu.memory_space<hbm>>
    %dma_wait3A_495 = arith.constant 0 : i32
    %dma_wait3A_496 = arith.constant 0 : i32
    %dma_wait3A_497 = arith.constant 0 : i32
    %dma_wait3A_498 = tpu.memref_slice %arg3[%dma_wait3A_484, %dma_wait3A_495, %dma_wait3A_485, %dma_wait3A_496, %dma_wait3A_497] : memref<2048x4x16x8x128xf32, #tpu.memory_space<hbm>> -> memref<1x4x1x8x128xf32, #tpu.memory_space<hbm>>
    %dma_wait3A_499 = tpu.memref_squeeze %dma_wait3A_498 : memref<1x4x1x8x128xf32, #tpu.memory_space<hbm>> -> memref<4x8x128xf32, #tpu.memory_space<hbm>>
    %dma_wait3A_500 = arith.constant 0 : i32
    %dma_wait3A_501 = arith.constant 0 : i32
    %dma_wait3A_502 = arith.constant 0 : i32
    %dma_wait3A_503 = tpu.memref_slice %arg5[%dma_wait3A_500, %dma_wait3A_501, %dma_wait3A_502] : memref<4x8x2560xf32, #tpu.memory_space<vmem>> -> memref<4x8x128xf32, #tpu.memory_space<vmem>>
    tpu.wait_dma2 semaphore(%arg6 : memref<!tpu.dma_semaphore, #tpu.memory_space<semaphore_mem>>) src(%dma_wait3A_503 : memref<4x8x128xf32, #tpu.memory_space<vmem>>) dst(%dma_wait3A_499 : memref<4x8x128xf32, #tpu.memory_space<hbm>>)
    %dma_wait3A_504 = arith.constant 0 : i32
    %dma_wait3A_505 = arith.constant 0 : i32
    %dma_wait3A_506 = arith.constant 0 : i32
    %dma_wait3A_507 = arith.constant 0 : i32
    %dma_wait3A_508 = arith.constant 0 : i32
    %dma_wait3A_509 = tpu.memref_slice %arg5[%dma_wait3A_506, %dma_wait3A_507, %dma_wait3A_508] : memref<4x8x2560xf32, #tpu.memory_space<vmem>> -> memref<4x8x128xf32, #tpu.memory_space<vmem>>
    %dma_wait3A_510 = arith.constant 0 : i32
    %dma_wait3A_511 = arith.constant 0 : i32
    %dma_wait3A_512 = arith.constant 0 : i32
    %dma_wait3A_513 = tpu.memref_slice %arg3[%dma_wait3A_504, %dma_wait3A_510, %dma_wait3A_505, %dma_wait3A_511, %dma_wait3A_512] : memref<2048x4x16x8x128xf32, #tpu.memory_space<hbm>> -> memref<1x4x1x8x128xf32, #tpu.memory_space<hbm>>
    %dma_wait3A_514 = tpu.memref_squeeze %dma_wait3A_513 : memref<1x4x1x8x128xf32, #tpu.memory_space<hbm>> -> memref<4x8x128xf32, #tpu.memory_space<hbm>>
    %dma_wait3A_515 = arith.constant 0 : i32
    %dma_wait3A_516 = arith.constant 0 : i32
    %dma_wait3A_517 = arith.constant 0 : i32
    %dma_wait3A_518 = tpu.memref_slice %arg3[%dma_wait3A_504, %dma_wait3A_515, %dma_wait3A_505, %dma_wait3A_516, %dma_wait3A_517] : memref<2048x4x16x8x128xf32, #tpu.memory_space<hbm>> -> memref<1x4x1x8x128xf32, #tpu.memory_space<hbm>>
    %dma_wait3A_519 = tpu.memref_squeeze %dma_wait3A_518 : memref<1x4x1x8x128xf32, #tpu.memory_space<hbm>> -> memref<4x8x128xf32, #tpu.memory_space<hbm>>
    %dma_wait3A_520 = arith.constant 0 : i32
    %dma_wait3A_521 = arith.constant 0 : i32
    %dma_wait3A_522 = arith.constant 0 : i32
    %dma_wait3A_523 = tpu.memref_slice %arg5[%dma_wait3A_520, %dma_wait3A_521, %dma_wait3A_522] : memref<4x8x2560xf32, #tpu.memory_space<vmem>> -> memref<4x8x128xf32, #tpu.memory_space<vmem>>
    tpu.wait_dma2 semaphore(%arg6 : memref<!tpu.dma_semaphore, #tpu.memory_space<semaphore_mem>>) src(%dma_wait3A_523 : memref<4x8x128xf32, #tpu.memory_space<vmem>>) dst(%dma_wait3A_519 : memref<4x8x128xf32, #tpu.memory_space<hbm>>)
    %dma_wait3A_524 = arith.constant 0 : i32
    %dma_wait3A_525 = arith.constant 0 : i32
    %dma_wait3A_526 = arith.constant 0 : i32
    %dma_wait3A_527 = arith.constant 0 : i32
    %dma_wait3A_528 = arith.constant 0 : i32
    %dma_wait3A_529 = tpu.memref_slice %arg5[%dma_wait3A_526, %dma_wait3A_527, %dma_wait3A_528] : memref<4x8x2560xf32, #tpu.memory_space<vmem>> -> memref<4x8x128xf32, #tpu.memory_space<vmem>>
    %dma_wait3A_530 = arith.constant 0 : i32
    %dma_wait3A_531 = arith.constant 0 : i32
    %dma_wait3A_532 = arith.constant 0 : i32
    %dma_wait3A_533 = tpu.memref_slice %arg3[%dma_wait3A_524, %dma_wait3A_530, %dma_wait3A_525, %dma_wait3A_531, %dma_wait3A_532] : memref<2048x4x16x8x128xf32, #tpu.memory_space<hbm>> -> memref<1x4x1x8x128xf32, #tpu.memory_space<hbm>>
    %dma_wait3A_534 = tpu.memref_squeeze %dma_wait3A_533 : memref<1x4x1x8x128xf32, #tpu.memory_space<hbm>> -> memref<4x8x128xf32, #tpu.memory_space<hbm>>
    %dma_wait3A_535 = arith.constant 0 : i32
    %dma_wait3A_536 = arith.constant 0 : i32
    %dma_wait3A_537 = arith.constant 0 : i32
    %dma_wait3A_538 = tpu.memref_slice %arg3[%dma_wait3A_524, %dma_wait3A_535, %dma_wait3A_525, %dma_wait3A_536, %dma_wait3A_537] : memref<2048x4x16x8x128xf32, #tpu.memory_space<hbm>> -> memref<1x4x1x8x128xf32, #tpu.memory_space<hbm>>
    %dma_wait3A_539 = tpu.memref_squeeze %dma_wait3A_538 : memref<1x4x1x8x128xf32, #tpu.memory_space<hbm>> -> memref<4x8x128xf32, #tpu.memory_space<hbm>>
    %dma_wait3A_540 = arith.constant 0 : i32
    %dma_wait3A_541 = arith.constant 0 : i32
    %dma_wait3A_542 = arith.constant 0 : i32
    %dma_wait3A_543 = tpu.memref_slice %arg5[%dma_wait3A_540, %dma_wait3A_541, %dma_wait3A_542] : memref<4x8x2560xf32, #tpu.memory_space<vmem>> -> memref<4x8x128xf32, #tpu.memory_space<vmem>>
    tpu.wait_dma2 semaphore(%arg6 : memref<!tpu.dma_semaphore, #tpu.memory_space<semaphore_mem>>) src(%dma_wait3A_543 : memref<4x8x128xf32, #tpu.memory_space<vmem>>) dst(%dma_wait3A_539 : memref<4x8x128xf32, #tpu.memory_space<hbm>>)
    %dma_wait3A_544 = arith.constant 0 : i32
    %dma_wait3A_545 = arith.constant 0 : i32
    %dma_wait3A_546 = arith.constant 0 : i32
    %dma_wait3A_547 = arith.constant 0 : i32
    %dma_wait3A_548 = arith.constant 0 : i32
    %dma_wait3A_549 = tpu.memref_slice %arg5[%dma_wait3A_546, %dma_wait3A_547, %dma_wait3A_548] : memref<4x8x2560xf32, #tpu.memory_space<vmem>> -> memref<4x8x128xf32, #tpu.memory_space<vmem>>
    %dma_wait3A_550 = arith.constant 0 : i32
    %dma_wait3A_551 = arith.constant 0 : i32
    %dma_wait3A_552 = arith.constant 0 : i32
    %dma_wait3A_553 = tpu.memref_slice %arg3[%dma_wait3A_544, %dma_wait3A_550, %dma_wait3A_545, %dma_wait3A_551, %dma_wait3A_552] : memref<2048x4x16x8x128xf32, #tpu.memory_space<hbm>> -> memref<1x4x1x8x128xf32, #tpu.memory_space<hbm>>
    %dma_wait3A_554 = tpu.memref_squeeze %dma_wait3A_553 : memref<1x4x1x8x128xf32, #tpu.memory_space<hbm>> -> memref<4x8x128xf32, #tpu.memory_space<hbm>>
    %dma_wait3A_555 = arith.constant 0 : i32
    %dma_wait3A_556 = arith.constant 0 : i32
    %dma_wait3A_557 = arith.constant 0 : i32
    %dma_wait3A_558 = tpu.memref_slice %arg3[%dma_wait3A_544, %dma_wait3A_555, %dma_wait3A_545, %dma_wait3A_556, %dma_wait3A_557] : memref<2048x4x16x8x128xf32, #tpu.memory_space<hbm>> -> memref<1x4x1x8x128xf32, #tpu.memory_space<hbm>>
    %dma_wait3A_559 = tpu.memref_squeeze %dma_wait3A_558 : memref<1x4x1x8x128xf32, #tpu.memory_space<hbm>> -> memref<4x8x128xf32, #tpu.memory_space<hbm>>
    %dma_wait3A_560 = arith.constant 0 : i32
    %dma_wait3A_561 = arith.constant 0 : i32
    %dma_wait3A_562 = arith.constant 0 : i32
    %dma_wait3A_563 = tpu.memref_slice %arg5[%dma_wait3A_560, %dma_wait3A_561, %dma_wait3A_562] : memref<4x8x2560xf32, #tpu.memory_space<vmem>> -> memref<4x8x128xf32, #tpu.memory_space<vmem>>
    tpu.wait_dma2 semaphore(%arg6 : memref<!tpu.dma_semaphore, #tpu.memory_space<semaphore_mem>>) src(%dma_wait3A_563 : memref<4x8x128xf32, #tpu.memory_space<vmem>>) dst(%dma_wait3A_559 : memref<4x8x128xf32, #tpu.memory_space<hbm>>)
    %dma_wait3A_564 = arith.constant 0 : i32
    %dma_wait3A_565 = arith.constant 0 : i32
    %dma_wait3A_566 = arith.constant 0 : i32
    %dma_wait3A_567 = arith.constant 0 : i32
    %dma_wait3A_568 = arith.constant 0 : i32
    %dma_wait3A_569 = tpu.memref_slice %arg5[%dma_wait3A_566, %dma_wait3A_567, %dma_wait3A_568] : memref<4x8x2560xf32, #tpu.memory_space<vmem>> -> memref<4x8x128xf32, #tpu.memory_space<vmem>>
    %dma_wait3A_570 = arith.constant 0 : i32
    %dma_wait3A_571 = arith.constant 0 : i32
    %dma_wait3A_572 = arith.constant 0 : i32
    %dma_wait3A_573 = tpu.memref_slice %arg3[%dma_wait3A_564, %dma_wait3A_570, %dma_wait3A_565, %dma_wait3A_571, %dma_wait3A_572] : memref<2048x4x16x8x128xf32, #tpu.memory_space<hbm>> -> memref<1x4x1x8x128xf32, #tpu.memory_space<hbm>>
    %dma_wait3A_574 = tpu.memref_squeeze %dma_wait3A_573 : memref<1x4x1x8x128xf32, #tpu.memory_space<hbm>> -> memref<4x8x128xf32, #tpu.memory_space<hbm>>
    %dma_wait3A_575 = arith.constant 0 : i32
    %dma_wait3A_576 = arith.constant 0 : i32
    %dma_wait3A_577 = arith.constant 0 : i32
    %dma_wait3A_578 = tpu.memref_slice %arg3[%dma_wait3A_564, %dma_wait3A_575, %dma_wait3A_565, %dma_wait3A_576, %dma_wait3A_577] : memref<2048x4x16x8x128xf32, #tpu.memory_space<hbm>> -> memref<1x4x1x8x128xf32, #tpu.memory_space<hbm>>
    %dma_wait3A_579 = tpu.memref_squeeze %dma_wait3A_578 : memref<1x4x1x8x128xf32, #tpu.memory_space<hbm>> -> memref<4x8x128xf32, #tpu.memory_space<hbm>>
    %dma_wait3A_580 = arith.constant 0 : i32
    %dma_wait3A_581 = arith.constant 0 : i32
    %dma_wait3A_582 = arith.constant 0 : i32
    %dma_wait3A_583 = tpu.memref_slice %arg5[%dma_wait3A_580, %dma_wait3A_581, %dma_wait3A_582] : memref<4x8x2560xf32, #tpu.memory_space<vmem>> -> memref<4x8x128xf32, #tpu.memory_space<vmem>>
    tpu.wait_dma2 semaphore(%arg6 : memref<!tpu.dma_semaphore, #tpu.memory_space<semaphore_mem>>) src(%dma_wait3A_583 : memref<4x8x128xf32, #tpu.memory_space<vmem>>) dst(%dma_wait3A_579 : memref<4x8x128xf32, #tpu.memory_space<hbm>>)
    %dma_wait3A_584 = arith.constant 0 : i32
    %dma_wait3A_585 = arith.constant 0 : i32
    %dma_wait3A_586 = arith.constant 0 : i32
    %dma_wait3A_587 = arith.constant 0 : i32
    %dma_wait3A_588 = arith.constant 0 : i32
    %dma_wait3A_589 = tpu.memref_slice %arg5[%dma_wait3A_586, %dma_wait3A_587, %dma_wait3A_588] : memref<4x8x2560xf32, #tpu.memory_space<vmem>> -> memref<4x8x128xf32, #tpu.memory_space<vmem>>
    %dma_wait3A_590 = arith.constant 0 : i32
    %dma_wait3A_591 = arith.constant 0 : i32
    %dma_wait3A_592 = arith.constant 0 : i32
    %dma_wait3A_593 = tpu.memref_slice %arg3[%dma_wait3A_584, %dma_wait3A_590, %dma_wait3A_585, %dma_wait3A_591, %dma_wait3A_592] : memref<2048x4x16x8x128xf32, #tpu.memory_space<hbm>> -> memref<1x4x1x8x128xf32, #tpu.memory_space<hbm>>
    %dma_wait3A_594 = tpu.memref_squeeze %dma_wait3A_593 : memref<1x4x1x8x128xf32, #tpu.memory_space<hbm>> -> memref<4x8x128xf32, #tpu.memory_space<hbm>>
    %dma_wait3A_595 = arith.constant 0 : i32
    %dma_wait3A_596 = arith.constant 0 : i32
    %dma_wait3A_597 = arith.constant 0 : i32
    %dma_wait3A_598 = tpu.memref_slice %arg3[%dma_wait3A_584, %dma_wait3A_595, %dma_wait3A_585, %dma_wait3A_596, %dma_wait3A_597] : memref<2048x4x16x8x128xf32, #tpu.memory_space<hbm>> -> memref<1x4x1x8x128xf32, #tpu.memory_space<hbm>>
    %dma_wait3A_599 = tpu.memref_squeeze %dma_wait3A_598 : memref<1x4x1x8x128xf32, #tpu.memory_space<hbm>> -> memref<4x8x128xf32, #tpu.memory_space<hbm>>
    %dma_wait3A_600 = arith.constant 0 : i32
    %dma_wait3A_601 = arith.constant 0 : i32
    %dma_wait3A_602 = arith.constant 0 : i32
    %dma_wait3A_603 = tpu.memref_slice %arg5[%dma_wait3A_600, %dma_wait3A_601, %dma_wait3A_602] : memref<4x8x2560xf32, #tpu.memory_space<vmem>> -> memref<4x8x128xf32, #tpu.memory_space<vmem>>
    tpu.wait_dma2 semaphore(%arg6 : memref<!tpu.dma_semaphore, #tpu.memory_space<semaphore_mem>>) src(%dma_wait3A_603 : memref<4x8x128xf32, #tpu.memory_space<vmem>>) dst(%dma_wait3A_599 : memref<4x8x128xf32, #tpu.memory_space<hbm>>)
    %dma_wait3A_604 = arith.constant 0 : i32
    %dma_wait3A_605 = arith.constant 0 : i32
    %dma_wait3A_606 = arith.constant 0 : i32
    %dma_wait3A_607 = arith.constant 0 : i32
    %dma_wait3A_608 = arith.constant 0 : i32
    %dma_wait3A_609 = tpu.memref_slice %arg5[%dma_wait3A_606, %dma_wait3A_607, %dma_wait3A_608] : memref<4x8x2560xf32, #tpu.memory_space<vmem>> -> memref<4x8x128xf32, #tpu.memory_space<vmem>>
    %dma_wait3A_610 = arith.constant 0 : i32
    %dma_wait3A_611 = arith.constant 0 : i32
    %dma_wait3A_612 = arith.constant 0 : i32
    %dma_wait3A_613 = tpu.memref_slice %arg3[%dma_wait3A_604, %dma_wait3A_610, %dma_wait3A_605, %dma_wait3A_611, %dma_wait3A_612] : memref<2048x4x16x8x128xf32, #tpu.memory_space<hbm>> -> memref<1x4x1x8x128xf32, #tpu.memory_space<hbm>>
    %dma_wait3A_614 = tpu.memref_squeeze %dma_wait3A_613 : memref<1x4x1x8x128xf32, #tpu.memory_space<hbm>> -> memref<4x8x128xf32, #tpu.memory_space<hbm>>
    %dma_wait3A_615 = arith.constant 0 : i32
    %dma_wait3A_616 = arith.constant 0 : i32
    %dma_wait3A_617 = arith.constant 0 : i32
    %dma_wait3A_618 = tpu.memref_slice %arg3[%dma_wait3A_604, %dma_wait3A_615, %dma_wait3A_605, %dma_wait3A_616, %dma_wait3A_617] : memref<2048x4x16x8x128xf32, #tpu.memory_space<hbm>> -> memref<1x4x1x8x128xf32, #tpu.memory_space<hbm>>
    %dma_wait3A_619 = tpu.memref_squeeze %dma_wait3A_618 : memref<1x4x1x8x128xf32, #tpu.memory_space<hbm>> -> memref<4x8x128xf32, #tpu.memory_space<hbm>>
    %dma_wait3A_620 = arith.constant 0 : i32
    %dma_wait3A_621 = arith.constant 0 : i32
    %dma_wait3A_622 = arith.constant 0 : i32
    %dma_wait3A_623 = tpu.memref_slice %arg5[%dma_wait3A_620, %dma_wait3A_621, %dma_wait3A_622] : memref<4x8x2560xf32, #tpu.memory_space<vmem>> -> memref<4x8x128xf32, #tpu.memory_space<vmem>>
    tpu.wait_dma2 semaphore(%arg6 : memref<!tpu.dma_semaphore, #tpu.memory_space<semaphore_mem>>) src(%dma_wait3A_623 : memref<4x8x128xf32, #tpu.memory_space<vmem>>) dst(%dma_wait3A_619 : memref<4x8x128xf32, #tpu.memory_space<hbm>>)
    %dma_wait3A_624 = arith.constant 0 : i32
    %dma_wait3A_625 = arith.constant 0 : i32
    %dma_wait3A_626 = arith.constant 0 : i32
    %dma_wait3A_627 = arith.constant 0 : i32
    %dma_wait3A_628 = arith.constant 0 : i32
    %dma_wait3A_629 = tpu.memref_slice %arg5[%dma_wait3A_626, %dma_wait3A_627, %dma_wait3A_628] : memref<4x8x2560xf32, #tpu.memory_space<vmem>> -> memref<4x8x128xf32, #tpu.memory_space<vmem>>
    %dma_wait3A_630 = arith.constant 0 : i32
    %dma_wait3A_631 = arith.constant 0 : i32
    %dma_wait3A_632 = arith.constant 0 : i32
    %dma_wait3A_633 = tpu.memref_slice %arg3[%dma_wait3A_624, %dma_wait3A_630, %dma_wait3A_625, %dma_wait3A_631, %dma_wait3A_632] : memref<2048x4x16x8x128xf32, #tpu.memory_space<hbm>> -> memref<1x4x1x8x128xf32, #tpu.memory_space<hbm>>
    %dma_wait3A_634 = tpu.memref_squeeze %dma_wait3A_633 : memref<1x4x1x8x128xf32, #tpu.memory_space<hbm>> -> memref<4x8x128xf32, #tpu.memory_space<hbm>>
    %dma_wait3A_635 = arith.constant 0 : i32
    %dma_wait3A_636 = arith.constant 0 : i32
    %dma_wait3A_637 = arith.constant 0 : i32
    %dma_wait3A_638 = tpu.memref_slice %arg3[%dma_wait3A_624, %dma_wait3A_635, %dma_wait3A_625, %dma_wait3A_636, %dma_wait3A_637] : memref<2048x4x16x8x128xf32, #tpu.memory_space<hbm>> -> memref<1x4x1x8x128xf32, #tpu.memory_space<hbm>>
    %dma_wait3A_639 = tpu.memref_squeeze %dma_wait3A_638 : memref<1x4x1x8x128xf32, #tpu.memory_space<hbm>> -> memref<4x8x128xf32, #tpu.memory_space<hbm>>
    %dma_wait3A_640 = arith.constant 0 : i32
    %dma_wait3A_641 = arith.constant 0 : i32
    %dma_wait3A_642 = arith.constant 0 : i32
    %dma_wait3A_643 = tpu.memref_slice %arg5[%dma_wait3A_640, %dma_wait3A_641, %dma_wait3A_642] : memref<4x8x2560xf32, #tpu.memory_space<vmem>> -> memref<4x8x128xf32, #tpu.memory_space<vmem>>
    tpu.wait_dma2 semaphore(%arg6 : memref<!tpu.dma_semaphore, #tpu.memory_space<semaphore_mem>>) src(%dma_wait3A_643 : memref<4x8x128xf32, #tpu.memory_space<vmem>>) dst(%dma_wait3A_639 : memref<4x8x128xf32, #tpu.memory_space<hbm>>)
    %dma_wait3A_644 = arith.constant 0 : i32
    %dma_wait3A_645 = arith.constant 0 : i32
    %dma_wait3A_646 = arith.constant 0 : i32
    %dma_wait3A_647 = arith.constant 0 : i32
    %dma_wait3A_648 = arith.constant 0 : i32
    %dma_wait3A_649 = tpu.memref_slice %arg5[%dma_wait3A_646, %dma_wait3A_647, %dma_wait3A_648] : memref<4x8x2560xf32, #tpu.memory_space<vmem>> -> memref<4x8x128xf32, #tpu.memory_space<vmem>>
    %dma_wait3A_650 = arith.constant 0 : i32
    %dma_wait3A_651 = arith.constant 0 : i32
    %dma_wait3A_652 = arith.constant 0 : i32
    %dma_wait3A_653 = tpu.memref_slice %arg3[%dma_wait3A_644, %dma_wait3A_650, %dma_wait3A_645, %dma_wait3A_651, %dma_wait3A_652] : memref<2048x4x16x8x128xf32, #tpu.memory_space<hbm>> -> memref<1x4x1x8x128xf32, #tpu.memory_space<hbm>>
    %dma_wait3A_654 = tpu.memref_squeeze %dma_wait3A_653 : memref<1x4x1x8x128xf32, #tpu.memory_space<hbm>> -> memref<4x8x128xf32, #tpu.memory_space<hbm>>
    %dma_wait3A_655 = arith.constant 0 : i32
    %dma_wait3A_656 = arith.constant 0 : i32
    %dma_wait3A_657 = arith.constant 0 : i32
    %dma_wait3A_658 = tpu.memref_slice %arg3[%dma_wait3A_644, %dma_wait3A_655, %dma_wait3A_645, %dma_wait3A_656, %dma_wait3A_657] : memref<2048x4x16x8x128xf32, #tpu.memory_space<hbm>> -> memref<1x4x1x8x128xf32, #tpu.memory_space<hbm>>
    %dma_wait3A_659 = tpu.memref_squeeze %dma_wait3A_658 : memref<1x4x1x8x128xf32, #tpu.memory_space<hbm>> -> memref<4x8x128xf32, #tpu.memory_space<hbm>>
    %dma_wait3A_660 = arith.constant 0 : i32
    %dma_wait3A_661 = arith.constant 0 : i32
    %dma_wait3A_662 = arith.constant 0 : i32
    %dma_wait3A_663 = tpu.memref_slice %arg5[%dma_wait3A_660, %dma_wait3A_661, %dma_wait3A_662] : memref<4x8x2560xf32, #tpu.memory_space<vmem>> -> memref<4x8x128xf32, #tpu.memory_space<vmem>>
    tpu.wait_dma2 semaphore(%arg6 : memref<!tpu.dma_semaphore, #tpu.memory_space<semaphore_mem>>) src(%dma_wait3A_663 : memref<4x8x128xf32, #tpu.memory_space<vmem>>) dst(%dma_wait3A_659 : memref<4x8x128xf32, #tpu.memory_space<hbm>>)
    %dma_wait3A_664 = arith.constant 0 : i32
    %dma_wait3A_665 = arith.constant 0 : i32
    %dma_wait3A_666 = arith.constant 0 : i32
    %dma_wait3A_667 = arith.constant 0 : i32
    %dma_wait3A_668 = arith.constant 0 : i32
    %dma_wait3A_669 = tpu.memref_slice %arg5[%dma_wait3A_666, %dma_wait3A_667, %dma_wait3A_668] : memref<4x8x2560xf32, #tpu.memory_space<vmem>> -> memref<4x8x128xf32, #tpu.memory_space<vmem>>
    %dma_wait3A_670 = arith.constant 0 : i32
    %dma_wait3A_671 = arith.constant 0 : i32
    %dma_wait3A_672 = arith.constant 0 : i32
    %dma_wait3A_673 = tpu.memref_slice %arg3[%dma_wait3A_664, %dma_wait3A_670, %dma_wait3A_665, %dma_wait3A_671, %dma_wait3A_672] : memref<2048x4x16x8x128xf32, #tpu.memory_space<hbm>> -> memref<1x4x1x8x128xf32, #tpu.memory_space<hbm>>
    %dma_wait3A_674 = tpu.memref_squeeze %dma_wait3A_673 : memref<1x4x1x8x128xf32, #tpu.memory_space<hbm>> -> memref<4x8x128xf32, #tpu.memory_space<hbm>>
    %dma_wait3A_675 = arith.constant 0 : i32
    %dma_wait3A_676 = arith.constant 0 : i32
    %dma_wait3A_677 = arith.constant 0 : i32
    %dma_wait3A_678 = tpu.memref_slice %arg3[%dma_wait3A_664, %dma_wait3A_675, %dma_wait3A_665, %dma_wait3A_676, %dma_wait3A_677] : memref<2048x4x16x8x128xf32, #tpu.memory_space<hbm>> -> memref<1x4x1x8x128xf32, #tpu.memory_space<hbm>>
    %dma_wait3A_679 = tpu.memref_squeeze %dma_wait3A_678 : memref<1x4x1x8x128xf32, #tpu.memory_space<hbm>> -> memref<4x8x128xf32, #tpu.memory_space<hbm>>
    %dma_wait3A_680 = arith.constant 0 : i32
    %dma_wait3A_681 = arith.constant 0 : i32
    %dma_wait3A_682 = arith.constant 0 : i32
    %dma_wait3A_683 = tpu.memref_slice %arg5[%dma_wait3A_680, %dma_wait3A_681, %dma_wait3A_682] : memref<4x8x2560xf32, #tpu.memory_space<vmem>> -> memref<4x8x128xf32, #tpu.memory_space<vmem>>
    tpu.wait_dma2 semaphore(%arg6 : memref<!tpu.dma_semaphore, #tpu.memory_space<semaphore_mem>>) src(%dma_wait3A_683 : memref<4x8x128xf32, #tpu.memory_space<vmem>>) dst(%dma_wait3A_679 : memref<4x8x128xf32, #tpu.memory_space<hbm>>)
    %dma_wait3A_684 = arith.constant 0 : i32
    %dma_wait3A_685 = arith.constant 0 : i32
    %dma_wait3A_686 = arith.constant 0 : i32
    %dma_wait3A_687 = arith.constant 0 : i32
    %dma_wait3A_688 = arith.constant 0 : i32
    %dma_wait3A_689 = tpu.memref_slice %arg5[%dma_wait3A_686, %dma_wait3A_687, %dma_wait3A_688] : memref<4x8x2560xf32, #tpu.memory_space<vmem>> -> memref<4x8x128xf32, #tpu.memory_space<vmem>>
    %dma_wait3A_690 = arith.constant 0 : i32
    %dma_wait3A_691 = arith.constant 0 : i32
    %dma_wait3A_692 = arith.constant 0 : i32
    %dma_wait3A_693 = tpu.memref_slice %arg3[%dma_wait3A_684, %dma_wait3A_690, %dma_wait3A_685, %dma_wait3A_691, %dma_wait3A_692] : memref<2048x4x16x8x128xf32, #tpu.memory_space<hbm>> -> memref<1x4x1x8x128xf32, #tpu.memory_space<hbm>>
    %dma_wait3A_694 = tpu.memref_squeeze %dma_wait3A_693 : memref<1x4x1x8x128xf32, #tpu.memory_space<hbm>> -> memref<4x8x128xf32, #tpu.memory_space<hbm>>
    %dma_wait3A_695 = arith.constant 0 : i32
    %dma_wait3A_696 = arith.constant 0 : i32
    %dma_wait3A_697 = arith.constant 0 : i32
    %dma_wait3A_698 = tpu.memref_slice %arg3[%dma_wait3A_684, %dma_wait3A_695, %dma_wait3A_685, %dma_wait3A_696, %dma_wait3A_697] : memref<2048x4x16x8x128xf32, #tpu.memory_space<hbm>> -> memref<1x4x1x8x128xf32, #tpu.memory_space<hbm>>
    %dma_wait3A_699 = tpu.memref_squeeze %dma_wait3A_698 : memref<1x4x1x8x128xf32, #tpu.memory_space<hbm>> -> memref<4x8x128xf32, #tpu.memory_space<hbm>>
    %dma_wait3A_700 = arith.constant 0 : i32
    %dma_wait3A_701 = arith.constant 0 : i32
    %dma_wait3A_702 = arith.constant 0 : i32
    %dma_wait3A_703 = tpu.memref_slice %arg5[%dma_wait3A_700, %dma_wait3A_701, %dma_wait3A_702] : memref<4x8x2560xf32, #tpu.memory_space<vmem>> -> memref<4x8x128xf32, #tpu.memory_space<vmem>>
    tpu.wait_dma2 semaphore(%arg6 : memref<!tpu.dma_semaphore, #tpu.memory_space<semaphore_mem>>) src(%dma_wait3A_703 : memref<4x8x128xf32, #tpu.memory_space<vmem>>) dst(%dma_wait3A_699 : memref<4x8x128xf32, #tpu.memory_space<hbm>>)
    %dma_wait3A_704 = arith.constant 0 : i32
    %dma_wait3A_705 = arith.constant 0 : i32
    %dma_wait3A_706 = arith.constant 0 : i32
    %dma_wait3A_707 = arith.constant 0 : i32
    %dma_wait3A_708 = arith.constant 0 : i32
    %dma_wait3A_709 = tpu.memref_slice %arg5[%dma_wait3A_706, %dma_wait3A_707, %dma_wait3A_708] : memref<4x8x2560xf32, #tpu.memory_space<vmem>> -> memref<4x8x128xf32, #tpu.memory_space<vmem>>
    %dma_wait3A_710 = arith.constant 0 : i32
    %dma_wait3A_711 = arith.constant 0 : i32
    %dma_wait3A_712 = arith.constant 0 : i32
    %dma_wait3A_713 = tpu.memref_slice %arg3[%dma_wait3A_704, %dma_wait3A_710, %dma_wait3A_705, %dma_wait3A_711, %dma_wait3A_712] : memref<2048x4x16x8x128xf32, #tpu.memory_space<hbm>> -> memref<1x4x1x8x128xf32, #tpu.memory_space<hbm>>
    %dma_wait3A_714 = tpu.memref_squeeze %dma_wait3A_713 : memref<1x4x1x8x128xf32, #tpu.memory_space<hbm>> -> memref<4x8x128xf32, #tpu.memory_space<hbm>>
    %dma_wait3A_715 = arith.constant 0 : i32
    %dma_wait3A_716 = arith.constant 0 : i32
    %dma_wait3A_717 = arith.constant 0 : i32
    %dma_wait3A_718 = tpu.memref_slice %arg3[%dma_wait3A_704, %dma_wait3A_715, %dma_wait3A_705, %dma_wait3A_716, %dma_wait3A_717] : memref<2048x4x16x8x128xf32, #tpu.memory_space<hbm>> -> memref<1x4x1x8x128xf32, #tpu.memory_space<hbm>>
    %dma_wait3A_719 = tpu.memref_squeeze %dma_wait3A_718 : memref<1x4x1x8x128xf32, #tpu.memory_space<hbm>> -> memref<4x8x128xf32, #tpu.memory_space<hbm>>
    %dma_wait3A_720 = arith.constant 0 : i32
    %dma_wait3A_721 = arith.constant 0 : i32
    %dma_wait3A_722 = arith.constant 0 : i32
    %dma_wait3A_723 = tpu.memref_slice %arg5[%dma_wait3A_720, %dma_wait3A_721, %dma_wait3A_722] : memref<4x8x2560xf32, #tpu.memory_space<vmem>> -> memref<4x8x128xf32, #tpu.memory_space<vmem>>
    tpu.wait_dma2 semaphore(%arg6 : memref<!tpu.dma_semaphore, #tpu.memory_space<semaphore_mem>>) src(%dma_wait3A_723 : memref<4x8x128xf32, #tpu.memory_space<vmem>>) dst(%dma_wait3A_719 : memref<4x8x128xf32, #tpu.memory_space<hbm>>)
    %dma_wait3A_724 = arith.constant 0 : i32
    %dma_wait3A_725 = arith.constant 0 : i32
    %dma_wait3A_726 = arith.constant 0 : i32
    %dma_wait3A_727 = arith.constant 0 : i32
    %dma_wait3A_728 = arith.constant 0 : i32
    %dma_wait3A_729 = tpu.memref_slice %arg5[%dma_wait3A_726, %dma_wait3A_727, %dma_wait3A_728] : memref<4x8x2560xf32, #tpu.memory_space<vmem>> -> memref<4x8x128xf32, #tpu.memory_space<vmem>>
    %dma_wait3A_730 = arith.constant 0 : i32
    %dma_wait3A_731 = arith.constant 0 : i32
    %dma_wait3A_732 = arith.constant 0 : i32
    %dma_wait3A_733 = tpu.memref_slice %arg3[%dma_wait3A_724, %dma_wait3A_730, %dma_wait3A_725, %dma_wait3A_731, %dma_wait3A_732] : memref<2048x4x16x8x128xf32, #tpu.memory_space<hbm>> -> memref<1x4x1x8x128xf32, #tpu.memory_space<hbm>>
    %dma_wait3A_734 = tpu.memref_squeeze %dma_wait3A_733 : memref<1x4x1x8x128xf32, #tpu.memory_space<hbm>> -> memref<4x8x128xf32, #tpu.memory_space<hbm>>
    %dma_wait3A_735 = arith.constant 0 : i32
    %dma_wait3A_736 = arith.constant 0 : i32
    %dma_wait3A_737 = arith.constant 0 : i32
    %dma_wait3A_738 = tpu.memref_slice %arg3[%dma_wait3A_724, %dma_wait3A_735, %dma_wait3A_725, %dma_wait3A_736, %dma_wait3A_737] : memref<2048x4x16x8x128xf32, #tpu.memory_space<hbm>> -> memref<1x4x1x8x128xf32, #tpu.memory_space<hbm>>
    %dma_wait3A_739 = tpu.memref_squeeze %dma_wait3A_738 : memref<1x4x1x8x128xf32, #tpu.memory_space<hbm>> -> memref<4x8x128xf32, #tpu.memory_space<hbm>>
    %dma_wait3A_740 = arith.constant 0 : i32
    %dma_wait3A_741 = arith.constant 0 : i32
    %dma_wait3A_742 = arith.constant 0 : i32
    %dma_wait3A_743 = tpu.memref_slice %arg5[%dma_wait3A_740, %dma_wait3A_741, %dma_wait3A_742] : memref<4x8x2560xf32, #tpu.memory_space<vmem>> -> memref<4x8x128xf32, #tpu.memory_space<vmem>>
    tpu.wait_dma2 semaphore(%arg6 : memref<!tpu.dma_semaphore, #tpu.memory_space<semaphore_mem>>) src(%dma_wait3A_743 : memref<4x8x128xf32, #tpu.memory_space<vmem>>) dst(%dma_wait3A_739 : memref<4x8x128xf32, #tpu.memory_space<hbm>>)
    return
  }
}

</mosaic_0001>

<sc_bundles>
// kernel: kernel.3.cloned.1.call-start
scs
__scs_entry_jumppad:
0x0: {  	(pc) =	sbr.rel $0x88, $3  }
0x1: {  	(tag) =	ssettag $0x0;
	lr =	simm.s32 $0x1  }
0x2: {  	[smem:$0x3FA0] =	sst lr;
	_ =	strace $0xD0000000  }
0x3: {  	_ = 	snop  }
0x4: {  	_ = 	snop  }
0x5: {  	_ = 	snop  }
0x6: {  	_ = 	snop  }
0x7: {  	_ = 	snop  }
__scs_overlays_trampoline_lowered:
0x8: {  	[smem:$0x3FAF] =	sst s0  }
0x9: {  	[smem:$0x3FB0] =	sst s1  }
0xa: {  	[smem:$0x3FB1] =	sst s2  }
0xb: {  	[smem:$0x3FB2] =	sst s3  }
0xc: {  	[smem:$0x3FB3] =	sst s4  }
0xd: {  	[smem:$0x3FB4] =	sst s5  }
0xe: {  	[smem:$0x3FB5] =	sst s6  }
0xf: {  	[smem:$0x3FB6] =	sst s7  }
0x10: {  	[smem:$0x3FB7] =	sst s8  }
0x11: {  	[smem:$0x3FB8] =	sst s9;
	s0 =	simm.s32 @!p0 $0x0  }
0x12: {  	s1 =	sld [smem:$0x3F9E];
	s0 =	simm.s32 @p0 $0x1  }
0x13: {  	[smem:$0x3FB9] =	sst s0;
	s0 =	simm.s32 @!p1 $0x0  }
0x14: {  	s2 =	sld [smem:$0x3F9D];
	s0 =	simm.s32 @p1 $0x1  }
0x15: {  	[smem:$0x3FBA] =	sst s0;
	s0 =	simm.s32 @!p2 $0x0  }
0x16: {  	s3 =	sld [smem:$0x3FDB];
	s0 =	simm.s32 @p2 $0x1  }
0x17: {  	s4 =	simm.s32 $0x1BF5;
	[smem:$0x3FBC] =	sst s0  }
0x18: {  	s0 =	sld [smem:$0x3F9F];
	_ =	swait.ge [sflag:s4], $0x0  }
0x19: {  	s7 =	sld [smem:$0x3FA0]  }
0x1a: {  	s8 =	sadd.s32 $0xFFFFE003, lr  }
0x1b: {  	s9 =	sadd.s32 $0xFFFFFEF7, lr;
	s5 =	simm.s32 $0xFFFFFFFF;
	p2 =	slt.u32 s8, $0xFFFFF086  }
0x1c: {  	p1 =	slt.u32 s9, $0xF7A;
	s5 =	simm.s32 @!p2 $0x0  }
0x1d: {  	s5 =	simm.s32 @p1 $0x1;
	p0 =	seq.s32 s7, s2  }
0x1e: {  	s7 =	smul.u32 @!p0 $0xF7A, s2;
	p2 =	seq.s32 @!p0 s5, $0x0  }
0x1f: {  	s9 =	smul.u32 $0xF7A, s1;
	s8 =	simm.s32 @!p0 $0x1BF5;
	p2 =	por !p2, p0  }
0x20: {  	[sflag:s8] =	ssyncset.s32 @!p0 $0xFFFFF086;
	s6 =	sadd.s32 @!p0 s3, s7;
	s7 =	simm.s32 @!p0 $0x108  }
0x21: {  	s3 =	sadd.s32 s3, s9;
	s6 =	sadd.s32 @!p0 $0x88, s6;
	s7 =	simm.s32 @p2 $0x1082  }
0x22: {  	[simem:s7], [sflag:s8] =	dma.local @!p0 [hbm:s6], $0xF7A  }
0x23: {  	s9 =	sor.u32 $0xD0000000, s2;
	s6 =	simm.s32 $0x108;
	_ =	swait.ge @!p0 [sflag:s8], $0x0  }
0x24: {  	s3 =	sadd.s32 $0x88, s3;
	s6 =	simm.s32 @!p1 $0x1082;
	[sflag:s4] =	ssyncset.s32 $0xFFFFF086  }
0x25: {  	[simem:s6], [sflag:s4] =	dma.local [hbm:s3], $0xF7A  }
0x26: {  	[smem:$0x3FA0] =	sst s1;
	(tag) =	ssettag s2;
	_ =	strace s9  }
0x27: {  	s1 =	sld [smem:$0x3FB0]  }
0x28: {  	s2 =	sld [smem:$0x3FB1]  }
0x29: {  	s4 =	sld [smem:$0x3FB3]  }
0x2a: {  	p0 =	seq.s32 s5, $0x0;
	s5 =	sld [smem:$0x3FB4]  }
0x2b: {  	s6 =	sld [smem:$0x3FB5]  }
0x2c: {  	s7 =	sld [smem:$0x3FB6]  }
0x2d: {  	s3 =	simm.s32 $0x108;
	s8 =	sld [smem:$0x3FB7]  }
0x2e: {  	s3 =	simm.s32 @!p0 $0x1082;
	s9 =	sld [smem:$0x3FB8]  }
0x2f: {  	lr =	sadd.s32 s0, s3;
	s0 =	sld [smem:$0x3FAF]  }
0x30: {  	s3 =	sld [smem:$0x3FB2]  }
0x31: {  	[smem:$0x3FBB] =	sst s10  }
0x32: {  	s10 =	sld [smem:$0x3FB9];
	_ =	sdelay $0x3  }
0x33: {  	p0 =	seq.s32 s10, $0x1;
	s10 =	sld [smem:$0x3FBB];
	_ =	sdelay $0x3  }
0x34: {  	[smem:$0x3FBB] =	sst s10  }
0x35: {  	s10 =	sld [smem:$0x3FBA];
	_ =	sdelay $0x3  }
0x36: {  	p1 =	seq.s32 s10, $0x1;
	s10 =	sld [smem:$0x3FBB];
	_ =	sdelay $0x3  }
0x37: {  	[smem:$0x3FBB] =	sst s10  }
0x38: {  	s10 =	sld [smem:$0x3FBC]  }
0x39: {  	_ = 	snop;
	(pc) =	sbr.ind lr, $3  }
0x3a: {  	_ = 	snop  }
0x3b: {  	_ = 	snop  }
0x3c: {  	p2 =	seq.s32 s10, $0x1;
	s10 =	sld [smem:$0x3FBB]  }
0x3d: {  	_ =	shalt  }
0x3e: {  	_ =	shalt  }
0x3f: {  	_ =	shalt  }
0x40: {  	_ =	shalt  }
0x41: {  	_ =	shalt  }
0x42: {  	_ =	shalt  }
0x43: {  	_ =	shalt  }
0x44: {  	_ =	shalt  }
0x45: {  	_ =	shalt  }
0x46: {  	_ =	shalt  }
0x47: {  	_ =	shalt  }
0x48: {  	_ =	shalt  }
0x49: {  	_ =	shalt  }
0x4a: {  	_ =	shalt  }
0x4b: {  	_ =	shalt  }
0x4c: {  	_ =	shalt  }
0x4d: {  	_ =	shalt  }
0x4e: {  	_ =	shalt  }
0x4f: {  	_ =	shalt  }
0x50: {  	_ =	shalt  }
0x51: {  	_ =	shalt  }
0x52: {  	_ =	shalt  }
0x53: {  	_ =	shalt  }
0x54: {  	_ =	shalt  }
0x55: {  	_ =	shalt  }
0x56: {  	_ =	shalt  }
0x57: {  	_ =	shalt  }
0x58: {  	_ =	shalt  }
0x59: {  	_ =	shalt  }
0x5a: {  	_ =	shalt  }
0x5b: {  	_ =	shalt  }
0x5c: {  	_ =	shalt  }
0x5d: {  	_ =	shalt  }
0x5e: {  	_ =	shalt  }
0x5f: {  	_ =	shalt  }
0x60: {  	_ =	shalt  }
0x61: {  	_ =	shalt  }
0x62: {  	_ =	shalt  }
0x63: {  	_ =	shalt  }
0x64: {  	_ =	shalt  }
0x65: {  	_ =	shalt  }
0x66: {  	_ =	shalt  }
0x67: {  	_ =	shalt  }
0x68: {  	_ =	shalt  }
0x69: {  	_ =	shalt  }
0x6a: {  	_ =	shalt  }
0x6b: {  	_ =	shalt  }
0x6c: {  	_ =	shalt  }
0x6d: {  	_ =	shalt  }
0x6e: {  	_ =	shalt  }
0x6f: {  	_ =	shalt  }
0x70: {  	_ =	shalt  }
0x71: {  	_ =	shalt  }
0x72: {  	_ =	shalt  }
0x73: {  	_ =	shalt  }
0x74: {  	_ =	shalt  }
0x75: {  	_ =	shalt  }
0x76: {  	_ =	shalt  }
0x77: {  	_ =	shalt  }
0x78: {  	_ =	shalt  }
0x79: {  	_ =	shalt  }
0x7a: {  	_ =	shalt  }
0x7b: {  	_ =	shalt  }
0x7c: {  	_ =	shalt  }
0x7d: {  	_ =	shalt  }
0x7e: {  	_ =	shalt  }
0x7f: {  	_ =	shalt  }
0x80: {  	_ =	shalt  }
0x81: {  	_ =	shalt  }
0x82: {  	_ =	shalt  }
0x83: {  	_ =	shalt  }
0x84: {  	_ =	shalt  }
0x85: {  	_ =	shalt  }
0x86: {  	_ =	shalt  }
0x87: {  	_ =	shalt  }
.Lfunc_end0:
.L_simem_size_0:
called_computation_lowered:
.L_overlay_start_0:
0x88: {  	s2 =	sld [smem:$0x3FD9]  }
0x89: {  	s3 =	sld [smem:$0x3FFE];
	_ =	sdelay $0x1  }
0x8a: {  	s1 =	srdreg.scid  }
0x8b: {  	s0 =	sand.u32 $0x1, s1  }
0x8c: {  	s17 =	sshll.u32 s0, $0xA;
	s2 =	sadd.s32 s3, s2  }
0x8d: {  	s2 =	sadd.s32 s2, s17  }
0x8e: {  	[smem:$0x3FC7] =	sst s2  }
0x8f: {  	_ = 	snop  }
0x90: {  	s2 =	sld [smem:$0x3FD0];
	(tm) =	ssettm $0x1  }
0x91: {  	s18 =	sld [smem:$0x3FFB];
	_ =	sdelay $0x3  }
0x92: {  	_ =	strace s18  }
0x93: {  	s3 =	sld [smem:$0x3FFC];
	_ =	sdelay $0x3  }
0x94: {  	_ =	strace s3  }
0x95: {  	s3 =	sld [smem:$0x3FFD];
	_ =	sdelay $0x3  }
0x96: {  	_ =	strace s3  }
0x97: {  	_ =	strace $0x8FFFFFFF  }
0x98: {  	s19 =	sld [smem:$0x3FDB];
	_ =	sdelay $0x1  }
0x99: {  	s4 =	simm.s32 $_scs_section_size  }
0x9a: {  	s5 =	simm.s32 $_size__tile_overlayer_lowered;
	s6 =	simm.s32 $_tile_overlayer_lowered  }
0x9b: {  	s22 =	simm.s32 $0x1BFF;
	s21 =	sshll.u32 s6, $0x1;
	s3 =	sadd.s32 s4, s19  }
0x9c: {  	s7 =	simm.s32 $0x0;
	s20 =	sshll.u32 s5, $0x1;
	s5 =	sadd.s32 s21, s3  }
0x9d: {  	[timem:s7], [sflag:s22] =	dma.local [hbm:s5], s20  }
0x9e: {  	_ =	swait.ge [sflag:s22], s20  }
0x9f: {  	s4 =	ssub.s32 $0x0, s20;
	[sflag:s22] =	ssyncset.done $0x0  }
0xa0: {  	[sflag:s22] =	ssyncadd.s32 s4;
	_ =	sdelay $0x1  }
0xa1: {  	s23 =	simm.s32 $0x1B8B  }
0xa2: {  	_ =	swait.ge [sflag:s23], $0x1  }
0xa3: {  	[sflag:s23] =	ssyncset.done $0x0  }
0xa4: {  	s25 =	simm.s32 $0x1B8E;
	s24 =	sld [smem:$0x3FFE];
	[sflag:s23] =	ssyncadd.s32 $0xFFFFFFFF  }
0xa5: {  	s26 =	simm.s32 $execute0_lowered;
	[smem:$0x3FD2] =	sst s25  }
0xa6: {  	s5 =	sshll.u32 s26, $0x1;
	_ =	strace $0x80000046;
	[dreg:$0x1] =	wrdreg $0xFFFFFFFF  }
0xa7: {  	s28 =	simm.s32 $_size_execute0_lowered;
	s3 =	sadd.s32 s3, s5;
	[dreg:$0x0] =	wrdreg $0x0  }
0xa8: {  	s5 =	sshll.u32 s28, $0x1;
	[dreg:$0x2] =	wrdreg s3  }
0xa9: {  	[dreg:$0x3] =	wrdreg s5  }
0xaa: {  	[dreg:$0x4] =	wrdreg $0xC0  }
0xab: {  	_ =	task [dreg:s7], $0x5FFFF  }
0xac: {  	[dreg:$0x1] =	wrdreg $0xFFFFFFFF  }
0xad: {  	[dreg:$0x0] =	wrdreg $0x60  }
0xae: {  	[dreg:$0x2] =	wrdreg s24  }
0xaf: {  	[dreg:$0x3] =	wrdreg s2  }
0xb0: {  	[dreg:$0x4] =	wrdreg $0x9  }
0xb1: {  	_ =	task.clear_ibuf [dreg:s7], $0x5FFFF;
	_ =	strace $0x90000046  }
0xb2: {  	s29 =	simm.s32 $0x9;
	_ =	strace $0x80000048  }
0xb3: {  	_ =	swait.ge [sflag:s29], $0x1  }
0xb4: {  	[sflag:s29] =	ssyncadd.s32 $0xFFFFFFFF  }
0xb5: {  	_ =	strace $0x90000048  }
0xb6: {  	_ =	sfence  }
0xb7: {  	s30 =	sld [smem:$0x0];
	_ =	sdelay $0x2  }
0xb8: {  	s31 =	sshll.u32 s1, $0xD;
	s1 =	sshrl.u32 s1, $0x2  }
0xb9: {  	s3 =	sand.u32 $0x4000, s31;
	s1 =	sadd.s32 s1, s30  }
0xba: {  	s0 =	sor.u32 s3, s0;
	s1 =	sshll.u32 s1, $0x11  }
0xbb: {  	s0 =	sor.u32 s1, s0  }
0xbc: {  	s0 =	sadd.s32 $0x8F2B, s0  }
0xbd: {  	[sflag:s0] =	ssyncadd.remote.s32 $0x1  }
0xbe: {  	_ =	sfence.sel $0xFFFF  }
0xbf: {  	[dreg:$0x0] =	wrdreg $0xFFFFFFFF;
	(pc) =	sbr.abs _section_cstart, $3  }
0xc0: {  	[dreg:$0x1] =	wrdreg $0xFFFFFFFF  }
0xc1: {  	_ =	task.clear_ibuf [dreg:s7], $0x2FFFF;
	_ =	strace $0x9FFFFFFF  }
0xc2: {  	(tm) =	ssettm $0x7FFFFFFF  }
0xc3: {  	_ =	shalt  }
tec
execute0_lowered:
.L_overlay_start_1:
0x0: {  	(tag) =	ssettag $0x1  }
0x1: {  	s0 =	rddreg [dreg:$0x0]  }
0x2: {  	s6 =	rddreg [dreg:$0x1];
	s3 =	simm.s32 $0x0;
	s1 =	srdreg.scid  }
0x3: {  	s4 =	stileid.u32;
	s29 =	simm.s32 $0x1;
	[smem:$0x7FF] =	sst s3  }
0x4: {  	s0 =	sadd.s32 $0x400, s0;
	s26 =	sand.u32 $0x1, s1;
	s28 =	sshll.u32 s4, $0x1  }
0x5: {  	s4 =	sshll.u32 s4, $0x7;
	s31 =	sadd.s32 $0x80, s6;
	s8 =	sadd.s32 $0x100, s6  }
0x6: {  	s9 =	sadd.s32 $0x180, s6;
	s10 =	sadd.s32 $0x200, s6;
	s11 =	sadd.s32 $0x280, s6  }
0x7: {  	s12 =	sadd.s32 $0x300, s6;
	s13 =	sadd.s32 $0x380, s6;
	s14 =	sadd.s32 $0x400, s6  }
0x8: {  	s15 =	sadd.s32 $0x480, s6;
	s16 =	sadd.s32 $0x500, s6;
	s17 =	sadd.s32 $0x580, s6  }
0x9: {  	s18 =	sadd.s32 $0x600, s6;
	s19 =	sadd.s32 $0x680, s6;
	s20 =	sadd.s32 $0x700, s6  }
0xa: {  	_ =	strace $0x80000047;
	[dreg:$0x3] =	wrdreg s0;
	s2 =	ssub.s32 $0x2, s26  }
0xb: {  	s1 =	sand.u32 $0x6, s28;
	s30 =	sand.u32 $0x600, s4;
	[dreg:$0x5] =	wrdreg s31  }
0xc: {  	s5 =	sshrl.u32 s2, $0x1;
	s0 =	sor.u32 s26, s1;
	s21 =	sshrl.u32 s30, $0x4  }
0xd: {  	s25 =	sadd.s32 $0x22A0, s30;
	s26 =	sadd.s32 $0x780, s6;
	s1 =	simm.s32 $0x0  }
0xe: {  	s2 =	ssub.s32 s2, s5;
	s4 =	sor.u32 s30, s0;
	s5 =	sor.u32 $0x17, s21  }
0xf: {  	s23 =	sadd.s32 $0x28, s21;
	s22 =	ssub.s32 $0xFFFFFF78, s0;
	s4 =	sshll.u32 s4, $0xD  }
0x10: {  	s24 =	sxor.u32 $0x78, s21;
	s2 =	smax.u32 s2, $0x1;
	[dreg:$0x4] =	wrdreg s4  }
0x11: {  	v0 =	vlaneseq.u32;
	p0 =	slt.u32 s5, s23;
	s23 =	sor.u32 $0x2190, s30;
	[dreg:$0x6] =	wrdreg s2  }
.LBB2_1:
0x12: {  	[dreg:$0x7] =	wrdreg s1  }
0x13: {  	s0 =	rddreg [dreg:$0x3];
	s31 =	simm.s32 $0x2  }
0x14: {  	[tilespmem:s3], [sflag:$0x2] =	stream.linear.gather [hbm4b:s0+s3], $0x2020, $0x38;
	[tilespmem:$0x16020] =	vst v63  }
0x15: {  	_ =	swait.ge [sflag:s31], $0x2020  }
0x16: {  	[sflag:s31] =	ssyncset.done $0x0  }
0x17: {  	s2 =	simm.s32 $0x0;
	s0 =	simm.s32 $0x0;
	[sflag:s31] =	ssyncadd.s32 $0xFFFFDFE0  }
.LBB2_2:
0x18: {  	v2 =	vmov s2;
	_ =	sdelay $0x2  }
0x19: {  	s1 =	sshrl.u32 s2, $0x3  }
0x1a: {  	s4 =	sor.u32 $0x2000, s2;
	s21 =	sand.u32 $0x7, s0;
	s1 =	smul.u32 $0x14000, s1  }
0x1b: {  	p1 =	seq.s32 s5, $0x1;
	v1 =	vmov s4;
	s30 =	smul.u32 $0x2800, s21;
	v3 =	vld.idx.msk [tilespmem:v2+s3+$0x0], $0xffff  }
.Ltmp0:
0x1c: {  	_ = 	snop;
	(pc) =	sbr.rel @p1 .LBB2_4-.Ltmp0, $4  }
0x1d: {  	s1 =	sadd.s32 s30, s1  }
0x1e: {  	s4 =	sshra.s32 s1, $0x2  }
0x1f: {  	s31 =	sadd.s32 s4, s25;
	s1 =	sadd.s32 s4, s23;
	s4 =	sadd.s32 $0x2020, s4  }
0x20: {  	s21 =	sadd.s32 $0xFFFFFFFF, s5;
	v1 =	vld.idx.msk [tilespmem:v1+s3+$0x0], $0xffff;
	[tilespmem:s4+$0x0] =	vst v3  }
.LBB2_3:
0x21: {  	p1 =	seq.s32 s21, $0x1  }
.Ltmp1:
0x22: {  	_ = 	snop;
	(pc) =	sbr.rel @!p1 .LBB2_3-.Ltmp1, $3  }
0x23: {  	_ =	sdelay $0x1  }
0x24: {  	s21 =	sadd.s32 $0xFFFFFFFF, s21;
	s4 =	sadd.s32 $0x10, s4  }
0x25: {  	[tilespmem:s4+$0x0] =	vst v3  }
.LBB2_4:
.Ltmp2:
0x26: {  	(pc) =	sbr.rel @!p0 .LBB2_8-.Ltmp2, $1  }
0x27: {  	_ =	sdelay $0x3  }
0x28: {  	v4 =	vadd.s32 s22, v0  }
0x29: {  	vm0 =	vgt.s32 v4, $0xFFFFFF80  }
0x2a: {  	v4 =	vnsel vm0, $0xFFFFFF80, v4  }
0x2b: {  	vm0 =	vlt.s32 v4, $0x80  }
0x2c: {  	v4 =	vnsel vm0, $0x80, v4  }
0x2d: {  	v3 =	vadd.s32 $0x1000, v2;
	s21 =	sadd.s32 $0x10, s22;
	v4 =	vshll.u32 v4, $0x5  }
0x2e: {  	v5 =	vadd.s32 s21, v0;
	v4 =	vadd.s32 v3, v4  }
0x2f: {  	vm15 =	vgt.s32 v5, $0xFFFFFF80  }
0x30: {  	v5 =	vnsel vm15, $0xFFFFFF80, v5  }
0x31: {  	vm0 =	vlt.s32 v5, $0x80  }
0x32: {  	v5 =	vnsel vm0, $0x80, v5  }
0x33: {  	v2 =	vmov s1;
	v6 =	vshll.u32 v5, $0x5;
	v5 =	vld.idx.msk [tilespmem:v4+s3+$0x0], $0xffff  }
0x34: {  	s4 =	simm.s32 $0x0;
	s30 =	sadd.s32 $0x10, s21;
	v4 =	vadd.s32 v3, v6  }
0x35: {  	s28 =	simm.s32 $0x80;
	s1 =	simm.s32 $0xC0;
	s21 =	simm.s32 $0x40;
	v6 =	vadd.s32 s30, v0  }
.LBB2_6:
0x36: {  	p1 =	sne.s32 s1, $0x400;
	vm0 =	vgt.s32 v6, $0xFFFFFF80  }
0x37: {  	s6 =	sshra.s32 s4, $0x2;
	s4 =	smov.u32 s21;
	s21 =	smov.u32 s28;
	v6 =	vnsel vm0, $0xFFFFFF80, v6  }
.Ltmp3:
0x38: {  	s28 =	smov.u32 s1;
	vm0 =	vlt.s32 v6, $0x80;
	[tilespmem:v2+s6+$0x0 ss:$0x1] =	vst.idx.msk $0xffff, v5;
	(pc) =	sbr.rel @p1 .LBB2_6-.Ltmp3, $4  }
0x39: {  	v6 =	vnsel vm0, $0x80, v6;
	v5 =	vld.idx.msk [tilespmem:v4+s3+$0x0], $0xffff  }
0x3a: {  	v4 =	vshll.u32 v6, $0x5  }
0x3b: {  	s30 =	sadd.s32 $0x10, s30;
	v4 =	vadd.s32 v3, v4  }
0x3c: {  	s1 =	sadd.s32 $0x40, s1;
	v6 =	vadd.s32 s30, v0  }
0x3d: {  	_ = 	snop  }
0x3e: {  	vm0 =	vgt.s32 v6, $0xFFFFFF80  }
0x3f: {  	v6 =	vnsel vm0, $0xFFFFFF80, v6  }
0x40: {  	s1 =	sshra.s32 s4, $0x2;
	vm0 =	vlt.s32 v6, $0x80  }
0x41: {  	[tilespmem:v2+s1+$0x0 ss:$0x1] =	vst.idx.msk $0xffff, v5;
	v63 =	vnsel vm0, $0x80, v6  }
0x42: {  	v4 =	vld.idx.msk [tilespmem:v4+s3+$0x0], $0xffff;
	v5 =	vshll.u32 v63, $0x5  }
0x43: {  	v3 =	vadd.s32 v3, v5;
	_ =	sdelay $0x2  }
0x44: {  	s21 =	sshra.s32 s21, $0x2  }
0x45: {  	[tilespmem:v2+s21+$0x0 ss:$0x1] =	vst.idx.msk $0xffff, v4  }
0x46: {  	v3 =	vld.idx.msk [tilespmem:v3+s3+$0x0], $0xffff;
	_ =	sdelay $0x3  }
0x47: {  	s30 =	sshra.s32 s28, $0x2  }
0x48: {  	[tilespmem:v2+s30+$0x0 ss:$0x1] =	vst.idx.msk $0xffff, v3  }
.LBB2_8:
0x49: {  	p1 =	sne.s32 s24, $0x1  }
.Ltmp4:
0x4a: {  	_ = 	snop;
	(pc) =	sbr.rel @!p1 .LBB2_10-.Ltmp4, $2  }
0x4b: {  	_ =	sdelay $0x2  }
0x4c: {  	s1 =	sadd.s32 $0xFFFFFFFF, s24;
	[tilespmem:s31+$0x0] =	vst v1  }
.LBB2_9:
0x4d: {  	p1 =	sne.s32 s1, $0x1  }
.Ltmp5:
0x4e: {  	_ = 	snop;
	(pc) =	sbr.rel @p1 .LBB2_9-.Ltmp5, $3  }
0x4f: {  	_ =	sdelay $0x1  }
0x50: {  	s1 =	sadd.s32 $0xFFFFFFFF, s1;
	s31 =	sadd.s32 $0x10, s31  }
0x51: {  	[tilespmem:s31+$0x0] =	vst v1  }
.LBB2_10:
0x52: {  	s2 =	sadd.s32 $0x1, s2  }
0x53: {  	p1 =	sne.s32 s2, $0x20  }
.Ltmp6:
0x54: {  	_ = 	snop;
	(pc) =	sbr.rel @p1 .LBB2_2-.Ltmp6, $2  }
0x55: {  	_ =	sdelay $0x2  }
0x56: {  	s0 =	sadd.s32 $0x1, s0  }
0x57: {  	s31 =	simm.s32 $0x0;
	s0 =	simm.s32 $0x2020  }
.LBB2_12:
0x58: {  	p1 =	slt.u32 s31, $0x2  }
0x59: {  	s1 =	simm.s32 @!p1 $0x1  }
0x5a: {  	_ =	swait.ge @!p1 [sflag:s1], $0x1000  }
0x5b: {  	[sflag:s1] =	ssyncset.done @!p1 $0x0  }
0x5c: {  	[sflag:s1] =	ssyncadd.s32 @!p1 $0xFFFFF000  }
0x5d: {  	_ =	swait.ge @!p1 [sflag:s1], $0x1000  }
0x5e: {  	[sflag:s1] =	ssyncset.done @!p1 $0x0  }
0x5f: {  	[sflag:s1] =	ssyncadd.s32 @!p1 $0xFFFFF000  }
0x60: {  	_ =	swait.ge @!p1 [sflag:s1], $0x1000  }
0x61: {  	[sflag:s1] =	ssyncset.done @!p1 $0x0  }
0x62: {  	[sflag:s1] =	ssyncadd.s32 @!p1 $0xFFFFF000  }
0x63: {  	_ =	swait.ge @!p1 [sflag:s1], $0x1000  }
0x64: {  	[sflag:s1] =	ssyncset.done @!p1 $0x0  }
0x65: {  	[sflag:s1] =	ssyncadd.s32 @!p1 $0xFFFFF000  }
0x66: {  	_ =	swait.ge @!p1 [sflag:s1], $0x1000  }
0x67: {  	[sflag:s1] =	ssyncset.done @!p1 $0x0  }
0x68: {  	[sflag:s1] =	ssyncadd.s32 @!p1 $0xFFFFF000  }
0x69: {  	_ =	swait.ge @!p1 [sflag:s1], $0x1000  }
0x6a: {  	[sflag:s1] =	ssyncset.done @!p1 $0x0  }
0x6b: {  	[sflag:s1] =	ssyncadd.s32 @!p1 $0xFFFFF000  }
0x6c: {  	_ =	swait.ge @!p1 [sflag:s1], $0x1000  }
0x6d: {  	[sflag:s1] =	ssyncset.done @!p1 $0x0  }
0x6e: {  	[sflag:s1] =	ssyncadd.s32 @!p1 $0xFFFFF000  }
0x6f: {  	_ =	swait.ge @!p1 [sflag:s1], $0x1000  }
0x70: {  	[sflag:s1] =	ssyncset.done @!p1 $0x0  }
0x71: {  	[sflag:s1] =	ssyncadd.s32 @!p1 $0xFFFFF000  }
0x72: {  	_ =	swait.ge @!p1 [sflag:s1], $0x1000  }
0x73: {  	[sflag:s1] =	ssyncset.done @!p1 $0x0  }
0x74: {  	[sflag:s1] =	ssyncadd.s32 @!p1 $0xFFFFF000  }
0x75: {  	_ =	swait.ge @!p1 [sflag:s1], $0x1000  }
0x76: {  	[sflag:s1] =	ssyncset.done @!p1 $0x0  }
0x77: {  	[sflag:s1] =	ssyncadd.s32 @!p1 $0xFFFFF000  }
0x78: {  	_ =	swait.ge @!p1 [sflag:s1], $0x1000  }
0x79: {  	[sflag:s1] =	ssyncset.done @!p1 $0x0  }
0x7a: {  	[sflag:s1] =	ssyncadd.s32 @!p1 $0xFFFFF000  }
0x7b: {  	_ =	swait.ge @!p1 [sflag:s1], $0x1000  }
0x7c: {  	[sflag:s1] =	ssyncset.done @!p1 $0x0  }
0x7d: {  	[sflag:s1] =	ssyncadd.s32 @!p1 $0xFFFFF000  }
0x7e: {  	_ =	swait.ge @!p1 [sflag:s1], $0x1000  }
0x7f: {  	[sflag:s1] =	ssyncset.done @!p1 $0x0  }
0x80: {  	[sflag:s1] =	ssyncadd.s32 @!p1 $0xFFFFF000  }
0x81: {  	_ =	swait.ge @!p1 [sflag:s1], $0x1000  }
0x82: {  	[sflag:s1] =	ssyncset.done @!p1 $0x0  }
0x83: {  	[sflag:s1] =	ssyncadd.s32 @!p1 $0xFFFFF000  }
0x84: {  	_ =	swait.ge @!p1 [sflag:s1], $0x1000  }
0x85: {  	[sflag:s1] =	ssyncset.done @!p1 $0x0  }
0x86: {  	[sflag:s1] =	ssyncadd.s32 @!p1 $0xFFFFF000  }
0x87: {  	_ =	swait.ge @!p1 [sflag:s1], $0x1000  }
0x88: {  	[sflag:s1] =	ssyncset.done @!p1 $0x0  }
0x89: {  	s2 =	sshll.u32 s31, $0x10;
	s4 =	rddreg [dreg:$0x4];
	[sflag:s1] =	ssyncadd.s32 @!p1 $0xFFFFF000  }
0x8a: {  	s2 =	sadd.s32 s4, s2;
	s4 =	sadd.s32 $0x0, s0;
	s1 =	rddreg [dreg:$0x1]  }
0x8b: {  	s21 =	sadd.s32 $0x1F8, s4;
	s6 =	sadd.s32 s1, s2  }
0x8c: {  	[hbm4b:s6+s3] =	stream.linear.scatter [tilespmem:s21], [sflag:$0x1], $0x80, $0x38;
	[tilespmem:$0x16020] =	vst v63  }
0x8d: {  	s7 =	sadd.s32 $0xBF8, s4;
	s21 =	sadd.s32 $0x10, s6  }
0x8e: {  	[hbm4b:s21+s3] =	stream.linear.scatter [tilespmem:s7], [sflag:$0x1], $0x80, $0x38;
	[tilespmem:$0x16020] =	vst v63  }
0x8f: {  	s21 =	sadd.s32 $0x15F8, s4;
	s7 =	sadd.s32 $0x20, s6  }
0x90: {  	[hbm4b:s7+s3] =	stream.linear.scatter [tilespmem:s21], [sflag:$0x1], $0x80, $0x38;
	[tilespmem:$0x16020] =	vst v63  }
0x91: {  	s21 =	sadd.s32 $0x1FF8, s4;
	s7 =	sadd.s32 $0x30, s6  }
0x92: {  	[hbm4b:s7+s3] =	stream.linear.scatter [tilespmem:s21], [sflag:$0x1], $0x80, $0x38;
	[tilespmem:$0x16020] =	vst v63  }
0x93: {  	s21 =	sadd.s32 $0x29F8, s4;
	s7 =	sadd.s32 $0x40, s6  }
0x94: {  	[hbm4b:s7+s3] =	stream.linear.scatter [tilespmem:s21], [sflag:$0x1], $0x80, $0x38;
	[tilespmem:$0x16020] =	vst v63  }
0x95: {  	s28 =	sadd.s32 $0x47F8, s4;
	s21 =	sadd.s32 $0x33F8, s4;
	s7 =	sadd.s32 $0x50, s6  }
0x96: {  	[hbm4b:s7+s3] =	stream.linear.scatter [tilespmem:s21], [sflag:$0x1], $0x80, $0x38;
	[tilespmem:$0x16020] =	vst v63  }
0x97: {  	s1 =	simm.s32 $0x28000;
	s21 =	sadd.s32 $0x3DF8, s4;
	s7 =	sadd.s32 $0x60, s6  }
0x98: {  	[hbm4b:s7+s3] =	stream.linear.scatter [tilespmem:s21], [sflag:$0x1], $0x80, $0x38;
	[tilespmem:$0x16020] =	vst v63  }
0x99: {  	s30 =	sadd.s32 $0x70, s6;
	s4 =	sadd.s32 $0x800, s6;
	s21 =	simm.s32 $0x5000  }
.LBB2_13:
0x9a: {  	[hbm4b:s30+s3] =	stream.linear.scatter [tilespmem:s28], [sflag:$0x1], $0x80, $0x38;
	[tilespmem:$0x16020] =	vst v63  }
0x9b: {  	s6 =	smov.u32 s1  }
0x9c: {  	s7 =	sadd.s32 $0x14000, s1;
	s28 =	sadd.s32 s21, s0;
	s21 =	sshra.s32 s6, $0x2  }
0x9d: {  	p1 =	sne.s32 s1, $0x3C000;
	s1 =	sadd.s32 $0x1F8, s28  }
0x9e: {  	[hbm4b:s4+s3] =	stream.linear.scatter [tilespmem:s1], [sflag:$0x1], $0x80, $0x38;
	[tilespmem:$0x16020] =	vst v63  }
0x9f: {  	s6 =	sadd.s32 $0x10, s4;
	s1 =	sadd.s32 $0xBF8, s28  }
0xa0: {  	[hbm4b:s6+s3] =	stream.linear.scatter [tilespmem:s1], [sflag:$0x1], $0x80, $0x38;
	[tilespmem:$0x16020] =	vst v63  }
0xa1: {  	s1 =	sadd.s32 $0x15F8, s28;
	s6 =	sadd.s32 $0x20, s4  }
0xa2: {  	[hbm4b:s6+s3] =	stream.linear.scatter [tilespmem:s1], [sflag:$0x1], $0x80, $0x38;
	[tilespmem:$0x16020] =	vst v63  }
0xa3: {  	s1 =	sadd.s32 $0x1FF8, s28;
	s6 =	sadd.s32 $0x30, s4  }
0xa4: {  	[hbm4b:s6+s3] =	stream.linear.scatter [tilespmem:s1], [sflag:$0x1], $0x80, $0x38;
	[tilespmem:$0x16020] =	vst v63  }
0xa5: {  	s1 =	sadd.s32 $0x29F8, s28;
	s6 =	sadd.s32 $0x40, s4  }
0xa6: {  	[hbm4b:s6+s3] =	stream.linear.scatter [tilespmem:s1], [sflag:$0x1], $0x80, $0x38;
	[tilespmem:$0x16020] =	vst v63  }
.Ltmp7:
0xa7: {  	s1 =	sadd.s32 $0x33F8, s28;
	s6 =	sadd.s32 $0x50, s4;
	(pc) =	sbr.rel @p1 .LBB2_13-.Ltmp7, $4  }
0xa8: {  	[hbm4b:s6+s3] =	stream.linear.scatter [tilespmem:s1], [sflag:$0x1], $0x80, $0x38;
	[tilespmem:$0x16020] =	vst v63  }
0xa9: {  	s30 =	sadd.s32 $0x70, s4;
	s1 =	sadd.s32 $0x3DF8, s28;
	s6 =	sadd.s32 $0x60, s4  }
0xaa: {  	[hbm4b:s6+s3] =	stream.linear.scatter [tilespmem:s1], [sflag:$0x1], $0x80, $0x38;
	[tilespmem:$0x16020] =	vst v63  }
0xab: {  	s28 =	sadd.s32 $0x47F8, s28;
	s4 =	sadd.s32 $0x800, s4;
	s1 =	smov.u32 s7  }
0xac: {  	[hbm4b:s30+s3] =	stream.linear.scatter [tilespmem:s28], [sflag:$0x1], $0x80, $0x38;
	[tilespmem:$0x16020] =	vst v63  }
0xad: {  	s1 =	sadd.s32 s21, s0  }
0xae: {  	s6 =	sadd.s32 $0x1F8, s1  }
0xaf: {  	[hbm4b:s4+s3] =	stream.linear.scatter [tilespmem:s6], [sflag:$0x1], $0x80, $0x38;
	[tilespmem:$0x16020] =	vst v63  }
0xb0: {  	s7 =	sadd.s32 $0x10, s4;
	s21 =	sadd.s32 $0xBF8, s1  }
0xb1: {  	[hbm4b:s7+s3] =	stream.linear.scatter [tilespmem:s21], [sflag:$0x1], $0x80, $0x38;
	[tilespmem:$0x16020] =	vst v63  }
0xb2: {  	s7 =	sadd.s32 $0x15F8, s1;
	s21 =	sadd.s32 $0x20, s4  }
0xb3: {  	[hbm4b:s21+s3] =	stream.linear.scatter [tilespmem:s7], [sflag:$0x1], $0x80, $0x38;
	[tilespmem:$0x16020] =	vst v63  }
0xb4: {  	s7 =	sadd.s32 $0x1FF8, s1;
	s21 =	sadd.s32 $0x30, s4  }
0xb5: {  	[hbm4b:s21+s3] =	stream.linear.scatter [tilespmem:s7], [sflag:$0x1], $0x80, $0x38;
	[tilespmem:$0x16020] =	vst v63  }
0xb6: {  	s7 =	sadd.s32 $0x29F8, s1;
	s21 =	sadd.s32 $0x40, s4  }
0xb7: {  	[hbm4b:s21+s3] =	stream.linear.scatter [tilespmem:s7], [sflag:$0x1], $0x80, $0x38;
	[tilespmem:$0x16020] =	vst v63  }
0xb8: {  	s7 =	sadd.s32 $0x33F8, s1;
	s21 =	sadd.s32 $0x50, s4  }
0xb9: {  	[hbm4b:s21+s3] =	stream.linear.scatter [tilespmem:s7], [sflag:$0x1], $0x80, $0x38;
	[tilespmem:$0x16020] =	vst v63  }
0xba: {  	s6 =	sadd.s32 $0x70, s4;
	s7 =	sadd.s32 $0x3DF8, s1;
	s21 =	sadd.s32 $0x60, s4  }
0xbb: {  	[hbm4b:s21+s3] =	stream.linear.scatter [tilespmem:s7], [sflag:$0x1], $0x80, $0x38;
	[tilespmem:$0x16020] =	vst v63  }
0xbc: {  	s1 =	sadd.s32 $0x47F8, s1;
	s4 =	sadd.s32 $0x0, s0;
	s7 =	rddreg [dreg:$0x5]  }
0xbd: {  	[hbm4b:s6+s3] =	stream.linear.scatter [tilespmem:s1], [sflag:$0x1], $0x80, $0x38;
	[tilespmem:$0x16020] =	vst v63  }
0xbe: {  	s21 =	sadd.s32 $0x278, s4;
	s6 =	sadd.s32 s2, s7  }
0xbf: {  	[hbm4b:s6+s3] =	stream.linear.scatter [tilespmem:s21], [sflag:$0x1], $0x80, $0x38;
	[tilespmem:$0x16020] =	vst v63  }
0xc0: {  	s7 =	sadd.s32 $0xC78, s4;
	s21 =	sadd.s32 $0x10, s6  }
0xc1: {  	[hbm4b:s21+s3] =	stream.linear.scatter [tilespmem:s7], [sflag:$0x1], $0x80, $0x38;
	[tilespmem:$0x16020] =	vst v63  }
0xc2: {  	s7 =	sadd.s32 $0x1678, s4;
	s21 =	sadd.s32 $0x20, s6  }
0xc3: {  	[hbm4b:s21+s3] =	stream.linear.scatter [tilespmem:s7], [sflag:$0x1], $0x80, $0x38;
	[tilespmem:$0x16020] =	vst v63  }
0xc4: {  	s7 =	sadd.s32 $0x2078, s4;
	s21 =	sadd.s32 $0x30, s6  }
0xc5: {  	[hbm4b:s21+s3] =	stream.linear.scatter [tilespmem:s7], [sflag:$0x1], $0x80, $0x38;
	[tilespmem:$0x16020] =	vst v63  }
0xc6: {  	s7 =	sadd.s32 $0x2A78, s4;
	s21 =	sadd.s32 $0x40, s6  }
0xc7: {  	[hbm4b:s21+s3] =	stream.linear.scatter [tilespmem:s7], [sflag:$0x1], $0x80, $0x38;
	[tilespmem:$0x16020] =	vst v63  }
0xc8: {  	s28 =	sadd.s32 $0x4878, s4;
	s7 =	sadd.s32 $0x3478, s4;
	s21 =	sadd.s32 $0x50, s6  }
0xc9: {  	[hbm4b:s21+s3] =	stream.linear.scatter [tilespmem:s7], [sflag:$0x1], $0x80, $0x38;
	[tilespmem:$0x16020] =	vst v63  }
0xca: {  	s1 =	simm.s32 $0x28000;
	s7 =	sadd.s32 $0x3E78, s4;
	s21 =	sadd.s32 $0x60, s6  }
0xcb: {  	[hbm4b:s21+s3] =	stream.linear.scatter [tilespmem:s7], [sflag:$0x1], $0x80, $0x38;
	[tilespmem:$0x16020] =	vst v63  }
0xcc: {  	s30 =	sadd.s32 $0x70, s6;
	s4 =	sadd.s32 $0x800, s6;
	s21 =	simm.s32 $0x5000  }
.LBB2_15:
0xcd: {  	[hbm4b:s30+s3] =	stream.linear.scatter [tilespmem:s28], [sflag:$0x1], $0x80, $0x38;
	[tilespmem:$0x16020] =	vst v63  }
0xce: {  	s6 =	smov.u32 s1  }
0xcf: {  	s7 =	sadd.s32 $0x14000, s1;
	s28 =	sadd.s32 s21, s0;
	s21 =	sshra.s32 s6, $0x2  }
0xd0: {  	p1 =	sne.s32 s1, $0x3C000;
	s1 =	sadd.s32 $0x278, s28  }
0xd1: {  	[hbm4b:s4+s3] =	stream.linear.scatter [tilespmem:s1], [sflag:$0x1], $0x80, $0x38;
	[tilespmem:$0x16020] =	vst v63  }
0xd2: {  	s6 =	sadd.s32 $0x10, s4;
	s1 =	sadd.s32 $0xC78, s28  }
0xd3: {  	[hbm4b:s6+s3] =	stream.linear.scatter [tilespmem:s1], [sflag:$0x1], $0x80, $0x38;
	[tilespmem:$0x16020] =	vst v63  }
0xd4: {  	s1 =	sadd.s32 $0x1678, s28;
	s6 =	sadd.s32 $0x20, s4  }
0xd5: {  	[hbm4b:s6+s3] =	stream.linear.scatter [tilespmem:s1], [sflag:$0x1], $0x80, $0x38;
	[tilespmem:$0x16020] =	vst v63  }
0xd6: {  	s1 =	sadd.s32 $0x2078, s28;
	s6 =	sadd.s32 $0x30, s4  }
0xd7: {  	[hbm4b:s6+s3] =	stream.linear.scatter [tilespmem:s1], [sflag:$0x1], $0x80, $0x38;
	[tilespmem:$0x16020] =	vst v63  }
0xd8: {  	s1 =	sadd.s32 $0x2A78, s28;
	s6 =	sadd.s32 $0x40, s4  }
0xd9: {  	[hbm4b:s6+s3] =	stream.linear.scatter [tilespmem:s1], [sflag:$0x1], $0x80, $0x38;
	[tilespmem:$0x16020] =	vst v63  }
.Ltmp8:
0xda: {  	s1 =	sadd.s32 $0x3478, s28;
	s6 =	sadd.s32 $0x50, s4;
	(pc) =	sbr.rel @p1 .LBB2_15-.Ltmp8, $4  }
0xdb: {  	[hbm4b:s6+s3] =	stream.linear.scatter [tilespmem:s1], [sflag:$0x1], $0x80, $0x38;
	[tilespmem:$0x16020] =	vst v63  }
0xdc: {  	s30 =	sadd.s32 $0x70, s4;
	s1 =	sadd.s32 $0x3E78, s28;
	s6 =	sadd.s32 $0x60, s4  }
0xdd: {  	[hbm4b:s6+s3] =	stream.linear.scatter [tilespmem:s1], [sflag:$0x1], $0x80, $0x38;
	[tilespmem:$0x16020] =	vst v63  }
0xde: {  	s28 =	sadd.s32 $0x4878, s28;
	s4 =	sadd.s32 $0x800, s4;
	s1 =	smov.u32 s7  }
0xdf: {  	[hbm4b:s30+s3] =	stream.linear.scatter [tilespmem:s28], [sflag:$0x1], $0x80, $0x38;
	[tilespmem:$0x16020] =	vst v63  }
0xe0: {  	s1 =	sadd.s32 s21, s0  }
0xe1: {  	s6 =	sadd.s32 $0x278, s1  }
0xe2: {  	[hbm4b:s4+s3] =	stream.linear.scatter [tilespmem:s6], [sflag:$0x1], $0x80, $0x38;
	[tilespmem:$0x16020] =	vst v63  }
0xe3: {  	s7 =	sadd.s32 $0x10, s4;
	s21 =	sadd.s32 $0xC78, s1  }
0xe4: {  	[hbm4b:s7+s3] =	stream.linear.scatter [tilespmem:s21], [sflag:$0x1], $0x80, $0x38;
	[tilespmem:$0x16020] =	vst v63  }
0xe5: {  	s7 =	sadd.s32 $0x1678, s1;
	s21 =	sadd.s32 $0x20, s4  }
0xe6: {  	[hbm4b:s21+s3] =	stream.linear.scatter [tilespmem:s7], [sflag:$0x1], $0x80, $0x38;
	[tilespmem:$0x16020] =	vst v63  }
0xe7: {  	s7 =	sadd.s32 $0x2078, s1;
	s21 =	sadd.s32 $0x30, s4  }
0xe8: {  	[hbm4b:s21+s3] =	stream.linear.scatter [tilespmem:s7], [sflag:$0x1], $0x80, $0x38;
	[tilespmem:$0x16020] =	vst v63  }
0xe9: {  	s7 =	sadd.s32 $0x2A78, s1;
	s21 =	sadd.s32 $0x40, s4  }
0xea: {  	[hbm4b:s21+s3] =	stream.linear.scatter [tilespmem:s7], [sflag:$0x1], $0x80, $0x38;
	[tilespmem:$0x16020] =	vst v63  }
0xeb: {  	s7 =	sadd.s32 $0x3478, s1;
	s21 =	sadd.s32 $0x50, s4  }
0xec: {  	[hbm4b:s21+s3] =	stream.linear.scatter [tilespmem:s7], [sflag:$0x1], $0x80, $0x38;
	[tilespmem:$0x16020] =	vst v63  }
0xed: {  	s7 =	sadd.s32 $0x3E78, s1;
	s21 =	sadd.s32 $0x60, s4  }
0xee: {  	[hbm4b:s21+s3] =	stream.linear.scatter [tilespmem:s7], [sflag:$0x1], $0x80, $0x38;
	[tilespmem:$0x16020] =	vst v63  }
0xef: {  	s1 =	sadd.s32 $0x4878, s1;
	s7 =	sadd.s32 $0x70, s4;
	s4 =	sadd.s32 $0x0, s0  }
0xf0: {  	[hbm4b:s7+s3] =	stream.linear.scatter [tilespmem:s1], [sflag:$0x1], $0x80, $0x38;
	[tilespmem:$0x16020] =	vst v63  }
0xf1: {  	s6 =	sadd.s32 s2, s8;
	s21 =	sadd.s32 $0x2F8, s4  }
0xf2: {  	[hbm4b:s6+s3] =	stream.linear.scatter [tilespmem:s21], [sflag:$0x1], $0x80, $0x38;
	[tilespmem:$0x16020] =	vst v63  }
0xf3: {  	s7 =	sadd.s32 $0xCF8, s4;
	s21 =	sadd.s32 $0x10, s6  }
0xf4: {  	[hbm4b:s21+s3] =	stream.linear.scatter [tilespmem:s7], [sflag:$0x1], $0x80, $0x38;
	[tilespmem:$0x16020] =	vst v63  }
0xf5: {  	s7 =	sadd.s32 $0x16F8, s4;
	s21 =	sadd.s32 $0x20, s6  }
0xf6: {  	[hbm4b:s21+s3] =	stream.linear.scatter [tilespmem:s7], [sflag:$0x1], $0x80, $0x38;
	[tilespmem:$0x16020] =	vst v63  }
0xf7: {  	s7 =	sadd.s32 $0x20F8, s4;
	s21 =	sadd.s32 $0x30, s6  }
0xf8: {  	[hbm4b:s21+s3] =	stream.linear.scatter [tilespmem:s7], [sflag:$0x1], $0x80, $0x38;
	[tilespmem:$0x16020] =	vst v63  }
0xf9: {  	s7 =	sadd.s32 $0x2AF8, s4;
	s21 =	sadd.s32 $0x40, s6  }
0xfa: {  	[hbm4b:s21+s3] =	stream.linear.scatter [tilespmem:s7], [sflag:$0x1], $0x80, $0x38;
	[tilespmem:$0x16020] =	vst v63  }
0xfb: {  	s30 =	sadd.s32 $0x70, s6;
	s7 =	sadd.s32 $0x34F8, s4;
	s21 =	sadd.s32 $0x50, s6  }
0xfc: {  	[hbm4b:s21+s3] =	stream.linear.scatter [tilespmem:s7], [sflag:$0x1], $0x80, $0x38;
	[tilespmem:$0x16020] =	vst v63  }
0xfd: {  	s28 =	sadd.s32 $0x48F8, s4;
	s7 =	sadd.s32 $0x3EF8, s4;
	s21 =	sadd.s32 $0x60, s6  }
0xfe: {  	[hbm4b:s21+s3] =	stream.linear.scatter [tilespmem:s7], [sflag:$0x1], $0x80, $0x38;
	[tilespmem:$0x16020] =	vst v63  }
0xff: {  	s1 =	simm.s32 $0x28000;
	s4 =	sadd.s32 $0x800, s6;
	s21 =	simm.s32 $0x5000  }
.LBB2_17:
0x100: {  	[hbm4b:s30+s3] =	stream.linear.scatter [tilespmem:s28], [sflag:$0x1], $0x80, $0x38;
	[tilespmem:$0x16020] =	vst v63  }
0x101: {  	s6 =	smov.u32 s1  }
0x102: {  	s7 =	sadd.s32 $0x14000, s1;
	s28 =	sadd.s32 s21, s0;
	s21 =	sshra.s32 s6, $0x2  }
0x103: {  	p1 =	sne.s32 s1, $0x3C000;
	s1 =	sadd.s32 $0x2F8, s28  }
0x104: {  	[hbm4b:s4+s3] =	stream.linear.scatter [tilespmem:s1], [sflag:$0x1], $0x80, $0x38;
	[tilespmem:$0x16020] =	vst v63  }
0x105: {  	s6 =	sadd.s32 $0x10, s4;
	s1 =	sadd.s32 $0xCF8, s28  }
0x106: {  	[hbm4b:s6+s3] =	stream.linear.scatter [tilespmem:s1], [sflag:$0x1], $0x80, $0x38;
	[tilespmem:$0x16020] =	vst v63  }
0x107: {  	s1 =	sadd.s32 $0x16F8, s28;
	s6 =	sadd.s32 $0x20, s4  }
0x108: {  	[hbm4b:s6+s3] =	stream.linear.scatter [tilespmem:s1], [sflag:$0x1], $0x80, $0x38;
	[tilespmem:$0x16020] =	vst v63  }
0x109: {  	s1 =	sadd.s32 $0x20F8, s28;
	s6 =	sadd.s32 $0x30, s4  }
0x10a: {  	[hbm4b:s6+s3] =	stream.linear.scatter [tilespmem:s1], [sflag:$0x1], $0x80, $0x38;
	[tilespmem:$0x16020] =	vst v63  }
0x10b: {  	s1 =	sadd.s32 $0x2AF8, s28;
	s6 =	sadd.s32 $0x40, s4  }
0x10c: {  	[hbm4b:s6+s3] =	stream.linear.scatter [tilespmem:s1], [sflag:$0x1], $0x80, $0x38;
	[tilespmem:$0x16020] =	vst v63  }
.Ltmp9:
0x10d: {  	s1 =	sadd.s32 $0x34F8, s28;
	s6 =	sadd.s32 $0x50, s4;
	(pc) =	sbr.rel @p1 .LBB2_17-.Ltmp9, $4  }
0x10e: {  	[hbm4b:s6+s3] =	stream.linear.scatter [tilespmem:s1], [sflag:$0x1], $0x80, $0x38;
	[tilespmem:$0x16020] =	vst v63  }
0x10f: {  	s30 =	sadd.s32 $0x70, s4;
	s1 =	sadd.s32 $0x3EF8, s28;
	s6 =	sadd.s32 $0x60, s4  }
0x110: {  	[hbm4b:s6+s3] =	stream.linear.scatter [tilespmem:s1], [sflag:$0x1], $0x80, $0x38;
	[tilespmem:$0x16020] =	vst v63  }
0x111: {  	s28 =	sadd.s32 $0x48F8, s28;
	s4 =	sadd.s32 $0x800, s4;
	s1 =	smov.u32 s7  }
0x112: {  	[hbm4b:s30+s3] =	stream.linear.scatter [tilespmem:s28], [sflag:$0x1], $0x80, $0x38;
	[tilespmem:$0x16020] =	vst v63  }
0x113: {  	s1 =	sadd.s32 s21, s0  }
0x114: {  	s6 =	sadd.s32 $0x2F8, s1  }
0x115: {  	[hbm4b:s4+s3] =	stream.linear.scatter [tilespmem:s6], [sflag:$0x1], $0x80, $0x38;
	[tilespmem:$0x16020] =	vst v63  }
0x116: {  	s7 =	sadd.s32 $0x10, s4;
	s21 =	sadd.s32 $0xCF8, s1  }
0x117: {  	[hbm4b:s7+s3] =	stream.linear.scatter [tilespmem:s21], [sflag:$0x1], $0x80, $0x38;
	[tilespmem:$0x16020] =	vst v63  }
0x118: {  	s7 =	sadd.s32 $0x16F8, s1;
	s21 =	sadd.s32 $0x20, s4  }
0x119: {  	[hbm4b:s21+s3] =	stream.linear.scatter [tilespmem:s7], [sflag:$0x1], $0x80, $0x38;
	[tilespmem:$0x16020] =	vst v63  }
0x11a: {  	s7 =	sadd.s32 $0x20F8, s1;
	s21 =	sadd.s32 $0x30, s4  }
0x11b: {  	[hbm4b:s21+s3] =	stream.linear.scatter [tilespmem:s7], [sflag:$0x1], $0x80, $0x38;
	[tilespmem:$0x16020] =	vst v63  }
0x11c: {  	s7 =	sadd.s32 $0x2AF8, s1;
	s21 =	sadd.s32 $0x40, s4  }
0x11d: {  	[hbm4b:s21+s3] =	stream.linear.scatter [tilespmem:s7], [sflag:$0x1], $0x80, $0x38;
	[tilespmem:$0x16020] =	vst v63  }
0x11e: {  	s7 =	sadd.s32 $0x34F8, s1;
	s21 =	sadd.s32 $0x50, s4  }
0x11f: {  	[hbm4b:s21+s3] =	stream.linear.scatter [tilespmem:s7], [sflag:$0x1], $0x80, $0x38;
	[tilespmem:$0x16020] =	vst v63  }
0x120: {  	s7 =	sadd.s32 $0x3EF8, s1;
	s21 =	sadd.s32 $0x60, s4  }
0x121: {  	[hbm4b:s21+s3] =	stream.linear.scatter [tilespmem:s7], [sflag:$0x1], $0x80, $0x38;
	[tilespmem:$0x16020] =	vst v63  }
0x122: {  	s1 =	sadd.s32 $0x48F8, s1;
	s7 =	sadd.s32 $0x70, s4;
	s4 =	sadd.s32 $0x0, s0  }
0x123: {  	[hbm4b:s7+s3] =	stream.linear.scatter [tilespmem:s1], [sflag:$0x1], $0x80, $0x38;
	[tilespmem:$0x16020] =	vst v63  }
0x124: {  	s6 =	sadd.s32 s2, s9;
	s21 =	sadd.s32 $0x378, s4  }
0x125: {  	[hbm4b:s6+s3] =	stream.linear.scatter [tilespmem:s21], [sflag:$0x1], $0x80, $0x38;
	[tilespmem:$0x16020] =	vst v63  }
0x126: {  	s7 =	sadd.s32 $0xD78, s4;
	s21 =	sadd.s32 $0x10, s6  }
0x127: {  	[hbm4b:s21+s3] =	stream.linear.scatter [tilespmem:s7], [sflag:$0x1], $0x80, $0x38;
	[tilespmem:$0x16020] =	vst v63  }
0x128: {  	s7 =	sadd.s32 $0x1778, s4;
	s21 =	sadd.s32 $0x20, s6  }
0x129: {  	[hbm4b:s21+s3] =	stream.linear.scatter [tilespmem:s7], [sflag:$0x1], $0x80, $0x38;
	[tilespmem:$0x16020] =	vst v63  }
0x12a: {  	s7 =	sadd.s32 $0x2178, s4;
	s21 =	sadd.s32 $0x30, s6  }
0x12b: {  	[hbm4b:s21+s3] =	stream.linear.scatter [tilespmem:s7], [sflag:$0x1], $0x80, $0x38;
	[tilespmem:$0x16020] =	vst v63  }
0x12c: {  	s7 =	sadd.s32 $0x2B78, s4;
	s21 =	sadd.s32 $0x40, s6  }
0x12d: {  	[hbm4b:s21+s3] =	stream.linear.scatter [tilespmem:s7], [sflag:$0x1], $0x80, $0x38;
	[tilespmem:$0x16020] =	vst v63  }
0x12e: {  	s30 =	sadd.s32 $0x70, s6;
	s7 =	sadd.s32 $0x3578, s4;
	s21 =	sadd.s32 $0x50, s6  }
0x12f: {  	[hbm4b:s21+s3] =	stream.linear.scatter [tilespmem:s7], [sflag:$0x1], $0x80, $0x38;
	[tilespmem:$0x16020] =	vst v63  }
0x130: {  	s28 =	sadd.s32 $0x4978, s4;
	s7 =	sadd.s32 $0x3F78, s4;
	s21 =	sadd.s32 $0x60, s6  }
0x131: {  	[hbm4b:s21+s3] =	stream.linear.scatter [tilespmem:s7], [sflag:$0x1], $0x80, $0x38;
	[tilespmem:$0x16020] =	vst v63  }
0x132: {  	s1 =	simm.s32 $0x28000;
	s4 =	sadd.s32 $0x800, s6;
	s21 =	simm.s32 $0x5000  }
.LBB2_19:
0x133: {  	[hbm4b:s30+s3] =	stream.linear.scatter [tilespmem:s28], [sflag:$0x1], $0x80, $0x38;
	[tilespmem:$0x16020] =	vst v63  }
0x134: {  	s6 =	smov.u32 s1  }
0x135: {  	s7 =	sadd.s32 $0x14000, s1;
	s28 =	sadd.s32 s21, s0;
	s21 =	sshra.s32 s6, $0x2  }
0x136: {  	p1 =	sne.s32 s1, $0x3C000;
	s1 =	sadd.s32 $0x378, s28  }
0x137: {  	[hbm4b:s4+s3] =	stream.linear.scatter [tilespmem:s1], [sflag:$0x1], $0x80, $0x38;
	[tilespmem:$0x16020] =	vst v63  }
0x138: {  	s6 =	sadd.s32 $0x10, s4;
	s1 =	sadd.s32 $0xD78, s28  }
0x139: {  	[hbm4b:s6+s3] =	stream.linear.scatter [tilespmem:s1], [sflag:$0x1], $0x80, $0x38;
	[tilespmem:$0x16020] =	vst v63  }
0x13a: {  	s1 =	sadd.s32 $0x1778, s28;
	s6 =	sadd.s32 $0x20, s4  }
0x13b: {  	[hbm4b:s6+s3] =	stream.linear.scatter [tilespmem:s1], [sflag:$0x1], $0x80, $0x38;
	[tilespmem:$0x16020] =	vst v63  }
0x13c: {  	s1 =	sadd.s32 $0x2178, s28;
	s6 =	sadd.s32 $0x30, s4  }
0x13d: {  	[hbm4b:s6+s3] =	stream.linear.scatter [tilespmem:s1], [sflag:$0x1], $0x80, $0x38;
	[tilespmem:$0x16020] =	vst v63  }
0x13e: {  	s1 =	sadd.s32 $0x2B78, s28;
	s6 =	sadd.s32 $0x40, s4  }
0x13f: {  	[hbm4b:s6+s3] =	stream.linear.scatter [tilespmem:s1], [sflag:$0x1], $0x80, $0x38;
	[tilespmem:$0x16020] =	vst v63  }
.Ltmp10:
0x140: {  	s1 =	sadd.s32 $0x3578, s28;
	s6 =	sadd.s32 $0x50, s4;
	(pc) =	sbr.rel @p1 .LBB2_19-.Ltmp10, $4  }
0x141: {  	[hbm4b:s6+s3] =	stream.linear.scatter [tilespmem:s1], [sflag:$0x1], $0x80, $0x38;
	[tilespmem:$0x16020] =	vst v63  }
0x142: {  	s30 =	sadd.s32 $0x70, s4;
	s1 =	sadd.s32 $0x3F78, s28;
	s6 =	sadd.s32 $0x60, s4  }
0x143: {  	[hbm4b:s6+s3] =	stream.linear.scatter [tilespmem:s1], [sflag:$0x1], $0x80, $0x38;
	[tilespmem:$0x16020] =	vst v63  }
0x144: {  	s28 =	sadd.s32 $0x4978, s28;
	s4 =	sadd.s32 $0x800, s4;
	s1 =	smov.u32 s7  }
0x145: {  	[hbm4b:s30+s3] =	stream.linear.scatter [tilespmem:s28], [sflag:$0x1], $0x80, $0x38;
	[tilespmem:$0x16020] =	vst v63  }
0x146: {  	s1 =	sadd.s32 s21, s0  }
0x147: {  	s6 =	sadd.s32 $0x378, s1  }
0x148: {  	[hbm4b:s4+s3] =	stream.linear.scatter [tilespmem:s6], [sflag:$0x1], $0x80, $0x38;
	[tilespmem:$0x16020] =	vst v63  }
0x149: {  	s7 =	sadd.s32 $0x10, s4;
	s21 =	sadd.s32 $0xD78, s1  }
0x14a: {  	[hbm4b:s7+s3] =	stream.linear.scatter [tilespmem:s21], [sflag:$0x1], $0x80, $0x38;
	[tilespmem:$0x16020] =	vst v63  }
0x14b: {  	s7 =	sadd.s32 $0x1778, s1;
	s21 =	sadd.s32 $0x20, s4  }
0x14c: {  	[hbm4b:s21+s3] =	stream.linear.scatter [tilespmem:s7], [sflag:$0x1], $0x80, $0x38;
	[tilespmem:$0x16020] =	vst v63  }
0x14d: {  	s7 =	sadd.s32 $0x2178, s1;
	s21 =	sadd.s32 $0x30, s4  }
0x14e: {  	[hbm4b:s21+s3] =	stream.linear.scatter [tilespmem:s7], [sflag:$0x1], $0x80, $0x38;
	[tilespmem:$0x16020] =	vst v63  }
0x14f: {  	s7 =	sadd.s32 $0x2B78, s1;
	s21 =	sadd.s32 $0x40, s4  }
0x150: {  	[hbm4b:s21+s3] =	stream.linear.scatter [tilespmem:s7], [sflag:$0x1], $0x80, $0x38;
	[tilespmem:$0x16020] =	vst v63  }
0x151: {  	s7 =	sadd.s32 $0x3578, s1;
	s21 =	sadd.s32 $0x50, s4  }
0x152: {  	[hbm4b:s21+s3] =	stream.linear.scatter [tilespmem:s7], [sflag:$0x1], $0x80, $0x38;
	[tilespmem:$0x16020] =	vst v63  }
0x153: {  	s7 =	sadd.s32 $0x3F78, s1;
	s21 =	sadd.s32 $0x60, s4  }
0x154: {  	[hbm4b:s21+s3] =	stream.linear.scatter [tilespmem:s7], [sflag:$0x1], $0x80, $0x38;
	[tilespmem:$0x16020] =	vst v63  }
0x155: {  	s1 =	sadd.s32 $0x4978, s1;
	s7 =	sadd.s32 $0x70, s4;
	s4 =	sadd.s32 $0x0, s0  }
0x156: {  	[hbm4b:s7+s3] =	stream.linear.scatter [tilespmem:s1], [sflag:$0x1], $0x80, $0x38;
	[tilespmem:$0x16020] =	vst v63  }
0x157: {  	s6 =	sadd.s32 s2, s10;
	s21 =	sadd.s32 $0x3F8, s4  }
0x158: {  	[hbm4b:s6+s3] =	stream.linear.scatter [tilespmem:s21], [sflag:$0x1], $0x80, $0x38;
	[tilespmem:$0x16020] =	vst v63  }
0x159: {  	s7 =	sadd.s32 $0xDF8, s4;
	s21 =	sadd.s32 $0x10, s6  }
0x15a: {  	[hbm4b:s21+s3] =	stream.linear.scatter [tilespmem:s7], [sflag:$0x1], $0x80, $0x38;
	[tilespmem:$0x16020] =	vst v63  }
0x15b: {  	s7 =	sadd.s32 $0x17F8, s4;
	s21 =	sadd.s32 $0x20, s6  }
0x15c: {  	[hbm4b:s21+s3] =	stream.linear.scatter [tilespmem:s7], [sflag:$0x1], $0x80, $0x38;
	[tilespmem:$0x16020] =	vst v63  }
0x15d: {  	s7 =	sadd.s32 $0x21F8, s4;
	s21 =	sadd.s32 $0x30, s6  }
0x15e: {  	[hbm4b:s21+s3] =	stream.linear.scatter [tilespmem:s7], [sflag:$0x1], $0x80, $0x38;
	[tilespmem:$0x16020] =	vst v63  }
0x15f: {  	s7 =	sadd.s32 $0x2BF8, s4;
	s21 =	sadd.s32 $0x40, s6  }
0x160: {  	[hbm4b:s21+s3] =	stream.linear.scatter [tilespmem:s7], [sflag:$0x1], $0x80, $0x38;
	[tilespmem:$0x16020] =	vst v63  }
0x161: {  	s30 =	sadd.s32 $0x70, s6;
	s7 =	sadd.s32 $0x35F8, s4;
	s21 =	sadd.s32 $0x50, s6  }
0x162: {  	[hbm4b:s21+s3] =	stream.linear.scatter [tilespmem:s7], [sflag:$0x1], $0x80, $0x38;
	[tilespmem:$0x16020] =	vst v63  }
0x163: {  	s28 =	sadd.s32 $0x49F8, s4;
	s7 =	sadd.s32 $0x3FF8, s4;
	s21 =	sadd.s32 $0x60, s6  }
0x164: {  	[hbm4b:s21+s3] =	stream.linear.scatter [tilespmem:s7], [sflag:$0x1], $0x80, $0x38;
	[tilespmem:$0x16020] =	vst v63  }
0x165: {  	s1 =	simm.s32 $0x28000;
	s4 =	sadd.s32 $0x800, s6;
	s21 =	simm.s32 $0x5000  }
.LBB2_21:
0x166: {  	[hbm4b:s30+s3] =	stream.linear.scatter [tilespmem:s28], [sflag:$0x1], $0x80, $0x38;
	[tilespmem:$0x16020] =	vst v63  }
0x167: {  	s6 =	smov.u32 s1  }
0x168: {  	s7 =	sadd.s32 $0x14000, s1;
	s28 =	sadd.s32 s21, s0;
	s21 =	sshra.s32 s6, $0x2  }
0x169: {  	p1 =	sne.s32 s1, $0x3C000;
	s1 =	sadd.s32 $0x3F8, s28  }
0x16a: {  	[hbm4b:s4+s3] =	stream.linear.scatter [tilespmem:s1], [sflag:$0x1], $0x80, $0x38;
	[tilespmem:$0x16020] =	vst v63  }
0x16b: {  	s6 =	sadd.s32 $0x10, s4;
	s1 =	sadd.s32 $0xDF8, s28  }
0x16c: {  	[hbm4b:s6+s3] =	stream.linear.scatter [tilespmem:s1], [sflag:$0x1], $0x80, $0x38;
	[tilespmem:$0x16020] =	vst v63  }
0x16d: {  	s1 =	sadd.s32 $0x17F8, s28;
	s6 =	sadd.s32 $0x20, s4  }
0x16e: {  	[hbm4b:s6+s3] =	stream.linear.scatter [tilespmem:s1], [sflag:$0x1], $0x80, $0x38;
	[tilespmem:$0x16020] =	vst v63  }
0x16f: {  	s1 =	sadd.s32 $0x21F8, s28;
	s6 =	sadd.s32 $0x30, s4  }
0x170: {  	[hbm4b:s6+s3] =	stream.linear.scatter [tilespmem:s1], [sflag:$0x1], $0x80, $0x38;
	[tilespmem:$0x16020] =	vst v63  }
0x171: {  	s1 =	sadd.s32 $0x2BF8, s28;
	s6 =	sadd.s32 $0x40, s4  }
0x172: {  	[hbm4b:s6+s3] =	stream.linear.scatter [tilespmem:s1], [sflag:$0x1], $0x80, $0x38;
	[tilespmem:$0x16020] =	vst v63  }
.Ltmp11:
0x173: {  	s1 =	sadd.s32 $0x35F8, s28;
	s6 =	sadd.s32 $0x50, s4;
	(pc) =	sbr.rel @p1 .LBB2_21-.Ltmp11, $4  }
0x174: {  	[hbm4b:s6+s3] =	stream.linear.scatter [tilespmem:s1], [sflag:$0x1], $0x80, $0x38;
	[tilespmem:$0x16020] =	vst v63  }
0x175: {  	s30 =	sadd.s32 $0x70, s4;
	s1 =	sadd.s32 $0x3FF8, s28;
	s6 =	sadd.s32 $0x60, s4  }
0x176: {  	[hbm4b:s6+s3] =	stream.linear.scatter [tilespmem:s1], [sflag:$0x1], $0x80, $0x38;
	[tilespmem:$0x16020] =	vst v63  }
0x177: {  	s28 =	sadd.s32 $0x49F8, s28;
	s4 =	sadd.s32 $0x800, s4;
	s1 =	smov.u32 s7  }
0x178: {  	[hbm4b:s30+s3] =	stream.linear.scatter [tilespmem:s28], [sflag:$0x1], $0x80, $0x38;
	[tilespmem:$0x16020] =	vst v63  }
0x179: {  	s1 =	sadd.s32 s21, s0  }
0x17a: {  	s6 =	sadd.s32 $0x3F8, s1  }
0x17b: {  	[hbm4b:s4+s3] =	stream.linear.scatter [tilespmem:s6], [sflag:$0x1], $0x80, $0x38;
	[tilespmem:$0x16020] =	vst v63  }
0x17c: {  	s7 =	sadd.s32 $0x10, s4;
	s21 =	sadd.s32 $0xDF8, s1  }
0x17d: {  	[hbm4b:s7+s3] =	stream.linear.scatter [tilespmem:s21], [sflag:$0x1], $0x80, $0x38;
	[tilespmem:$0x16020] =	vst v63  }
0x17e: {  	s7 =	sadd.s32 $0x17F8, s1;
	s21 =	sadd.s32 $0x20, s4  }
0x17f: {  	[hbm4b:s21+s3] =	stream.linear.scatter [tilespmem:s7], [sflag:$0x1], $0x80, $0x38;
	[tilespmem:$0x16020] =	vst v63  }
0x180: {  	s7 =	sadd.s32 $0x21F8, s1;
	s21 =	sadd.s32 $0x30, s4  }
0x181: {  	[hbm4b:s21+s3] =	stream.linear.scatter [tilespmem:s7], [sflag:$0x1], $0x80, $0x38;
	[tilespmem:$0x16020] =	vst v63  }
0x182: {  	s7 =	sadd.s32 $0x2BF8, s1;
	s21 =	sadd.s32 $0x40, s4  }
0x183: {  	[hbm4b:s21+s3] =	stream.linear.scatter [tilespmem:s7], [sflag:$0x1], $0x80, $0x38;
	[tilespmem:$0x16020] =	vst v63  }
0x184: {  	s7 =	sadd.s32 $0x35F8, s1;
	s21 =	sadd.s32 $0x50, s4  }
0x185: {  	[hbm4b:s21+s3] =	stream.linear.scatter [tilespmem:s7], [sflag:$0x1], $0x80, $0x38;
	[tilespmem:$0x16020] =	vst v63  }
0x186: {  	s7 =	sadd.s32 $0x3FF8, s1;
	s21 =	sadd.s32 $0x60, s4  }
0x187: {  	[hbm4b:s21+s3] =	stream.linear.scatter [tilespmem:s7], [sflag:$0x1], $0x80, $0x38;
	[tilespmem:$0x16020] =	vst v63  }
0x188: {  	s1 =	sadd.s32 $0x49F8, s1;
	s7 =	sadd.s32 $0x70, s4;
	s4 =	sadd.s32 $0x0, s0  }
0x189: {  	[hbm4b:s7+s3] =	stream.linear.scatter [tilespmem:s1], [sflag:$0x1], $0x80, $0x38;
	[tilespmem:$0x16020] =	vst v63  }
0x18a: {  	s6 =	sadd.s32 s2, s11;
	s21 =	sadd.s32 $0x478, s4  }
0x18b: {  	[hbm4b:s6+s3] =	stream.linear.scatter [tilespmem:s21], [sflag:$0x1], $0x80, $0x38;
	[tilespmem:$0x16020] =	vst v63  }
0x18c: {  	s7 =	sadd.s32 $0xE78, s4;
	s21 =	sadd.s32 $0x10, s6  }
0x18d: {  	[hbm4b:s21+s3] =	stream.linear.scatter [tilespmem:s7], [sflag:$0x1], $0x80, $0x38;
	[tilespmem:$0x16020] =	vst v63  }
0x18e: {  	s7 =	sadd.s32 $0x1878, s4;
	s21 =	sadd.s32 $0x20, s6  }
0x18f: {  	[hbm4b:s21+s3] =	stream.linear.scatter [tilespmem:s7], [sflag:$0x1], $0x80, $0x38;
	[tilespmem:$0x16020] =	vst v63  }
0x190: {  	s7 =	sadd.s32 $0x2278, s4;
	s21 =	sadd.s32 $0x30, s6  }
0x191: {  	[hbm4b:s21+s3] =	stream.linear.scatter [tilespmem:s7], [sflag:$0x1], $0x80, $0x38;
	[tilespmem:$0x16020] =	vst v63  }
0x192: {  	s7 =	sadd.s32 $0x2C78, s4;
	s21 =	sadd.s32 $0x40, s6  }
0x193: {  	[hbm4b:s21+s3] =	stream.linear.scatter [tilespmem:s7], [sflag:$0x1], $0x80, $0x38;
	[tilespmem:$0x16020] =	vst v63  }
0x194: {  	s30 =	sadd.s32 $0x70, s6;
	s7 =	sadd.s32 $0x3678, s4;
	s21 =	sadd.s32 $0x50, s6  }
0x195: {  	[hbm4b:s21+s3] =	stream.linear.scatter [tilespmem:s7], [sflag:$0x1], $0x80, $0x38;
	[tilespmem:$0x16020] =	vst v63  }
0x196: {  	s28 =	sadd.s32 $0x4A78, s4;
	s7 =	sadd.s32 $0x4078, s4;
	s21 =	sadd.s32 $0x60, s6  }
0x197: {  	[hbm4b:s21+s3] =	stream.linear.scatter [tilespmem:s7], [sflag:$0x1], $0x80, $0x38;
	[tilespmem:$0x16020] =	vst v63  }
0x198: {  	s1 =	simm.s32 $0x28000;
	s4 =	sadd.s32 $0x800, s6;
	s21 =	simm.s32 $0x5000  }
.LBB2_23:
0x199: {  	[hbm4b:s30+s3] =	stream.linear.scatter [tilespmem:s28], [sflag:$0x1], $0x80, $0x38;
	[tilespmem:$0x16020] =	vst v63  }
0x19a: {  	s6 =	smov.u32 s1  }
0x19b: {  	s7 =	sadd.s32 $0x14000, s1;
	s28 =	sadd.s32 s21, s0;
	s21 =	sshra.s32 s6, $0x2  }
0x19c: {  	p1 =	sne.s32 s1, $0x3C000;
	s1 =	sadd.s32 $0x478, s28  }
0x19d: {  	[hbm4b:s4+s3] =	stream.linear.scatter [tilespmem:s1], [sflag:$0x1], $0x80, $0x38;
	[tilespmem:$0x16020] =	vst v63  }
0x19e: {  	s6 =	sadd.s32 $0x10, s4;
	s1 =	sadd.s32 $0xE78, s28  }
0x19f: {  	[hbm4b:s6+s3] =	stream.linear.scatter [tilespmem:s1], [sflag:$0x1], $0x80, $0x38;
	[tilespmem:$0x16020] =	vst v63  }
0x1a0: {  	s1 =	sadd.s32 $0x1878, s28;
	s6 =	sadd.s32 $0x20, s4  }
0x1a1: {  	[hbm4b:s6+s3] =	stream.linear.scatter [tilespmem:s1], [sflag:$0x1], $0x80, $0x38;
	[tilespmem:$0x16020] =	vst v63  }
0x1a2: {  	s1 =	sadd.s32 $0x2278, s28;
	s6 =	sadd.s32 $0x30, s4  }
0x1a3: {  	[hbm4b:s6+s3] =	stream.linear.scatter [tilespmem:s1], [sflag:$0x1], $0x80, $0x38;
	[tilespmem:$0x16020] =	vst v63  }
0x1a4: {  	s1 =	sadd.s32 $0x2C78, s28;
	s6 =	sadd.s32 $0x40, s4  }
0x1a5: {  	[hbm4b:s6+s3] =	stream.linear.scatter [tilespmem:s1], [sflag:$0x1], $0x80, $0x38;
	[tilespmem:$0x16020] =	vst v63  }
.Ltmp12:
0x1a6: {  	s1 =	sadd.s32 $0x3678, s28;
	s6 =	sadd.s32 $0x50, s4;
	(pc) =	sbr.rel @p1 .LBB2_23-.Ltmp12, $4  }
0x1a7: {  	[hbm4b:s6+s3] =	stream.linear.scatter [tilespmem:s1], [sflag:$0x1], $0x80, $0x38;
	[tilespmem:$0x16020] =	vst v63  }
0x1a8: {  	s30 =	sadd.s32 $0x70, s4;
	s1 =	sadd.s32 $0x4078, s28;
	s6 =	sadd.s32 $0x60, s4  }
0x1a9: {  	[hbm4b:s6+s3] =	stream.linear.scatter [tilespmem:s1], [sflag:$0x1], $0x80, $0x38;
	[tilespmem:$0x16020] =	vst v63  }
0x1aa: {  	s28 =	sadd.s32 $0x4A78, s28;
	s4 =	sadd.s32 $0x800, s4;
	s1 =	smov.u32 s7  }
0x1ab: {  	[hbm4b:s30+s3] =	stream.linear.scatter [tilespmem:s28], [sflag:$0x1], $0x80, $0x38;
	[tilespmem:$0x16020] =	vst v63  }
0x1ac: {  	s1 =	sadd.s32 s21, s0  }
0x1ad: {  	s6 =	sadd.s32 $0x478, s1  }
0x1ae: {  	[hbm4b:s4+s3] =	stream.linear.scatter [tilespmem:s6], [sflag:$0x1], $0x80, $0x38;
	[tilespmem:$0x16020] =	vst v63  }
0x1af: {  	s7 =	sadd.s32 $0x10, s4;
	s21 =	sadd.s32 $0xE78, s1  }
0x1b0: {  	[hbm4b:s7+s3] =	stream.linear.scatter [tilespmem:s21], [sflag:$0x1], $0x80, $0x38;
	[tilespmem:$0x16020] =	vst v63  }
0x1b1: {  	s7 =	sadd.s32 $0x1878, s1;
	s21 =	sadd.s32 $0x20, s4  }
0x1b2: {  	[hbm4b:s21+s3] =	stream.linear.scatter [tilespmem:s7], [sflag:$0x1], $0x80, $0x38;
	[tilespmem:$0x16020] =	vst v63  }
0x1b3: {  	s7 =	sadd.s32 $0x2278, s1;
	s21 =	sadd.s32 $0x30, s4  }
0x1b4: {  	[hbm4b:s21+s3] =	stream.linear.scatter [tilespmem:s7], [sflag:$0x1], $0x80, $0x38;
	[tilespmem:$0x16020] =	vst v63  }
0x1b5: {  	s7 =	sadd.s32 $0x2C78, s1;
	s21 =	sadd.s32 $0x40, s4  }
0x1b6: {  	[hbm4b:s21+s3] =	stream.linear.scatter [tilespmem:s7], [sflag:$0x1], $0x80, $0x38;
	[tilespmem:$0x16020] =	vst v63  }
0x1b7: {  	s7 =	sadd.s32 $0x3678, s1;
	s21 =	sadd.s32 $0x50, s4  }
0x1b8: {  	[hbm4b:s21+s3] =	stream.linear.scatter [tilespmem:s7], [sflag:$0x1], $0x80, $0x38;
	[tilespmem:$0x16020] =	vst v63  }
0x1b9: {  	s7 =	sadd.s32 $0x4078, s1;
	s21 =	sadd.s32 $0x60, s4  }
0x1ba: {  	[hbm4b:s21+s3] =	stream.linear.scatter [tilespmem:s7], [sflag:$0x1], $0x80, $0x38;
	[tilespmem:$0x16020] =	vst v63  }
0x1bb: {  	s1 =	sadd.s32 $0x4A78, s1;
	s7 =	sadd.s32 $0x70, s4;
	s4 =	sadd.s32 $0x0, s0  }
0x1bc: {  	[hbm4b:s7+s3] =	stream.linear.scatter [tilespmem:s1], [sflag:$0x1], $0x80, $0x38;
	[tilespmem:$0x16020] =	vst v63  }
0x1bd: {  	s6 =	sadd.s32 s2, s12;
	s21 =	sadd.s32 $0x4F8, s4  }
0x1be: {  	[hbm4b:s6+s3] =	stream.linear.scatter [tilespmem:s21], [sflag:$0x1], $0x80, $0x38;
	[tilespmem:$0x16020] =	vst v63  }
0x1bf: {  	s7 =	sadd.s32 $0xEF8, s4;
	s21 =	sadd.s32 $0x10, s6  }
0x1c0: {  	[hbm4b:s21+s3] =	stream.linear.scatter [tilespmem:s7], [sflag:$0x1], $0x80, $0x38;
	[tilespmem:$0x16020] =	vst v63  }
0x1c1: {  	s7 =	sadd.s32 $0x18F8, s4;
	s21 =	sadd.s32 $0x20, s6  }
0x1c2: {  	[hbm4b:s21+s3] =	stream.linear.scatter [tilespmem:s7], [sflag:$0x1], $0x80, $0x38;
	[tilespmem:$0x16020] =	vst v63  }
0x1c3: {  	s7 =	sadd.s32 $0x22F8, s4;
	s21 =	sadd.s32 $0x30, s6  }
0x1c4: {  	[hbm4b:s21+s3] =	stream.linear.scatter [tilespmem:s7], [sflag:$0x1], $0x80, $0x38;
	[tilespmem:$0x16020] =	vst v63  }
0x1c5: {  	s7 =	sadd.s32 $0x2CF8, s4;
	s21 =	sadd.s32 $0x40, s6  }
0x1c6: {  	[hbm4b:s21+s3] =	stream.linear.scatter [tilespmem:s7], [sflag:$0x1], $0x80, $0x38;
	[tilespmem:$0x16020] =	vst v63  }
0x1c7: {  	s30 =	sadd.s32 $0x70, s6;
	s7 =	sadd.s32 $0x36F8, s4;
	s21 =	sadd.s32 $0x50, s6  }
0x1c8: {  	[hbm4b:s21+s3] =	stream.linear.scatter [tilespmem:s7], [sflag:$0x1], $0x80, $0x38;
	[tilespmem:$0x16020] =	vst v63  }
0x1c9: {  	s28 =	sadd.s32 $0x4AF8, s4;
	s7 =	sadd.s32 $0x40F8, s4;
	s21 =	sadd.s32 $0x60, s6  }
0x1ca: {  	[hbm4b:s21+s3] =	stream.linear.scatter [tilespmem:s7], [sflag:$0x1], $0x80, $0x38;
	[tilespmem:$0x16020] =	vst v63  }
0x1cb: {  	s1 =	simm.s32 $0x28000;
	s4 =	sadd.s32 $0x800, s6;
	s21 =	simm.s32 $0x5000  }
.LBB2_25:
0x1cc: {  	[hbm4b:s30+s3] =	stream.linear.scatter [tilespmem:s28], [sflag:$0x1], $0x80, $0x38;
	[tilespmem:$0x16020] =	vst v63  }
0x1cd: {  	s6 =	smov.u32 s1  }
0x1ce: {  	s7 =	sadd.s32 $0x14000, s1;
	s28 =	sadd.s32 s21, s0;
	s21 =	sshra.s32 s6, $0x2  }
0x1cf: {  	p1 =	sne.s32 s1, $0x3C000;
	s1 =	sadd.s32 $0x4F8, s28  }
0x1d0: {  	[hbm4b:s4+s3] =	stream.linear.scatter [tilespmem:s1], [sflag:$0x1], $0x80, $0x38;
	[tilespmem:$0x16020] =	vst v63  }
0x1d1: {  	s6 =	sadd.s32 $0x10, s4;
	s1 =	sadd.s32 $0xEF8, s28  }
0x1d2: {  	[hbm4b:s6+s3] =	stream.linear.scatter [tilespmem:s1], [sflag:$0x1], $0x80, $0x38;
	[tilespmem:$0x16020] =	vst v63  }
0x1d3: {  	s1 =	sadd.s32 $0x18F8, s28;
	s6 =	sadd.s32 $0x20, s4  }
0x1d4: {  	[hbm4b:s6+s3] =	stream.linear.scatter [tilespmem:s1], [sflag:$0x1], $0x80, $0x38;
	[tilespmem:$0x16020] =	vst v63  }
0x1d5: {  	s1 =	sadd.s32 $0x22F8, s28;
	s6 =	sadd.s32 $0x30, s4  }
0x1d6: {  	[hbm4b:s6+s3] =	stream.linear.scatter [tilespmem:s1], [sflag:$0x1], $0x80, $0x38;
	[tilespmem:$0x16020] =	vst v63  }
0x1d7: {  	s1 =	sadd.s32 $0x2CF8, s28;
	s6 =	sadd.s32 $0x40, s4  }
0x1d8: {  	[hbm4b:s6+s3] =	stream.linear.scatter [tilespmem:s1], [sflag:$0x1], $0x80, $0x38;
	[tilespmem:$0x16020] =	vst v63  }
.Ltmp13:
0x1d9: {  	s1 =	sadd.s32 $0x36F8, s28;
	s6 =	sadd.s32 $0x50, s4;
	(pc) =	sbr.rel @p1 .LBB2_25-.Ltmp13, $4  }
0x1da: {  	[hbm4b:s6+s3] =	stream.linear.scatter [tilespmem:s1], [sflag:$0x1], $0x80, $0x38;
	[tilespmem:$0x16020] =	vst v63  }
0x1db: {  	s30 =	sadd.s32 $0x70, s4;
	s1 =	sadd.s32 $0x40F8, s28;
	s6 =	sadd.s32 $0x60, s4  }
0x1dc: {  	[hbm4b:s6+s3] =	stream.linear.scatter [tilespmem:s1], [sflag:$0x1], $0x80, $0x38;
	[tilespmem:$0x16020] =	vst v63  }
0x1dd: {  	s28 =	sadd.s32 $0x4AF8, s28;
	s4 =	sadd.s32 $0x800, s4;
	s1 =	smov.u32 s7  }
0x1de: {  	[hbm4b:s30+s3] =	stream.linear.scatter [tilespmem:s28], [sflag:$0x1], $0x80, $0x38;
	[tilespmem:$0x16020] =	vst v63  }
0x1df: {  	s1 =	sadd.s32 s21, s0  }
0x1e0: {  	s6 =	sadd.s32 $0x4F8, s1  }
0x1e1: {  	[hbm4b:s4+s3] =	stream.linear.scatter [tilespmem:s6], [sflag:$0x1], $0x80, $0x38;
	[tilespmem:$0x16020] =	vst v63  }
0x1e2: {  	s7 =	sadd.s32 $0x10, s4;
	s21 =	sadd.s32 $0xEF8, s1  }
0x1e3: {  	[hbm4b:s7+s3] =	stream.linear.scatter [tilespmem:s21], [sflag:$0x1], $0x80, $0x38;
	[tilespmem:$0x16020] =	vst v63  }
0x1e4: {  	s7 =	sadd.s32 $0x18F8, s1;
	s21 =	sadd.s32 $0x20, s4  }
0x1e5: {  	[hbm4b:s21+s3] =	stream.linear.scatter [tilespmem:s7], [sflag:$0x1], $0x80, $0x38;
	[tilespmem:$0x16020] =	vst v63  }
0x1e6: {  	s7 =	sadd.s32 $0x22F8, s1;
	s21 =	sadd.s32 $0x30, s4  }
0x1e7: {  	[hbm4b:s21+s3] =	stream.linear.scatter [tilespmem:s7], [sflag:$0x1], $0x80, $0x38;
	[tilespmem:$0x16020] =	vst v63  }
0x1e8: {  	s7 =	sadd.s32 $0x2CF8, s1;
	s21 =	sadd.s32 $0x40, s4  }
0x1e9: {  	[hbm4b:s21+s3] =	stream.linear.scatter [tilespmem:s7], [sflag:$0x1], $0x80, $0x38;
	[tilespmem:$0x16020] =	vst v63  }
0x1ea: {  	s7 =	sadd.s32 $0x36F8, s1;
	s21 =	sadd.s32 $0x50, s4  }
0x1eb: {  	[hbm4b:s21+s3] =	stream.linear.scatter [tilespmem:s7], [sflag:$0x1], $0x80, $0x38;
	[tilespmem:$0x16020] =	vst v63  }
0x1ec: {  	s7 =	sadd.s32 $0x40F8, s1;
	s21 =	sadd.s32 $0x60, s4  }
0x1ed: {  	[hbm4b:s21+s3] =	stream.linear.scatter [tilespmem:s7], [sflag:$0x1], $0x80, $0x38;
	[tilespmem:$0x16020] =	vst v63  }
0x1ee: {  	s1 =	sadd.s32 $0x4AF8, s1;
	s7 =	sadd.s32 $0x70, s4;
	s4 =	sadd.s32 $0x0, s0  }
0x1ef: {  	[hbm4b:s7+s3] =	stream.linear.scatter [tilespmem:s1], [sflag:$0x1], $0x80, $0x38;
	[tilespmem:$0x16020] =	vst v63  }
0x1f0: {  	s6 =	sadd.s32 s2, s13;
	s21 =	sadd.s32 $0x578, s4  }
0x1f1: {  	[hbm4b:s6+s3] =	stream.linear.scatter [tilespmem:s21], [sflag:$0x1], $0x80, $0x38;
	[tilespmem:$0x16020] =	vst v63  }
0x1f2: {  	s7 =	sadd.s32 $0xF78, s4;
	s21 =	sadd.s32 $0x10, s6  }
0x1f3: {  	[hbm4b:s21+s3] =	stream.linear.scatter [tilespmem:s7], [sflag:$0x1], $0x80, $0x38;
	[tilespmem:$0x16020] =	vst v63  }
0x1f4: {  	s7 =	sadd.s32 $0x1978, s4;
	s21 =	sadd.s32 $0x20, s6  }
0x1f5: {  	[hbm4b:s21+s3] =	stream.linear.scatter [tilespmem:s7], [sflag:$0x1], $0x80, $0x38;
	[tilespmem:$0x16020] =	vst v63  }
0x1f6: {  	s7 =	sadd.s32 $0x2378, s4;
	s21 =	sadd.s32 $0x30, s6  }
0x1f7: {  	[hbm4b:s21+s3] =	stream.linear.scatter [tilespmem:s7], [sflag:$0x1], $0x80, $0x38;
	[tilespmem:$0x16020] =	vst v63  }
0x1f8: {  	s7 =	sadd.s32 $0x2D78, s4;
	s21 =	sadd.s32 $0x40, s6  }
0x1f9: {  	[hbm4b:s21+s3] =	stream.linear.scatter [tilespmem:s7], [sflag:$0x1], $0x80, $0x38;
	[tilespmem:$0x16020] =	vst v63  }
0x1fa: {  	s30 =	sadd.s32 $0x70, s6;
	s7 =	sadd.s32 $0x3778, s4;
	s21 =	sadd.s32 $0x50, s6  }
0x1fb: {  	[hbm4b:s21+s3] =	stream.linear.scatter [tilespmem:s7], [sflag:$0x1], $0x80, $0x38;
	[tilespmem:$0x16020] =	vst v63  }
0x1fc: {  	s28 =	sadd.s32 $0x4B78, s4;
	s7 =	sadd.s32 $0x4178, s4;
	s21 =	sadd.s32 $0x60, s6  }
0x1fd: {  	[hbm4b:s21+s3] =	stream.linear.scatter [tilespmem:s7], [sflag:$0x1], $0x80, $0x38;
	[tilespmem:$0x16020] =	vst v63  }
0x1fe: {  	s1 =	simm.s32 $0x28000;
	s4 =	sadd.s32 $0x800, s6;
	s21 =	simm.s32 $0x5000  }
.LBB2_27:
0x1ff: {  	[hbm4b:s30+s3] =	stream.linear.scatter [tilespmem:s28], [sflag:$0x1], $0x80, $0x38;
	[tilespmem:$0x16020] =	vst v63  }
0x200: {  	s6 =	smov.u32 s1  }
0x201: {  	s7 =	sadd.s32 $0x14000, s1;
	s28 =	sadd.s32 s21, s0;
	s21 =	sshra.s32 s6, $0x2  }
0x202: {  	p1 =	sne.s32 s1, $0x3C000;
	s1 =	sadd.s32 $0x578, s28  }
0x203: {  	[hbm4b:s4+s3] =	stream.linear.scatter [tilespmem:s1], [sflag:$0x1], $0x80, $0x38;
	[tilespmem:$0x16020] =	vst v63  }
0x204: {  	s6 =	sadd.s32 $0x10, s4;
	s1 =	sadd.s32 $0xF78, s28  }
0x205: {  	[hbm4b:s6+s3] =	stream.linear.scatter [tilespmem:s1], [sflag:$0x1], $0x80, $0x38;
	[tilespmem:$0x16020] =	vst v63  }
0x206: {  	s1 =	sadd.s32 $0x1978, s28;
	s6 =	sadd.s32 $0x20, s4  }
0x207: {  	[hbm4b:s6+s3] =	stream.linear.scatter [tilespmem:s1], [sflag:$0x1], $0x80, $0x38;
	[tilespmem:$0x16020] =	vst v63  }
0x208: {  	s1 =	sadd.s32 $0x2378, s28;
	s6 =	sadd.s32 $0x30, s4  }
0x209: {  	[hbm4b:s6+s3] =	stream.linear.scatter [tilespmem:s1], [sflag:$0x1], $0x80, $0x38;
	[tilespmem:$0x16020] =	vst v63  }
0x20a: {  	s1 =	sadd.s32 $0x2D78, s28;
	s6 =	sadd.s32 $0x40, s4  }
0x20b: {  	[hbm4b:s6+s3] =	stream.linear.scatter [tilespmem:s1], [sflag:$0x1], $0x80, $0x38;
	[tilespmem:$0x16020] =	vst v63  }
.Ltmp14:
0x20c: {  	s1 =	sadd.s32 $0x3778, s28;
	s6 =	sadd.s32 $0x50, s4;
	(pc) =	sbr.rel @p1 .LBB2_27-.Ltmp14, $4  }
0x20d: {  	[hbm4b:s6+s3] =	stream.linear.scatter [tilespmem:s1], [sflag:$0x1], $0x80, $0x38;
	[tilespmem:$0x16020] =	vst v63  }
0x20e: {  	s30 =	sadd.s32 $0x70, s4;
	s1 =	sadd.s32 $0x4178, s28;
	s6 =	sadd.s32 $0x60, s4  }
0x20f: {  	[hbm4b:s6+s3] =	stream.linear.scatter [tilespmem:s1], [sflag:$0x1], $0x80, $0x38;
	[tilespmem:$0x16020] =	vst v63  }
0x210: {  	s28 =	sadd.s32 $0x4B78, s28;
	s4 =	sadd.s32 $0x800, s4;
	s1 =	smov.u32 s7  }
0x211: {  	[hbm4b:s30+s3] =	stream.linear.scatter [tilespmem:s28], [sflag:$0x1], $0x80, $0x38;
	[tilespmem:$0x16020] =	vst v63  }
0x212: {  	s1 =	sadd.s32 s21, s0  }
0x213: {  	s6 =	sadd.s32 $0x578, s1  }
0x214: {  	[hbm4b:s4+s3] =	stream.linear.scatter [tilespmem:s6], [sflag:$0x1], $0x80, $0x38;
	[tilespmem:$0x16020] =	vst v63  }
0x215: {  	s7 =	sadd.s32 $0x10, s4;
	s21 =	sadd.s32 $0xF78, s1  }
0x216: {  	[hbm4b:s7+s3] =	stream.linear.scatter [tilespmem:s21], [sflag:$0x1], $0x80, $0x38;
	[tilespmem:$0x16020] =	vst v63  }
0x217: {  	s7 =	sadd.s32 $0x1978, s1;
	s21 =	sadd.s32 $0x20, s4  }
0x218: {  	[hbm4b:s21+s3] =	stream.linear.scatter [tilespmem:s7], [sflag:$0x1], $0x80, $0x38;
	[tilespmem:$0x16020] =	vst v63  }
0x219: {  	s7 =	sadd.s32 $0x2378, s1;
	s21 =	sadd.s32 $0x30, s4  }
0x21a: {  	[hbm4b:s21+s3] =	stream.linear.scatter [tilespmem:s7], [sflag:$0x1], $0x80, $0x38;
	[tilespmem:$0x16020] =	vst v63  }
0x21b: {  	s7 =	sadd.s32 $0x2D78, s1;
	s21 =	sadd.s32 $0x40, s4  }
0x21c: {  	[hbm4b:s21+s3] =	stream.linear.scatter [tilespmem:s7], [sflag:$0x1], $0x80, $0x38;
	[tilespmem:$0x16020] =	vst v63  }
0x21d: {  	s7 =	sadd.s32 $0x3778, s1;
	s21 =	sadd.s32 $0x50, s4  }
0x21e: {  	[hbm4b:s21+s3] =	stream.linear.scatter [tilespmem:s7], [sflag:$0x1], $0x80, $0x38;
	[tilespmem:$0x16020] =	vst v63  }
0x21f: {  	s7 =	sadd.s32 $0x4178, s1;
	s21 =	sadd.s32 $0x60, s4  }
0x220: {  	[hbm4b:s21+s3] =	stream.linear.scatter [tilespmem:s7], [sflag:$0x1], $0x80, $0x38;
	[tilespmem:$0x16020] =	vst v63  }
0x221: {  	s1 =	sadd.s32 $0x4B78, s1;
	s7 =	sadd.s32 $0x70, s4;
	s4 =	sadd.s32 $0x0, s0  }
0x222: {  	[hbm4b:s7+s3] =	stream.linear.scatter [tilespmem:s1], [sflag:$0x1], $0x80, $0x38;
	[tilespmem:$0x16020] =	vst v63  }
0x223: {  	s6 =	sadd.s32 s2, s14;
	s21 =	sadd.s32 $0x5F8, s4  }
0x224: {  	[hbm4b:s6+s3] =	stream.linear.scatter [tilespmem:s21], [sflag:$0x1], $0x80, $0x38;
	[tilespmem:$0x16020] =	vst v63  }
0x225: {  	s7 =	sadd.s32 $0xFF8, s4;
	s21 =	sadd.s32 $0x10, s6  }
0x226: {  	[hbm4b:s21+s3] =	stream.linear.scatter [tilespmem:s7], [sflag:$0x1], $0x80, $0x38;
	[tilespmem:$0x16020] =	vst v63  }
0x227: {  	s7 =	sadd.s32 $0x19F8, s4;
	s21 =	sadd.s32 $0x20, s6  }
0x228: {  	[hbm4b:s21+s3] =	stream.linear.scatter [tilespmem:s7], [sflag:$0x1], $0x80, $0x38;
	[tilespmem:$0x16020] =	vst v63  }
0x229: {  	s7 =	sadd.s32 $0x23F8, s4;
	s21 =	sadd.s32 $0x30, s6  }
0x22a: {  	[hbm4b:s21+s3] =	stream.linear.scatter [tilespmem:s7], [sflag:$0x1], $0x80, $0x38;
	[tilespmem:$0x16020] =	vst v63  }
0x22b: {  	s7 =	sadd.s32 $0x2DF8, s4;
	s21 =	sadd.s32 $0x40, s6  }
0x22c: {  	[hbm4b:s21+s3] =	stream.linear.scatter [tilespmem:s7], [sflag:$0x1], $0x80, $0x38;
	[tilespmem:$0x16020] =	vst v63  }
0x22d: {  	s30 =	sadd.s32 $0x70, s6;
	s7 =	sadd.s32 $0x37F8, s4;
	s21 =	sadd.s32 $0x50, s6  }
0x22e: {  	[hbm4b:s21+s3] =	stream.linear.scatter [tilespmem:s7], [sflag:$0x1], $0x80, $0x38;
	[tilespmem:$0x16020] =	vst v63  }
0x22f: {  	s28 =	sadd.s32 $0x4BF8, s4;
	s7 =	sadd.s32 $0x41F8, s4;
	s21 =	sadd.s32 $0x60, s6  }
0x230: {  	[hbm4b:s21+s3] =	stream.linear.scatter [tilespmem:s7], [sflag:$0x1], $0x80, $0x38;
	[tilespmem:$0x16020] =	vst v63  }
0x231: {  	s1 =	simm.s32 $0x28000;
	s4 =	sadd.s32 $0x800, s6;
	s21 =	simm.s32 $0x5000  }
.LBB2_29:
0x232: {  	[hbm4b:s30+s3] =	stream.linear.scatter [tilespmem:s28], [sflag:$0x1], $0x80, $0x38;
	[tilespmem:$0x16020] =	vst v63  }
0x233: {  	s6 =	smov.u32 s1  }
0x234: {  	s7 =	sadd.s32 $0x14000, s1;
	s28 =	sadd.s32 s21, s0;
	s21 =	sshra.s32 s6, $0x2  }
0x235: {  	p1 =	sne.s32 s1, $0x3C000;
	s1 =	sadd.s32 $0x5F8, s28  }
0x236: {  	[hbm4b:s4+s3] =	stream.linear.scatter [tilespmem:s1], [sflag:$0x1], $0x80, $0x38;
	[tilespmem:$0x16020] =	vst v63  }
0x237: {  	s6 =	sadd.s32 $0x10, s4;
	s1 =	sadd.s32 $0xFF8, s28  }
0x238: {  	[hbm4b:s6+s3] =	stream.linear.scatter [tilespmem:s1], [sflag:$0x1], $0x80, $0x38;
	[tilespmem:$0x16020] =	vst v63  }
0x239: {  	s1 =	sadd.s32 $0x19F8, s28;
	s6 =	sadd.s32 $0x20, s4  }
0x23a: {  	[hbm4b:s6+s3] =	stream.linear.scatter [tilespmem:s1], [sflag:$0x1], $0x80, $0x38;
	[tilespmem:$0x16020] =	vst v63  }
0x23b: {  	s1 =	sadd.s32 $0x23F8, s28;
	s6 =	sadd.s32 $0x30, s4  }
0x23c: {  	[hbm4b:s6+s3] =	stream.linear.scatter [tilespmem:s1], [sflag:$0x1], $0x80, $0x38;
	[tilespmem:$0x16020] =	vst v63  }
0x23d: {  	s1 =	sadd.s32 $0x2DF8, s28;
	s6 =	sadd.s32 $0x40, s4  }
0x23e: {  	[hbm4b:s6+s3] =	stream.linear.scatter [tilespmem:s1], [sflag:$0x1], $0x80, $0x38;
	[tilespmem:$0x16020] =	vst v63  }
.Ltmp15:
0x23f: {  	s1 =	sadd.s32 $0x37F8, s28;
	s6 =	sadd.s32 $0x50, s4;
	(pc) =	sbr.rel @p1 .LBB2_29-.Ltmp15, $4  }
0x240: {  	[hbm4b:s6+s3] =	stream.linear.scatter [tilespmem:s1], [sflag:$0x1], $0x80, $0x38;
	[tilespmem:$0x16020] =	vst v63  }
0x241: {  	s30 =	sadd.s32 $0x70, s4;
	s1 =	sadd.s32 $0x41F8, s28;
	s6 =	sadd.s32 $0x60, s4  }
0x242: {  	[hbm4b:s6+s3] =	stream.linear.scatter [tilespmem:s1], [sflag:$0x1], $0x80, $0x38;
	[tilespmem:$0x16020] =	vst v63  }
0x243: {  	s28 =	sadd.s32 $0x4BF8, s28;
	s4 =	sadd.s32 $0x800, s4;
	s1 =	smov.u32 s7  }
0x244: {  	[hbm4b:s30+s3] =	stream.linear.scatter [tilespmem:s28], [sflag:$0x1], $0x80, $0x38;
	[tilespmem:$0x16020] =	vst v63  }
0x245: {  	s1 =	sadd.s32 s21, s0  }
0x246: {  	s6 =	sadd.s32 $0x5F8, s1  }
0x247: {  	[hbm4b:s4+s3] =	stream.linear.scatter [tilespmem:s6], [sflag:$0x1], $0x80, $0x38;
	[tilespmem:$0x16020] =	vst v63  }
0x248: {  	s7 =	sadd.s32 $0x10, s4;
	s21 =	sadd.s32 $0xFF8, s1  }
0x249: {  	[hbm4b:s7+s3] =	stream.linear.scatter [tilespmem:s21], [sflag:$0x1], $0x80, $0x38;
	[tilespmem:$0x16020] =	vst v63  }
0x24a: {  	s7 =	sadd.s32 $0x19F8, s1;
	s21 =	sadd.s32 $0x20, s4  }
0x24b: {  	[hbm4b:s21+s3] =	stream.linear.scatter [tilespmem:s7], [sflag:$0x1], $0x80, $0x38;
	[tilespmem:$0x16020] =	vst v63  }
0x24c: {  	s7 =	sadd.s32 $0x23F8, s1;
	s21 =	sadd.s32 $0x30, s4  }
0x24d: {  	[hbm4b:s21+s3] =	stream.linear.scatter [tilespmem:s7], [sflag:$0x1], $0x80, $0x38;
	[tilespmem:$0x16020] =	vst v63  }
0x24e: {  	s7 =	sadd.s32 $0x2DF8, s1;
	s21 =	sadd.s32 $0x40, s4  }
0x24f: {  	[hbm4b:s21+s3] =	stream.linear.scatter [tilespmem:s7], [sflag:$0x1], $0x80, $0x38;
	[tilespmem:$0x16020] =	vst v63  }
0x250: {  	s7 =	sadd.s32 $0x37F8, s1;
	s21 =	sadd.s32 $0x50, s4  }
0x251: {  	[hbm4b:s21+s3] =	stream.linear.scatter [tilespmem:s7], [sflag:$0x1], $0x80, $0x38;
	[tilespmem:$0x16020] =	vst v63  }
0x252: {  	s7 =	sadd.s32 $0x41F8, s1;
	s21 =	sadd.s32 $0x60, s4  }
0x253: {  	[hbm4b:s21+s3] =	stream.linear.scatter [tilespmem:s7], [sflag:$0x1], $0x80, $0x38;
	[tilespmem:$0x16020] =	vst v63  }
0x254: {  	s1 =	sadd.s32 $0x4BF8, s1;
	s7 =	sadd.s32 $0x70, s4;
	s4 =	sadd.s32 $0x0, s0  }
0x255: {  	[hbm4b:s7+s3] =	stream.linear.scatter [tilespmem:s1], [sflag:$0x1], $0x80, $0x38;
	[tilespmem:$0x16020] =	vst v63  }
0x256: {  	s6 =	sadd.s32 s2, s15;
	s21 =	sadd.s32 $0x678, s4  }
0x257: {  	[hbm4b:s6+s3] =	stream.linear.scatter [tilespmem:s21], [sflag:$0x1], $0x80, $0x38;
	[tilespmem:$0x16020] =	vst v63  }
0x258: {  	s7 =	sadd.s32 $0x1078, s4;
	s21 =	sadd.s32 $0x10, s6  }
0x259: {  	[hbm4b:s21+s3] =	stream.linear.scatter [tilespmem:s7], [sflag:$0x1], $0x80, $0x38;
	[tilespmem:$0x16020] =	vst v63  }
0x25a: {  	s7 =	sadd.s32 $0x1A78, s4;
	s21 =	sadd.s32 $0x20, s6  }
0x25b: {  	[hbm4b:s21+s3] =	stream.linear.scatter [tilespmem:s7], [sflag:$0x1], $0x80, $0x38;
	[tilespmem:$0x16020] =	vst v63  }
0x25c: {  	s7 =	sadd.s32 $0x2478, s4;
	s21 =	sadd.s32 $0x30, s6  }
0x25d: {  	[hbm4b:s21+s3] =	stream.linear.scatter [tilespmem:s7], [sflag:$0x1], $0x80, $0x38;
	[tilespmem:$0x16020] =	vst v63  }
0x25e: {  	s7 =	sadd.s32 $0x2E78, s4;
	s21 =	sadd.s32 $0x40, s6  }
0x25f: {  	[hbm4b:s21+s3] =	stream.linear.scatter [tilespmem:s7], [sflag:$0x1], $0x80, $0x38;
	[tilespmem:$0x16020] =	vst v63  }
0x260: {  	s30 =	sadd.s32 $0x70, s6;
	s7 =	sadd.s32 $0x3878, s4;
	s21 =	sadd.s32 $0x50, s6  }
0x261: {  	[hbm4b:s21+s3] =	stream.linear.scatter [tilespmem:s7], [sflag:$0x1], $0x80, $0x38;
	[tilespmem:$0x16020] =	vst v63  }
0x262: {  	s28 =	sadd.s32 $0x4C78, s4;
	s7 =	sadd.s32 $0x4278, s4;
	s21 =	sadd.s32 $0x60, s6  }
0x263: {  	[hbm4b:s21+s3] =	stream.linear.scatter [tilespmem:s7], [sflag:$0x1], $0x80, $0x38;
	[tilespmem:$0x16020] =	vst v63  }
0x264: {  	s1 =	simm.s32 $0x28000;
	s4 =	sadd.s32 $0x800, s6;
	s21 =	simm.s32 $0x5000  }
.LBB2_31:
0x265: {  	[hbm4b:s30+s3] =	stream.linear.scatter [tilespmem:s28], [sflag:$0x1], $0x80, $0x38;
	[tilespmem:$0x16020] =	vst v63  }
0x266: {  	s6 =	smov.u32 s1  }
0x267: {  	s7 =	sadd.s32 $0x14000, s1;
	s28 =	sadd.s32 s21, s0;
	s21 =	sshra.s32 s6, $0x2  }
0x268: {  	p1 =	sne.s32 s1, $0x3C000;
	s1 =	sadd.s32 $0x678, s28  }
0x269: {  	[hbm4b:s4+s3] =	stream.linear.scatter [tilespmem:s1], [sflag:$0x1], $0x80, $0x38;
	[tilespmem:$0x16020] =	vst v63  }
0x26a: {  	s6 =	sadd.s32 $0x10, s4;
	s1 =	sadd.s32 $0x1078, s28  }
0x26b: {  	[hbm4b:s6+s3] =	stream.linear.scatter [tilespmem:s1], [sflag:$0x1], $0x80, $0x38;
	[tilespmem:$0x16020] =	vst v63  }
0x26c: {  	s1 =	sadd.s32 $0x1A78, s28;
	s6 =	sadd.s32 $0x20, s4  }
0x26d: {  	[hbm4b:s6+s3] =	stream.linear.scatter [tilespmem:s1], [sflag:$0x1], $0x80, $0x38;
	[tilespmem:$0x16020] =	vst v63  }
0x26e: {  	s1 =	sadd.s32 $0x2478, s28;
	s6 =	sadd.s32 $0x30, s4  }
0x26f: {  	[hbm4b:s6+s3] =	stream.linear.scatter [tilespmem:s1], [sflag:$0x1], $0x80, $0x38;
	[tilespmem:$0x16020] =	vst v63  }
0x270: {  	s1 =	sadd.s32 $0x2E78, s28;
	s6 =	sadd.s32 $0x40, s4  }
0x271: {  	[hbm4b:s6+s3] =	stream.linear.scatter [tilespmem:s1], [sflag:$0x1], $0x80, $0x38;
	[tilespmem:$0x16020] =	vst v63  }
.Ltmp16:
0x272: {  	s1 =	sadd.s32 $0x3878, s28;
	s6 =	sadd.s32 $0x50, s4;
	(pc) =	sbr.rel @p1 .LBB2_31-.Ltmp16, $4  }
0x273: {  	[hbm4b:s6+s3] =	stream.linear.scatter [tilespmem:s1], [sflag:$0x1], $0x80, $0x38;
	[tilespmem:$0x16020] =	vst v63  }
0x274: {  	s30 =	sadd.s32 $0x70, s4;
	s1 =	sadd.s32 $0x4278, s28;
	s6 =	sadd.s32 $0x60, s4  }
0x275: {  	[hbm4b:s6+s3] =	stream.linear.scatter [tilespmem:s1], [sflag:$0x1], $0x80, $0x38;
	[tilespmem:$0x16020] =	vst v63  }
0x276: {  	s28 =	sadd.s32 $0x4C78, s28;
	s4 =	sadd.s32 $0x800, s4;
	s1 =	smov.u32 s7  }
0x277: {  	[hbm4b:s30+s3] =	stream.linear.scatter [tilespmem:s28], [sflag:$0x1], $0x80, $0x38;
	[tilespmem:$0x16020] =	vst v63  }
0x278: {  	s1 =	sadd.s32 s21, s0  }
0x279: {  	s6 =	sadd.s32 $0x678, s1  }
0x27a: {  	[hbm4b:s4+s3] =	stream.linear.scatter [tilespmem:s6], [sflag:$0x1], $0x80, $0x38;
	[tilespmem:$0x16020] =	vst v63  }
0x27b: {  	s7 =	sadd.s32 $0x10, s4;
	s21 =	sadd.s32 $0x1078, s1  }
0x27c: {  	[hbm4b:s7+s3] =	stream.linear.scatter [tilespmem:s21], [sflag:$0x1], $0x80, $0x38;
	[tilespmem:$0x16020] =	vst v63  }
0x27d: {  	s7 =	sadd.s32 $0x1A78, s1;
	s21 =	sadd.s32 $0x20, s4  }
0x27e: {  	[hbm4b:s21+s3] =	stream.linear.scatter [tilespmem:s7], [sflag:$0x1], $0x80, $0x38;
	[tilespmem:$0x16020] =	vst v63  }
0x27f: {  	s7 =	sadd.s32 $0x2478, s1;
	s21 =	sadd.s32 $0x30, s4  }
0x280: {  	[hbm4b:s21+s3] =	stream.linear.scatter [tilespmem:s7], [sflag:$0x1], $0x80, $0x38;
	[tilespmem:$0x16020] =	vst v63  }
0x281: {  	s7 =	sadd.s32 $0x2E78, s1;
	s21 =	sadd.s32 $0x40, s4  }
0x282: {  	[hbm4b:s21+s3] =	stream.linear.scatter [tilespmem:s7], [sflag:$0x1], $0x80, $0x38;
	[tilespmem:$0x16020] =	vst v63  }
0x283: {  	s7 =	sadd.s32 $0x3878, s1;
	s21 =	sadd.s32 $0x50, s4  }
0x284: {  	[hbm4b:s21+s3] =	stream.linear.scatter [tilespmem:s7], [sflag:$0x1], $0x80, $0x38;
	[tilespmem:$0x16020] =	vst v63  }
0x285: {  	s7 =	sadd.s32 $0x4278, s1;
	s21 =	sadd.s32 $0x60, s4  }
0x286: {  	[hbm4b:s21+s3] =	stream.linear.scatter [tilespmem:s7], [sflag:$0x1], $0x80, $0x38;
	[tilespmem:$0x16020] =	vst v63  }
0x287: {  	s1 =	sadd.s32 $0x4C78, s1;
	s7 =	sadd.s32 $0x70, s4;
	s4 =	sadd.s32 $0x0, s0  }
0x288: {  	[hbm4b:s7+s3] =	stream.linear.scatter [tilespmem:s1], [sflag:$0x1], $0x80, $0x38;
	[tilespmem:$0x16020] =	vst v63  }
0x289: {  	s6 =	sadd.s32 s2, s16;
	s21 =	sadd.s32 $0x6F8, s4  }
0x28a: {  	[hbm4b:s6+s3] =	stream.linear.scatter [tilespmem:s21], [sflag:$0x1], $0x80, $0x38;
	[tilespmem:$0x16020] =	vst v63  }
0x28b: {  	s7 =	sadd.s32 $0x10F8, s4;
	s21 =	sadd.s32 $0x10, s6  }
0x28c: {  	[hbm4b:s21+s3] =	stream.linear.scatter [tilespmem:s7], [sflag:$0x1], $0x80, $0x38;
	[tilespmem:$0x16020] =	vst v63  }
0x28d: {  	s7 =	sadd.s32 $0x1AF8, s4;
	s21 =	sadd.s32 $0x20, s6  }
0x28e: {  	[hbm4b:s21+s3] =	stream.linear.scatter [tilespmem:s7], [sflag:$0x1], $0x80, $0x38;
	[tilespmem:$0x16020] =	vst v63  }
0x28f: {  	s7 =	sadd.s32 $0x24F8, s4;
	s21 =	sadd.s32 $0x30, s6  }
0x290: {  	[hbm4b:s21+s3] =	stream.linear.scatter [tilespmem:s7], [sflag:$0x1], $0x80, $0x38;
	[tilespmem:$0x16020] =	vst v63  }
0x291: {  	s7 =	sadd.s32 $0x2EF8, s4;
	s21 =	sadd.s32 $0x40, s6  }
0x292: {  	[hbm4b:s21+s3] =	stream.linear.scatter [tilespmem:s7], [sflag:$0x1], $0x80, $0x38;
	[tilespmem:$0x16020] =	vst v63  }
0x293: {  	s30 =	sadd.s32 $0x70, s6;
	s7 =	sadd.s32 $0x38F8, s4;
	s21 =	sadd.s32 $0x50, s6  }
0x294: {  	[hbm4b:s21+s3] =	stream.linear.scatter [tilespmem:s7], [sflag:$0x1], $0x80, $0x38;
	[tilespmem:$0x16020] =	vst v63  }
0x295: {  	s28 =	sadd.s32 $0x4CF8, s4;
	s7 =	sadd.s32 $0x42F8, s4;
	s21 =	sadd.s32 $0x60, s6  }
0x296: {  	[hbm4b:s21+s3] =	stream.linear.scatter [tilespmem:s7], [sflag:$0x1], $0x80, $0x38;
	[tilespmem:$0x16020] =	vst v63  }
0x297: {  	s1 =	simm.s32 $0x28000;
	s4 =	sadd.s32 $0x800, s6;
	s21 =	simm.s32 $0x5000  }
.LBB2_33:
0x298: {  	[hbm4b:s30+s3] =	stream.linear.scatter [tilespmem:s28], [sflag:$0x1], $0x80, $0x38;
	[tilespmem:$0x16020] =	vst v63  }
0x299: {  	s6 =	smov.u32 s1  }
0x29a: {  	s7 =	sadd.s32 $0x14000, s1;
	s28 =	sadd.s32 s21, s0;
	s21 =	sshra.s32 s6, $0x2  }
0x29b: {  	p1 =	sne.s32 s1, $0x3C000;
	s1 =	sadd.s32 $0x6F8, s28  }
0x29c: {  	[hbm4b:s4+s3] =	stream.linear.scatter [tilespmem:s1], [sflag:$0x1], $0x80, $0x38;
	[tilespmem:$0x16020] =	vst v63  }
0x29d: {  	s6 =	sadd.s32 $0x10, s4;
	s1 =	sadd.s32 $0x10F8, s28  }
0x29e: {  	[hbm4b:s6+s3] =	stream.linear.scatter [tilespmem:s1], [sflag:$0x1], $0x80, $0x38;
	[tilespmem:$0x16020] =	vst v63  }
0x29f: {  	s1 =	sadd.s32 $0x1AF8, s28;
	s6 =	sadd.s32 $0x20, s4  }
0x2a0: {  	[hbm4b:s6+s3] =	stream.linear.scatter [tilespmem:s1], [sflag:$0x1], $0x80, $0x38;
	[tilespmem:$0x16020] =	vst v63  }
0x2a1: {  	s1 =	sadd.s32 $0x24F8, s28;
	s6 =	sadd.s32 $0x30, s4  }
0x2a2: {  	[hbm4b:s6+s3] =	stream.linear.scatter [tilespmem:s1], [sflag:$0x1], $0x80, $0x38;
	[tilespmem:$0x16020] =	vst v63  }
0x2a3: {  	s1 =	sadd.s32 $0x2EF8, s28;
	s6 =	sadd.s32 $0x40, s4  }
0x2a4: {  	[hbm4b:s6+s3] =	stream.linear.scatter [tilespmem:s1], [sflag:$0x1], $0x80, $0x38;
	[tilespmem:$0x16020] =	vst v63  }
.Ltmp17:
0x2a5: {  	s1 =	sadd.s32 $0x38F8, s28;
	s6 =	sadd.s32 $0x50, s4;
	(pc) =	sbr.rel @p1 .LBB2_33-.Ltmp17, $4  }
0x2a6: {  	[hbm4b:s6+s3] =	stream.linear.scatter [tilespmem:s1], [sflag:$0x1], $0x80, $0x38;
	[tilespmem:$0x16020] =	vst v63  }
0x2a7: {  	s30 =	sadd.s32 $0x70, s4;
	s1 =	sadd.s32 $0x42F8, s28;
	s6 =	sadd.s32 $0x60, s4  }
0x2a8: {  	[hbm4b:s6+s3] =	stream.linear.scatter [tilespmem:s1], [sflag:$0x1], $0x80, $0x38;
	[tilespmem:$0x16020] =	vst v63  }
0x2a9: {  	s28 =	sadd.s32 $0x4CF8, s28;
	s4 =	sadd.s32 $0x800, s4;
	s1 =	smov.u32 s7  }
0x2aa: {  	[hbm4b:s30+s3] =	stream.linear.scatter [tilespmem:s28], [sflag:$0x1], $0x80, $0x38;
	[tilespmem:$0x16020] =	vst v63  }
0x2ab: {  	s1 =	sadd.s32 s21, s0  }
0x2ac: {  	s6 =	sadd.s32 $0x6F8, s1  }
0x2ad: {  	[hbm4b:s4+s3] =	stream.linear.scatter [tilespmem:s6], [sflag:$0x1], $0x80, $0x38;
	[tilespmem:$0x16020] =	vst v63  }
0x2ae: {  	s7 =	sadd.s32 $0x10, s4;
	s21 =	sadd.s32 $0x10F8, s1  }
0x2af: {  	[hbm4b:s7+s3] =	stream.linear.scatter [tilespmem:s21], [sflag:$0x1], $0x80, $0x38;
	[tilespmem:$0x16020] =	vst v63  }
0x2b0: {  	s7 =	sadd.s32 $0x1AF8, s1;
	s21 =	sadd.s32 $0x20, s4  }
0x2b1: {  	[hbm4b:s21+s3] =	stream.linear.scatter [tilespmem:s7], [sflag:$0x1], $0x80, $0x38;
	[tilespmem:$0x16020] =	vst v63  }
0x2b2: {  	s7 =	sadd.s32 $0x24F8, s1;
	s21 =	sadd.s32 $0x30, s4  }
0x2b3: {  	[hbm4b:s21+s3] =	stream.linear.scatter [tilespmem:s7], [sflag:$0x1], $0x80, $0x38;
	[tilespmem:$0x16020] =	vst v63  }
0x2b4: {  	s7 =	sadd.s32 $0x2EF8, s1;
	s21 =	sadd.s32 $0x40, s4  }
0x2b5: {  	[hbm4b:s21+s3] =	stream.linear.scatter [tilespmem:s7], [sflag:$0x1], $0x80, $0x38;
	[tilespmem:$0x16020] =	vst v63  }
0x2b6: {  	s7 =	sadd.s32 $0x38F8, s1;
	s21 =	sadd.s32 $0x50, s4  }
0x2b7: {  	[hbm4b:s21+s3] =	stream.linear.scatter [tilespmem:s7], [sflag:$0x1], $0x80, $0x38;
	[tilespmem:$0x16020] =	vst v63  }
0x2b8: {  	s7 =	sadd.s32 $0x42F8, s1;
	s21 =	sadd.s32 $0x60, s4  }
0x2b9: {  	[hbm4b:s21+s3] =	stream.linear.scatter [tilespmem:s7], [sflag:$0x1], $0x80, $0x38;
	[tilespmem:$0x16020] =	vst v63  }
0x2ba: {  	s1 =	sadd.s32 $0x4CF8, s1;
	s7 =	sadd.s32 $0x70, s4;
	s4 =	sadd.s32 $0x0, s0  }
0x2bb: {  	[hbm4b:s7+s3] =	stream.linear.scatter [tilespmem:s1], [sflag:$0x1], $0x80, $0x38;
	[tilespmem:$0x16020] =	vst v63  }
0x2bc: {  	s6 =	sadd.s32 s2, s17;
	s21 =	sadd.s32 $0x778, s4  }
0x2bd: {  	[hbm4b:s6+s3] =	stream.linear.scatter [tilespmem:s21], [sflag:$0x1], $0x80, $0x38;
	[tilespmem:$0x16020] =	vst v63  }
0x2be: {  	s7 =	sadd.s32 $0x1178, s4;
	s21 =	sadd.s32 $0x10, s6  }
0x2bf: {  	[hbm4b:s21+s3] =	stream.linear.scatter [tilespmem:s7], [sflag:$0x1], $0x80, $0x38;
	[tilespmem:$0x16020] =	vst v63  }
0x2c0: {  	s7 =	sadd.s32 $0x1B78, s4;
	s21 =	sadd.s32 $0x20, s6  }
0x2c1: {  	[hbm4b:s21+s3] =	stream.linear.scatter [tilespmem:s7], [sflag:$0x1], $0x80, $0x38;
	[tilespmem:$0x16020] =	vst v63  }
0x2c2: {  	s7 =	sadd.s32 $0x2578, s4;
	s21 =	sadd.s32 $0x30, s6  }
0x2c3: {  	[hbm4b:s21+s3] =	stream.linear.scatter [tilespmem:s7], [sflag:$0x1], $0x80, $0x38;
	[tilespmem:$0x16020] =	vst v63  }
0x2c4: {  	s7 =	sadd.s32 $0x2F78, s4;
	s21 =	sadd.s32 $0x40, s6  }
0x2c5: {  	[hbm4b:s21+s3] =	stream.linear.scatter [tilespmem:s7], [sflag:$0x1], $0x80, $0x38;
	[tilespmem:$0x16020] =	vst v63  }
0x2c6: {  	s30 =	sadd.s32 $0x70, s6;
	s7 =	sadd.s32 $0x3978, s4;
	s21 =	sadd.s32 $0x50, s6  }
0x2c7: {  	[hbm4b:s21+s3] =	stream.linear.scatter [tilespmem:s7], [sflag:$0x1], $0x80, $0x38;
	[tilespmem:$0x16020] =	vst v63  }
0x2c8: {  	s28 =	sadd.s32 $0x4D78, s4;
	s7 =	sadd.s32 $0x4378, s4;
	s21 =	sadd.s32 $0x60, s6  }
0x2c9: {  	[hbm4b:s21+s3] =	stream.linear.scatter [tilespmem:s7], [sflag:$0x1], $0x80, $0x38;
	[tilespmem:$0x16020] =	vst v63  }
0x2ca: {  	s1 =	simm.s32 $0x28000;
	s4 =	sadd.s32 $0x800, s6;
	s21 =	simm.s32 $0x5000  }
.LBB2_35:
0x2cb: {  	[hbm4b:s30+s3] =	stream.linear.scatter [tilespmem:s28], [sflag:$0x1], $0x80, $0x38;
	[tilespmem:$0x16020] =	vst v63  }
0x2cc: {  	s6 =	smov.u32 s1  }
0x2cd: {  	s7 =	sadd.s32 $0x14000, s1;
	s28 =	sadd.s32 s21, s0;
	s21 =	sshra.s32 s6, $0x2  }
0x2ce: {  	p1 =	sne.s32 s1, $0x3C000;
	s1 =	sadd.s32 $0x778, s28  }
0x2cf: {  	[hbm4b:s4+s3] =	stream.linear.scatter [tilespmem:s1], [sflag:$0x1], $0x80, $0x38;
	[tilespmem:$0x16020] =	vst v63  }
0x2d0: {  	s6 =	sadd.s32 $0x10, s4;
	s1 =	sadd.s32 $0x1178, s28  }
0x2d1: {  	[hbm4b:s6+s3] =	stream.linear.scatter [tilespmem:s1], [sflag:$0x1], $0x80, $0x38;
	[tilespmem:$0x16020] =	vst v63  }
0x2d2: {  	s1 =	sadd.s32 $0x1B78, s28;
	s6 =	sadd.s32 $0x20, s4  }
0x2d3: {  	[hbm4b:s6+s3] =	stream.linear.scatter [tilespmem:s1], [sflag:$0x1], $0x80, $0x38;
	[tilespmem:$0x16020] =	vst v63  }
0x2d4: {  	s1 =	sadd.s32 $0x2578, s28;
	s6 =	sadd.s32 $0x30, s4  }
0x2d5: {  	[hbm4b:s6+s3] =	stream.linear.scatter [tilespmem:s1], [sflag:$0x1], $0x80, $0x38;
	[tilespmem:$0x16020] =	vst v63  }
0x2d6: {  	s1 =	sadd.s32 $0x2F78, s28;
	s6 =	sadd.s32 $0x40, s4  }
0x2d7: {  	[hbm4b:s6+s3] =	stream.linear.scatter [tilespmem:s1], [sflag:$0x1], $0x80, $0x38;
	[tilespmem:$0x16020] =	vst v63  }
.Ltmp18:
0x2d8: {  	s1 =	sadd.s32 $0x3978, s28;
	s6 =	sadd.s32 $0x50, s4;
	(pc) =	sbr.rel @p1 .LBB2_35-.Ltmp18, $4  }
0x2d9: {  	[hbm4b:s6+s3] =	stream.linear.scatter [tilespmem:s1], [sflag:$0x1], $0x80, $0x38;
	[tilespmem:$0x16020] =	vst v63  }
0x2da: {  	s30 =	sadd.s32 $0x70, s4;
	s1 =	sadd.s32 $0x4378, s28;
	s6 =	sadd.s32 $0x60, s4  }
0x2db: {  	[hbm4b:s6+s3] =	stream.linear.scatter [tilespmem:s1], [sflag:$0x1], $0x80, $0x38;
	[tilespmem:$0x16020] =	vst v63  }
0x2dc: {  	s28 =	sadd.s32 $0x4D78, s28;
	s4 =	sadd.s32 $0x800, s4;
	s1 =	smov.u32 s7  }
0x2dd: {  	[hbm4b:s30+s3] =	stream.linear.scatter [tilespmem:s28], [sflag:$0x1], $0x80, $0x38;
	[tilespmem:$0x16020] =	vst v63  }
0x2de: {  	s1 =	sadd.s32 s21, s0  }
0x2df: {  	s6 =	sadd.s32 $0x778, s1  }
0x2e0: {  	[hbm4b:s4+s3] =	stream.linear.scatter [tilespmem:s6], [sflag:$0x1], $0x80, $0x38;
	[tilespmem:$0x16020] =	vst v63  }
0x2e1: {  	s7 =	sadd.s32 $0x10, s4;
	s21 =	sadd.s32 $0x1178, s1  }
0x2e2: {  	[hbm4b:s7+s3] =	stream.linear.scatter [tilespmem:s21], [sflag:$0x1], $0x80, $0x38;
	[tilespmem:$0x16020] =	vst v63  }
0x2e3: {  	s7 =	sadd.s32 $0x1B78, s1;
	s21 =	sadd.s32 $0x20, s4  }
0x2e4: {  	[hbm4b:s21+s3] =	stream.linear.scatter [tilespmem:s7], [sflag:$0x1], $0x80, $0x38;
	[tilespmem:$0x16020] =	vst v63  }
0x2e5: {  	s7 =	sadd.s32 $0x2578, s1;
	s21 =	sadd.s32 $0x30, s4  }
0x2e6: {  	[hbm4b:s21+s3] =	stream.linear.scatter [tilespmem:s7], [sflag:$0x1], $0x80, $0x38;
	[tilespmem:$0x16020] =	vst v63  }
0x2e7: {  	s7 =	sadd.s32 $0x2F78, s1;
	s21 =	sadd.s32 $0x40, s4  }
0x2e8: {  	[hbm4b:s21+s3] =	stream.linear.scatter [tilespmem:s7], [sflag:$0x1], $0x80, $0x38;
	[tilespmem:$0x16020] =	vst v63  }
0x2e9: {  	s7 =	sadd.s32 $0x3978, s1;
	s21 =	sadd.s32 $0x50, s4  }
0x2ea: {  	[hbm4b:s21+s3] =	stream.linear.scatter [tilespmem:s7], [sflag:$0x1], $0x80, $0x38;
	[tilespmem:$0x16020] =	vst v63  }
0x2eb: {  	s7 =	sadd.s32 $0x4378, s1;
	s21 =	sadd.s32 $0x60, s4  }
0x2ec: {  	[hbm4b:s21+s3] =	stream.linear.scatter [tilespmem:s7], [sflag:$0x1], $0x80, $0x38;
	[tilespmem:$0x16020] =	vst v63  }
0x2ed: {  	s1 =	sadd.s32 $0x4D78, s1;
	s7 =	sadd.s32 $0x70, s4;
	s4 =	sadd.s32 $0x0, s0  }
0x2ee: {  	[hbm4b:s7+s3] =	stream.linear.scatter [tilespmem:s1], [sflag:$0x1], $0x80, $0x38;
	[tilespmem:$0x16020] =	vst v63  }
0x2ef: {  	s6 =	sadd.s32 s2, s18;
	s21 =	sadd.s32 $0x7F8, s4  }
0x2f0: {  	[hbm4b:s6+s3] =	stream.linear.scatter [tilespmem:s21], [sflag:$0x1], $0x80, $0x38;
	[tilespmem:$0x16020] =	vst v63  }
0x2f1: {  	s7 =	sadd.s32 $0x11F8, s4;
	s21 =	sadd.s32 $0x10, s6  }
0x2f2: {  	[hbm4b:s21+s3] =	stream.linear.scatter [tilespmem:s7], [sflag:$0x1], $0x80, $0x38;
	[tilespmem:$0x16020] =	vst v63  }
0x2f3: {  	s7 =	sadd.s32 $0x1BF8, s4;
	s21 =	sadd.s32 $0x20, s6  }
0x2f4: {  	[hbm4b:s21+s3] =	stream.linear.scatter [tilespmem:s7], [sflag:$0x1], $0x80, $0x38;
	[tilespmem:$0x16020] =	vst v63  }
0x2f5: {  	s7 =	sadd.s32 $0x25F8, s4;
	s21 =	sadd.s32 $0x30, s6  }
0x2f6: {  	[hbm4b:s21+s3] =	stream.linear.scatter [tilespmem:s7], [sflag:$0x1], $0x80, $0x38;
	[tilespmem:$0x16020] =	vst v63  }
0x2f7: {  	s7 =	sadd.s32 $0x2FF8, s4;
	s21 =	sadd.s32 $0x40, s6  }
0x2f8: {  	[hbm4b:s21+s3] =	stream.linear.scatter [tilespmem:s7], [sflag:$0x1], $0x80, $0x38;
	[tilespmem:$0x16020] =	vst v63  }
0x2f9: {  	s30 =	sadd.s32 $0x70, s6;
	s7 =	sadd.s32 $0x39F8, s4;
	s21 =	sadd.s32 $0x50, s6  }
0x2fa: {  	[hbm4b:s21+s3] =	stream.linear.scatter [tilespmem:s7], [sflag:$0x1], $0x80, $0x38;
	[tilespmem:$0x16020] =	vst v63  }
0x2fb: {  	s28 =	sadd.s32 $0x4DF8, s4;
	s7 =	sadd.s32 $0x43F8, s4;
	s21 =	sadd.s32 $0x60, s6  }
0x2fc: {  	[hbm4b:s21+s3] =	stream.linear.scatter [tilespmem:s7], [sflag:$0x1], $0x80, $0x38;
	[tilespmem:$0x16020] =	vst v63  }
0x2fd: {  	s1 =	simm.s32 $0x28000;
	s4 =	sadd.s32 $0x800, s6;
	s21 =	simm.s32 $0x5000  }
.LBB2_37:
0x2fe: {  	[hbm4b:s30+s3] =	stream.linear.scatter [tilespmem:s28], [sflag:$0x1], $0x80, $0x38;
	[tilespmem:$0x16020] =	vst v63  }
0x2ff: {  	s6 =	smov.u32 s1  }
0x300: {  	s7 =	sadd.s32 $0x14000, s1;
	s28 =	sadd.s32 s21, s0;
	s21 =	sshra.s32 s6, $0x2  }
0x301: {  	p1 =	sne.s32 s1, $0x3C000;
	s1 =	sadd.s32 $0x7F8, s28  }
0x302: {  	[hbm4b:s4+s3] =	stream.linear.scatter [tilespmem:s1], [sflag:$0x1], $0x80, $0x38;
	[tilespmem:$0x16020] =	vst v63  }
0x303: {  	s6 =	sadd.s32 $0x10, s4;
	s1 =	sadd.s32 $0x11F8, s28  }
0x304: {  	[hbm4b:s6+s3] =	stream.linear.scatter [tilespmem:s1], [sflag:$0x1], $0x80, $0x38;
	[tilespmem:$0x16020] =	vst v63  }
0x305: {  	s1 =	sadd.s32 $0x1BF8, s28;
	s6 =	sadd.s32 $0x20, s4  }
0x306: {  	[hbm4b:s6+s3] =	stream.linear.scatter [tilespmem:s1], [sflag:$0x1], $0x80, $0x38;
	[tilespmem:$0x16020] =	vst v63  }
0x307: {  	s1 =	sadd.s32 $0x25F8, s28;
	s6 =	sadd.s32 $0x30, s4  }
0x308: {  	[hbm4b:s6+s3] =	stream.linear.scatter [tilespmem:s1], [sflag:$0x1], $0x80, $0x38;
	[tilespmem:$0x16020] =	vst v63  }
0x309: {  	s1 =	sadd.s32 $0x2FF8, s28;
	s6 =	sadd.s32 $0x40, s4  }
0x30a: {  	[hbm4b:s6+s3] =	stream.linear.scatter [tilespmem:s1], [sflag:$0x1], $0x80, $0x38;
	[tilespmem:$0x16020] =	vst v63  }
.Ltmp19:
0x30b: {  	s1 =	sadd.s32 $0x39F8, s28;
	s6 =	sadd.s32 $0x50, s4;
	(pc) =	sbr.rel @p1 .LBB2_37-.Ltmp19, $4  }
0x30c: {  	[hbm4b:s6+s3] =	stream.linear.scatter [tilespmem:s1], [sflag:$0x1], $0x80, $0x38;
	[tilespmem:$0x16020] =	vst v63  }
0x30d: {  	s30 =	sadd.s32 $0x70, s4;
	s1 =	sadd.s32 $0x43F8, s28;
	s6 =	sadd.s32 $0x60, s4  }
0x30e: {  	[hbm4b:s6+s3] =	stream.linear.scatter [tilespmem:s1], [sflag:$0x1], $0x80, $0x38;
	[tilespmem:$0x16020] =	vst v63  }
0x30f: {  	s28 =	sadd.s32 $0x4DF8, s28;
	s4 =	sadd.s32 $0x800, s4;
	s1 =	smov.u32 s7  }
0x310: {  	[hbm4b:s30+s3] =	stream.linear.scatter [tilespmem:s28], [sflag:$0x1], $0x80, $0x38;
	[tilespmem:$0x16020] =	vst v63  }
0x311: {  	s1 =	sadd.s32 s21, s0  }
0x312: {  	s6 =	sadd.s32 $0x7F8, s1  }
0x313: {  	[hbm4b:s4+s3] =	stream.linear.scatter [tilespmem:s6], [sflag:$0x1], $0x80, $0x38;
	[tilespmem:$0x16020] =	vst v63  }
0x314: {  	s7 =	sadd.s32 $0x10, s4;
	s21 =	sadd.s32 $0x11F8, s1  }
0x315: {  	[hbm4b:s7+s3] =	stream.linear.scatter [tilespmem:s21], [sflag:$0x1], $0x80, $0x38;
	[tilespmem:$0x16020] =	vst v63  }
0x316: {  	s7 =	sadd.s32 $0x1BF8, s1;
	s21 =	sadd.s32 $0x20, s4  }
0x317: {  	[hbm4b:s21+s3] =	stream.linear.scatter [tilespmem:s7], [sflag:$0x1], $0x80, $0x38;
	[tilespmem:$0x16020] =	vst v63  }
0x318: {  	s7 =	sadd.s32 $0x25F8, s1;
	s21 =	sadd.s32 $0x30, s4  }
0x319: {  	[hbm4b:s21+s3] =	stream.linear.scatter [tilespmem:s7], [sflag:$0x1], $0x80, $0x38;
	[tilespmem:$0x16020] =	vst v63  }
0x31a: {  	s7 =	sadd.s32 $0x2FF8, s1;
	s21 =	sadd.s32 $0x40, s4  }
0x31b: {  	[hbm4b:s21+s3] =	stream.linear.scatter [tilespmem:s7], [sflag:$0x1], $0x80, $0x38;
	[tilespmem:$0x16020] =	vst v63  }
0x31c: {  	s7 =	sadd.s32 $0x39F8, s1;
	s21 =	sadd.s32 $0x50, s4  }
0x31d: {  	[hbm4b:s21+s3] =	stream.linear.scatter [tilespmem:s7], [sflag:$0x1], $0x80, $0x38;
	[tilespmem:$0x16020] =	vst v63  }
0x31e: {  	s7 =	sadd.s32 $0x43F8, s1;
	s21 =	sadd.s32 $0x60, s4  }
0x31f: {  	[hbm4b:s21+s3] =	stream.linear.scatter [tilespmem:s7], [sflag:$0x1], $0x80, $0x38;
	[tilespmem:$0x16020] =	vst v63  }
0x320: {  	s1 =	sadd.s32 $0x4DF8, s1;
	s7 =	sadd.s32 $0x70, s4;
	s4 =	sadd.s32 $0x0, s0  }
0x321: {  	[hbm4b:s7+s3] =	stream.linear.scatter [tilespmem:s1], [sflag:$0x1], $0x80, $0x38;
	[tilespmem:$0x16020] =	vst v63  }
0x322: {  	s6 =	sadd.s32 s2, s19;
	s21 =	sadd.s32 $0x878, s4  }
0x323: {  	[hbm4b:s6+s3] =	stream.linear.scatter [tilespmem:s21], [sflag:$0x1], $0x80, $0x38;
	[tilespmem:$0x16020] =	vst v63  }
0x324: {  	s7 =	sadd.s32 $0x1278, s4;
	s21 =	sadd.s32 $0x10, s6  }
0x325: {  	[hbm4b:s21+s3] =	stream.linear.scatter [tilespmem:s7], [sflag:$0x1], $0x80, $0x38;
	[tilespmem:$0x16020] =	vst v63  }
0x326: {  	s7 =	sadd.s32 $0x1C78, s4;
	s21 =	sadd.s32 $0x20, s6  }
0x327: {  	[hbm4b:s21+s3] =	stream.linear.scatter [tilespmem:s7], [sflag:$0x1], $0x80, $0x38;
	[tilespmem:$0x16020] =	vst v63  }
0x328: {  	s7 =	sadd.s32 $0x2678, s4;
	s21 =	sadd.s32 $0x30, s6  }
0x329: {  	[hbm4b:s21+s3] =	stream.linear.scatter [tilespmem:s7], [sflag:$0x1], $0x80, $0x38;
	[tilespmem:$0x16020] =	vst v63  }
0x32a: {  	s7 =	sadd.s32 $0x3078, s4;
	s21 =	sadd.s32 $0x40, s6  }
0x32b: {  	[hbm4b:s21+s3] =	stream.linear.scatter [tilespmem:s7], [sflag:$0x1], $0x80, $0x38;
	[tilespmem:$0x16020] =	vst v63  }
0x32c: {  	s30 =	sadd.s32 $0x70, s6;
	s7 =	sadd.s32 $0x3A78, s4;
	s21 =	sadd.s32 $0x50, s6  }
0x32d: {  	[hbm4b:s21+s3] =	stream.linear.scatter [tilespmem:s7], [sflag:$0x1], $0x80, $0x38;
	[tilespmem:$0x16020] =	vst v63  }
0x32e: {  	s28 =	sadd.s32 $0x4E78, s4;
	s7 =	sadd.s32 $0x4478, s4;
	s21 =	sadd.s32 $0x60, s6  }
0x32f: {  	[hbm4b:s21+s3] =	stream.linear.scatter [tilespmem:s7], [sflag:$0x1], $0x80, $0x38;
	[tilespmem:$0x16020] =	vst v63  }
0x330: {  	s1 =	simm.s32 $0x28000;
	s4 =	sadd.s32 $0x800, s6;
	s21 =	simm.s32 $0x5000  }
.LBB2_39:
0x331: {  	[hbm4b:s30+s3] =	stream.linear.scatter [tilespmem:s28], [sflag:$0x1], $0x80, $0x38;
	[tilespmem:$0x16020] =	vst v63  }
0x332: {  	s6 =	smov.u32 s1  }
0x333: {  	s7 =	sadd.s32 $0x14000, s1;
	s28 =	sadd.s32 s21, s0;
	s21 =	sshra.s32 s6, $0x2  }
0x334: {  	p1 =	sne.s32 s1, $0x3C000;
	s1 =	sadd.s32 $0x878, s28  }
0x335: {  	[hbm4b:s4+s3] =	stream.linear.scatter [tilespmem:s1], [sflag:$0x1], $0x80, $0x38;
	[tilespmem:$0x16020] =	vst v63  }
0x336: {  	s6 =	sadd.s32 $0x10, s4;
	s1 =	sadd.s32 $0x1278, s28  }
0x337: {  	[hbm4b:s6+s3] =	stream.linear.scatter [tilespmem:s1], [sflag:$0x1], $0x80, $0x38;
	[tilespmem:$0x16020] =	vst v63  }
0x338: {  	s1 =	sadd.s32 $0x1C78, s28;
	s6 =	sadd.s32 $0x20, s4  }
0x339: {  	[hbm4b:s6+s3] =	stream.linear.scatter [tilespmem:s1], [sflag:$0x1], $0x80, $0x38;
	[tilespmem:$0x16020] =	vst v63  }
0x33a: {  	s1 =	sadd.s32 $0x2678, s28;
	s6 =	sadd.s32 $0x30, s4  }
0x33b: {  	[hbm4b:s6+s3] =	stream.linear.scatter [tilespmem:s1], [sflag:$0x1], $0x80, $0x38;
	[tilespmem:$0x16020] =	vst v63  }
0x33c: {  	s1 =	sadd.s32 $0x3078, s28;
	s6 =	sadd.s32 $0x40, s4  }
0x33d: {  	[hbm4b:s6+s3] =	stream.linear.scatter [tilespmem:s1], [sflag:$0x1], $0x80, $0x38;
	[tilespmem:$0x16020] =	vst v63  }
.Ltmp20:
0x33e: {  	s1 =	sadd.s32 $0x3A78, s28;
	s6 =	sadd.s32 $0x50, s4;
	(pc) =	sbr.rel @p1 .LBB2_39-.Ltmp20, $4  }
0x33f: {  	[hbm4b:s6+s3] =	stream.linear.scatter [tilespmem:s1], [sflag:$0x1], $0x80, $0x38;
	[tilespmem:$0x16020] =	vst v63  }
0x340: {  	s30 =	sadd.s32 $0x70, s4;
	s1 =	sadd.s32 $0x4478, s28;
	s6 =	sadd.s32 $0x60, s4  }
0x341: {  	[hbm4b:s6+s3] =	stream.linear.scatter [tilespmem:s1], [sflag:$0x1], $0x80, $0x38;
	[tilespmem:$0x16020] =	vst v63  }
0x342: {  	s28 =	sadd.s32 $0x4E78, s28;
	s4 =	sadd.s32 $0x800, s4;
	s1 =	smov.u32 s7  }
0x343: {  	[hbm4b:s30+s3] =	stream.linear.scatter [tilespmem:s28], [sflag:$0x1], $0x80, $0x38;
	[tilespmem:$0x16020] =	vst v63  }
0x344: {  	s1 =	sadd.s32 s21, s0  }
0x345: {  	s6 =	sadd.s32 $0x878, s1  }
0x346: {  	[hbm4b:s4+s3] =	stream.linear.scatter [tilespmem:s6], [sflag:$0x1], $0x80, $0x38;
	[tilespmem:$0x16020] =	vst v63  }
0x347: {  	s7 =	sadd.s32 $0x10, s4;
	s21 =	sadd.s32 $0x1278, s1  }
0x348: {  	[hbm4b:s7+s3] =	stream.linear.scatter [tilespmem:s21], [sflag:$0x1], $0x80, $0x38;
	[tilespmem:$0x16020] =	vst v63  }
0x349: {  	s7 =	sadd.s32 $0x1C78, s1;
	s21 =	sadd.s32 $0x20, s4  }
0x34a: {  	[hbm4b:s21+s3] =	stream.linear.scatter [tilespmem:s7], [sflag:$0x1], $0x80, $0x38;
	[tilespmem:$0x16020] =	vst v63  }
0x34b: {  	s7 =	sadd.s32 $0x2678, s1;
	s21 =	sadd.s32 $0x30, s4  }
0x34c: {  	[hbm4b:s21+s3] =	stream.linear.scatter [tilespmem:s7], [sflag:$0x1], $0x80, $0x38;
	[tilespmem:$0x16020] =	vst v63  }
0x34d: {  	s7 =	sadd.s32 $0x3078, s1;
	s21 =	sadd.s32 $0x40, s4  }
0x34e: {  	[hbm4b:s21+s3] =	stream.linear.scatter [tilespmem:s7], [sflag:$0x1], $0x80, $0x38;
	[tilespmem:$0x16020] =	vst v63  }
0x34f: {  	s7 =	sadd.s32 $0x3A78, s1;
	s21 =	sadd.s32 $0x50, s4  }
0x350: {  	[hbm4b:s21+s3] =	stream.linear.scatter [tilespmem:s7], [sflag:$0x1], $0x80, $0x38;
	[tilespmem:$0x16020] =	vst v63  }
0x351: {  	s7 =	sadd.s32 $0x4478, s1;
	s21 =	sadd.s32 $0x60, s4  }
0x352: {  	[hbm4b:s21+s3] =	stream.linear.scatter [tilespmem:s7], [sflag:$0x1], $0x80, $0x38;
	[tilespmem:$0x16020] =	vst v63  }
0x353: {  	s1 =	sadd.s32 $0x4E78, s1;
	s7 =	sadd.s32 $0x70, s4;
	s4 =	sadd.s32 $0x0, s0  }
0x354: {  	[hbm4b:s7+s3] =	stream.linear.scatter [tilespmem:s1], [sflag:$0x1], $0x80, $0x38;
	[tilespmem:$0x16020] =	vst v63  }
0x355: {  	s6 =	sadd.s32 s2, s20;
	s21 =	sadd.s32 $0x8F8, s4  }
0x356: {  	[hbm4b:s6+s3] =	stream.linear.scatter [tilespmem:s21], [sflag:$0x1], $0x80, $0x38;
	[tilespmem:$0x16020] =	vst v63  }
0x357: {  	s7 =	sadd.s32 $0x12F8, s4;
	s21 =	sadd.s32 $0x10, s6  }
0x358: {  	[hbm4b:s21+s3] =	stream.linear.scatter [tilespmem:s7], [sflag:$0x1], $0x80, $0x38;
	[tilespmem:$0x16020] =	vst v63  }
0x359: {  	s7 =	sadd.s32 $0x1CF8, s4;
	s21 =	sadd.s32 $0x20, s6  }
0x35a: {  	[hbm4b:s21+s3] =	stream.linear.scatter [tilespmem:s7], [sflag:$0x1], $0x80, $0x38;
	[tilespmem:$0x16020] =	vst v63  }
0x35b: {  	s7 =	sadd.s32 $0x26F8, s4;
	s21 =	sadd.s32 $0x30, s6  }
0x35c: {  	[hbm4b:s21+s3] =	stream.linear.scatter [tilespmem:s7], [sflag:$0x1], $0x80, $0x38;
	[tilespmem:$0x16020] =	vst v63  }
0x35d: {  	s7 =	sadd.s32 $0x30F8, s4;
	s21 =	sadd.s32 $0x40, s6  }
0x35e: {  	[hbm4b:s21+s3] =	stream.linear.scatter [tilespmem:s7], [sflag:$0x1], $0x80, $0x38;
	[tilespmem:$0x16020] =	vst v63  }
0x35f: {  	s30 =	sadd.s32 $0x70, s6;
	s7 =	sadd.s32 $0x3AF8, s4;
	s21 =	sadd.s32 $0x50, s6  }
0x360: {  	[hbm4b:s21+s3] =	stream.linear.scatter [tilespmem:s7], [sflag:$0x1], $0x80, $0x38;
	[tilespmem:$0x16020] =	vst v63  }
0x361: {  	s28 =	sadd.s32 $0x4EF8, s4;
	s7 =	sadd.s32 $0x44F8, s4;
	s21 =	sadd.s32 $0x60, s6  }
0x362: {  	[hbm4b:s21+s3] =	stream.linear.scatter [tilespmem:s7], [sflag:$0x1], $0x80, $0x38;
	[tilespmem:$0x16020] =	vst v63  }
0x363: {  	s1 =	simm.s32 $0x28000;
	s4 =	sadd.s32 $0x800, s6;
	s21 =	simm.s32 $0x5000  }
.LBB2_41:
0x364: {  	[hbm4b:s30+s3] =	stream.linear.scatter [tilespmem:s28], [sflag:$0x1], $0x80, $0x38;
	[tilespmem:$0x16020] =	vst v63  }
0x365: {  	s6 =	smov.u32 s1  }
0x366: {  	s7 =	sadd.s32 $0x14000, s1;
	s28 =	sadd.s32 s21, s0;
	s21 =	sshra.s32 s6, $0x2  }
0x367: {  	p1 =	sne.s32 s1, $0x3C000;
	s1 =	sadd.s32 $0x8F8, s28  }
0x368: {  	[hbm4b:s4+s3] =	stream.linear.scatter [tilespmem:s1], [sflag:$0x1], $0x80, $0x38;
	[tilespmem:$0x16020] =	vst v63  }
0x369: {  	s6 =	sadd.s32 $0x10, s4;
	s1 =	sadd.s32 $0x12F8, s28  }
0x36a: {  	[hbm4b:s6+s3] =	stream.linear.scatter [tilespmem:s1], [sflag:$0x1], $0x80, $0x38;
	[tilespmem:$0x16020] =	vst v63  }
0x36b: {  	s1 =	sadd.s32 $0x1CF8, s28;
	s6 =	sadd.s32 $0x20, s4  }
0x36c: {  	[hbm4b:s6+s3] =	stream.linear.scatter [tilespmem:s1], [sflag:$0x1], $0x80, $0x38;
	[tilespmem:$0x16020] =	vst v63  }
0x36d: {  	s1 =	sadd.s32 $0x26F8, s28;
	s6 =	sadd.s32 $0x30, s4  }
0x36e: {  	[hbm4b:s6+s3] =	stream.linear.scatter [tilespmem:s1], [sflag:$0x1], $0x80, $0x38;
	[tilespmem:$0x16020] =	vst v63  }
0x36f: {  	s1 =	sadd.s32 $0x30F8, s28;
	s6 =	sadd.s32 $0x40, s4  }
0x370: {  	[hbm4b:s6+s3] =	stream.linear.scatter [tilespmem:s1], [sflag:$0x1], $0x80, $0x38;
	[tilespmem:$0x16020] =	vst v63  }
.Ltmp21:
0x371: {  	s1 =	sadd.s32 $0x3AF8, s28;
	s6 =	sadd.s32 $0x50, s4;
	(pc) =	sbr.rel @p1 .LBB2_41-.Ltmp21, $4  }
0x372: {  	[hbm4b:s6+s3] =	stream.linear.scatter [tilespmem:s1], [sflag:$0x1], $0x80, $0x38;
	[tilespmem:$0x16020] =	vst v63  }
0x373: {  	s30 =	sadd.s32 $0x70, s4;
	s1 =	sadd.s32 $0x44F8, s28;
	s6 =	sadd.s32 $0x60, s4  }
0x374: {  	[hbm4b:s6+s3] =	stream.linear.scatter [tilespmem:s1], [sflag:$0x1], $0x80, $0x38;
	[tilespmem:$0x16020] =	vst v63  }
0x375: {  	s28 =	sadd.s32 $0x4EF8, s28;
	s4 =	sadd.s32 $0x800, s4;
	s1 =	smov.u32 s7  }
0x376: {  	[hbm4b:s30+s3] =	stream.linear.scatter [tilespmem:s28], [sflag:$0x1], $0x80, $0x38;
	[tilespmem:$0x16020] =	vst v63  }
0x377: {  	s1 =	sadd.s32 s21, s0  }
0x378: {  	s6 =	sadd.s32 $0x8F8, s1  }
0x379: {  	[hbm4b:s4+s3] =	stream.linear.scatter [tilespmem:s6], [sflag:$0x1], $0x80, $0x38;
	[tilespmem:$0x16020] =	vst v63  }
0x37a: {  	s7 =	sadd.s32 $0x10, s4;
	s30 =	sadd.s32 $0x12F8, s1  }
0x37b: {  	[hbm4b:s7+s3] =	stream.linear.scatter [tilespmem:s30], [sflag:$0x1], $0x80, $0x38;
	[tilespmem:$0x16020] =	vst v63  }
0x37c: {  	s21 =	sadd.s32 $0x1CF8, s1;
	s30 =	sadd.s32 $0x20, s4  }
0x37d: {  	[hbm4b:s30+s3] =	stream.linear.scatter [tilespmem:s21], [sflag:$0x1], $0x80, $0x38;
	[tilespmem:$0x16020] =	vst v63  }
0x37e: {  	s21 =	sadd.s32 $0x26F8, s1;
	s30 =	sadd.s32 $0x30, s4  }
0x37f: {  	[hbm4b:s30+s3] =	stream.linear.scatter [tilespmem:s21], [sflag:$0x1], $0x80, $0x38;
	[tilespmem:$0x16020] =	vst v63  }
0x380: {  	s21 =	sadd.s32 $0x30F8, s1;
	s30 =	sadd.s32 $0x40, s4  }
0x381: {  	[hbm4b:s30+s3] =	stream.linear.scatter [tilespmem:s21], [sflag:$0x1], $0x80, $0x38;
	[tilespmem:$0x16020] =	vst v63  }
0x382: {  	s21 =	sadd.s32 $0x3AF8, s1;
	s30 =	sadd.s32 $0x50, s4  }
0x383: {  	[hbm4b:s30+s3] =	stream.linear.scatter [tilespmem:s21], [sflag:$0x1], $0x80, $0x38;
	[tilespmem:$0x16020] =	vst v63  }
0x384: {  	s21 =	sadd.s32 $0x44F8, s1;
	s30 =	sadd.s32 $0x60, s4  }
0x385: {  	[hbm4b:s30+s3] =	stream.linear.scatter [tilespmem:s21], [sflag:$0x1], $0x80, $0x38;
	[tilespmem:$0x16020] =	vst v63  }
0x386: {  	s6 =	sadd.s32 $0x0, s0;
	s1 =	sadd.s32 $0x4EF8, s1;
	s21 =	sadd.s32 $0x70, s4  }
0x387: {  	[hbm4b:s21+s3] =	stream.linear.scatter [tilespmem:s1], [sflag:$0x1], $0x80, $0x38;
	[tilespmem:$0x16020] =	vst v63  }
0x388: {  	s2 =	sadd.s32 s2, s26;
	s30 =	sadd.s32 $0x978, s6  }
0x389: {  	[hbm4b:s2+s3] =	stream.linear.scatter [tilespmem:s30], [sflag:$0x1], $0x80, $0x38;
	[tilespmem:$0x16020] =	vst v63  }
0x38a: {  	s7 =	sadd.s32 $0x10, s2;
	s4 =	sadd.s32 $0x1378, s6  }
0x38b: {  	[hbm4b:s7+s3] =	stream.linear.scatter [tilespmem:s4], [sflag:$0x1], $0x80, $0x38;
	[tilespmem:$0x16020] =	vst v63  }
0x38c: {  	s21 =	sadd.s32 $0x1D78, s6;
	s30 =	sadd.s32 $0x20, s2  }
0x38d: {  	[hbm4b:s30+s3] =	stream.linear.scatter [tilespmem:s21], [sflag:$0x1], $0x80, $0x38;
	[tilespmem:$0x16020] =	vst v63  }
0x38e: {  	s4 =	sadd.s32 $0x2778, s6;
	s7 =	sadd.s32 $0x30, s2  }
0x38f: {  	[hbm4b:s7+s3] =	stream.linear.scatter [tilespmem:s4], [sflag:$0x1], $0x80, $0x38;
	[tilespmem:$0x16020] =	vst v63  }
0x390: {  	s21 =	sadd.s32 $0x3178, s6;
	s30 =	sadd.s32 $0x40, s2  }
0x391: {  	[hbm4b:s30+s3] =	stream.linear.scatter [tilespmem:s21], [sflag:$0x1], $0x80, $0x38;
	[tilespmem:$0x16020] =	vst v63  }
0x392: {  	s28 =	sadd.s32 $0x70, s2;
	s4 =	sadd.s32 $0x3B78, s6;
	s7 =	sadd.s32 $0x50, s2  }
0x393: {  	[hbm4b:s7+s3] =	stream.linear.scatter [tilespmem:s4], [sflag:$0x1], $0x80, $0x38;
	[tilespmem:$0x16020] =	vst v63  }
0x394: {  	s1 =	simm.s32 $0x28000;
	s21 =	sadd.s32 $0x4578, s6;
	s30 =	sadd.s32 $0x60, s2  }
0x395: {  	[hbm4b:s30+s3] =	stream.linear.scatter [tilespmem:s21], [sflag:$0x1], $0x80, $0x38;
	[tilespmem:$0x16020] =	vst v63  }
0x396: {  	s2 =	sadd.s32 $0x800, s2;
	s4 =	simm.s32 $0x5000;
	s21 =	sadd.s32 $0x4F78, s6  }
.LBB2_43:
0x397: {  	[hbm4b:s28+s3] =	stream.linear.scatter [tilespmem:s21], [sflag:$0x1], $0x80, $0x38;
	[tilespmem:$0x16020] =	vst v63  }
0x398: {  	s6 =	smov.u32 s1  }
0x399: {  	s7 =	sadd.s32 $0x14000, s1;
	s21 =	sadd.s32 s4, s0;
	s4 =	sshra.s32 s6, $0x2  }
0x39a: {  	p1 =	sne.s32 s1, $0x3C000;
	s1 =	sadd.s32 $0x978, s21  }
0x39b: {  	[hbm4b:s2+s3] =	stream.linear.scatter [tilespmem:s1], [sflag:$0x1], $0x80, $0x38;
	[tilespmem:$0x16020] =	vst v63  }
0x39c: {  	s6 =	sadd.s32 $0x10, s2;
	s1 =	sadd.s32 $0x1378, s21  }
0x39d: {  	[hbm4b:s6+s3] =	stream.linear.scatter [tilespmem:s1], [sflag:$0x1], $0x80, $0x38;
	[tilespmem:$0x16020] =	vst v63  }
0x39e: {  	s1 =	sadd.s32 $0x1D78, s21;
	s6 =	sadd.s32 $0x20, s2  }
0x39f: {  	[hbm4b:s6+s3] =	stream.linear.scatter [tilespmem:s1], [sflag:$0x1], $0x80, $0x38;
	[tilespmem:$0x16020] =	vst v63  }
0x3a0: {  	s1 =	sadd.s32 $0x2778, s21;
	s6 =	sadd.s32 $0x30, s2  }
0x3a1: {  	[hbm4b:s6+s3] =	stream.linear.scatter [tilespmem:s1], [sflag:$0x1], $0x80, $0x38;
	[tilespmem:$0x16020] =	vst v63  }
0x3a2: {  	s1 =	sadd.s32 $0x3178, s21;
	s6 =	sadd.s32 $0x40, s2  }
0x3a3: {  	[hbm4b:s6+s3] =	stream.linear.scatter [tilespmem:s1], [sflag:$0x1], $0x80, $0x38;
	[tilespmem:$0x16020] =	vst v63  }
.Ltmp22:
0x3a4: {  	s1 =	sadd.s32 $0x3B78, s21;
	s6 =	sadd.s32 $0x50, s2;
	(pc) =	sbr.rel @p1 .LBB2_43-.Ltmp22, $4  }
0x3a5: {  	[hbm4b:s6+s3] =	stream.linear.scatter [tilespmem:s1], [sflag:$0x1], $0x80, $0x38;
	[tilespmem:$0x16020] =	vst v63  }
0x3a6: {  	s28 =	sadd.s32 $0x70, s2;
	s1 =	sadd.s32 $0x4578, s21;
	s6 =	sadd.s32 $0x60, s2  }
0x3a7: {  	[hbm4b:s6+s3] =	stream.linear.scatter [tilespmem:s1], [sflag:$0x1], $0x80, $0x38;
	[tilespmem:$0x16020] =	vst v63  }
0x3a8: {  	s21 =	sadd.s32 $0x4F78, s21;
	s2 =	sadd.s32 $0x800, s2;
	s1 =	smov.u32 s7  }
0x3a9: {  	[hbm4b:s28+s3] =	stream.linear.scatter [tilespmem:s21], [sflag:$0x1], $0x80, $0x38;
	[tilespmem:$0x16020] =	vst v63  }
0x3aa: {  	s1 =	sadd.s32 s4, s0  }
0x3ab: {  	s4 =	sadd.s32 $0x978, s1  }
0x3ac: {  	[hbm4b:s2+s3] =	stream.linear.scatter [tilespmem:s4], [sflag:$0x1], $0x80, $0x38;
	[tilespmem:$0x16020] =	vst v63  }
0x3ad: {  	s6 =	sadd.s32 $0x10, s2;
	s21 =	sadd.s32 $0x1378, s1  }
0x3ae: {  	[hbm4b:s6+s3] =	stream.linear.scatter [tilespmem:s21], [sflag:$0x1], $0x80, $0x38;
	[tilespmem:$0x16020] =	vst v63  }
0x3af: {  	s30 =	sadd.s32 $0x20, s2;
	s28 =	sadd.s32 $0x1D78, s1  }
0x3b0: {  	[hbm4b:s30+s3] =	stream.linear.scatter [tilespmem:s28], [sflag:$0x1], $0x80, $0x38;
	[tilespmem:$0x16020] =	vst v63  }
0x3b1: {  	s7 =	sadd.s32 $0x2778, s1;
	s21 =	sadd.s32 $0x30, s2  }
0x3b2: {  	[hbm4b:s21+s3] =	stream.linear.scatter [tilespmem:s7], [sflag:$0x1], $0x80, $0x38;
	[tilespmem:$0x16020] =	vst v63  }
0x3b3: {  	s31 =	sadd.s32 $0x1, s31;
	s28 =	sadd.s32 $0x3178, s1;
	s30 =	sadd.s32 $0x40, s2  }
0x3b4: {  	[hbm4b:s30+s3] =	stream.linear.scatter [tilespmem:s28], [sflag:$0x1], $0x80, $0x38;
	[tilespmem:$0x16020] =	vst v63  }
0x3b5: {  	p1 =	sne.s32 s31, $0x40;
	s6 =	sadd.s32 $0x3B78, s1;
	s7 =	sadd.s32 $0x50, s2  }
0x3b6: {  	[hbm4b:s7+s3] =	stream.linear.scatter [tilespmem:s6], [sflag:$0x1], $0x80, $0x38;
	[tilespmem:$0x16020] =	vst v63  }
.Ltmp23:
0x3b7: {  	_ = 	snop;
	(pc) =	sbr.rel @p1 .LBB2_12-.Ltmp23, $4  }
0x3b8: {  	s21 =	sadd.s32 $0x4578, s1;
	s28 =	sadd.s32 $0x60, s2  }
0x3b9: {  	[hbm4b:s28+s3] =	stream.linear.scatter [tilespmem:s21], [sflag:$0x1], $0x80, $0x38;
	[tilespmem:$0x16020] =	vst v63  }
0x3ba: {  	s0 =	sadd.s32 $0xFFFFFFF8, s0;
	s1 =	sadd.s32 $0x4F78, s1;
	s30 =	sadd.s32 $0x70, s2  }
0x3bb: {  	[hbm4b:s30+s3] =	stream.linear.scatter [tilespmem:s1], [sflag:$0x1], $0x80, $0x38;
	[tilespmem:$0x16020] =	vst v63  }
0x3bc: {  	_ =	swait.ge [sflag:s29], $0x1000  }
0x3bd: {  	[sflag:s29] =	ssyncset.done $0x0  }
0x3be: {  	[sflag:s29] =	ssyncadd.s32 $0xFFFFF000  }
0x3bf: {  	_ =	swait.ge [sflag:s29], $0x1000  }
0x3c0: {  	[sflag:s29] =	ssyncset.done $0x0  }
0x3c1: {  	[sflag:s29] =	ssyncadd.s32 $0xFFFFF000  }
0x3c2: {  	_ =	swait.ge [sflag:s29], $0x1000  }
0x3c3: {  	[sflag:s29] =	ssyncset.done $0x0  }
0x3c4: {  	[sflag:s29] =	ssyncadd.s32 $0xFFFFF000  }
0x3c5: {  	_ =	swait.ge [sflag:s29], $0x1000  }
0x3c6: {  	[sflag:s29] =	ssyncset.done $0x0  }
0x3c7: {  	[sflag:s29] =	ssyncadd.s32 $0xFFFFF000  }
0x3c8: {  	_ =	swait.ge [sflag:s29], $0x1000  }
0x3c9: {  	[sflag:s29] =	ssyncset.done $0x0  }
0x3ca: {  	[sflag:s29] =	ssyncadd.s32 $0xFFFFF000  }
0x3cb: {  	_ =	swait.ge [sflag:s29], $0x1000  }
0x3cc: {  	[sflag:s29] =	ssyncset.done $0x0  }
0x3cd: {  	[sflag:s29] =	ssyncadd.s32 $0xFFFFF000  }
0x3ce: {  	_ =	swait.ge [sflag:s29], $0x1000  }
0x3cf: {  	[sflag:s29] =	ssyncset.done $0x0  }
0x3d0: {  	[sflag:s29] =	ssyncadd.s32 $0xFFFFF000  }
0x3d1: {  	_ =	swait.ge [sflag:s29], $0x1000  }
0x3d2: {  	[sflag:s29] =	ssyncset.done $0x0  }
0x3d3: {  	[sflag:s29] =	ssyncadd.s32 $0xFFFFF000  }
0x3d4: {  	_ =	swait.ge [sflag:s29], $0x1000  }
0x3d5: {  	[sflag:s29] =	ssyncset.done $0x0  }
0x3d6: {  	[sflag:s29] =	ssyncadd.s32 $0xFFFFF000  }
0x3d7: {  	_ =	swait.ge [sflag:s29], $0x1000  }
0x3d8: {  	[sflag:s29] =	ssyncset.done $0x0  }
0x3d9: {  	[sflag:s29] =	ssyncadd.s32 $0xFFFFF000  }
0x3da: {  	_ =	swait.ge [sflag:s29], $0x1000  }
0x3db: {  	[sflag:s29] =	ssyncset.done $0x0  }
0x3dc: {  	[sflag:s29] =	ssyncadd.s32 $0xFFFFF000  }
0x3dd: {  	_ =	swait.ge [sflag:s29], $0x1000  }
0x3de: {  	[sflag:s29] =	ssyncset.done $0x0  }
0x3df: {  	[sflag:s29] =	ssyncadd.s32 $0xFFFFF000  }
0x3e0: {  	_ =	swait.ge [sflag:s29], $0x1000  }
0x3e1: {  	[sflag:s29] =	ssyncset.done $0x0  }
0x3e2: {  	[sflag:s29] =	ssyncadd.s32 $0xFFFFF000  }
0x3e3: {  	_ =	swait.ge [sflag:s29], $0x1000  }
0x3e4: {  	[sflag:s29] =	ssyncset.done $0x0  }
0x3e5: {  	[sflag:s29] =	ssyncadd.s32 $0xFFFFF000  }
0x3e6: {  	_ =	swait.ge [sflag:s29], $0x1000  }
0x3e7: {  	[sflag:s29] =	ssyncset.done $0x0  }
0x3e8: {  	[sflag:s29] =	ssyncadd.s32 $0xFFFFF000  }
0x3e9: {  	_ =	swait.ge [sflag:s29], $0x1000  }
0x3ea: {  	[sflag:s29] =	ssyncset.done $0x0  }
0x3eb: {  	[sflag:s29] =	ssyncadd.s32 $0xFFFFF000  }
0x3ec: {  	_ =	swait.ge [sflag:s29], $0x1000  }
0x3ed: {  	[sflag:s29] =	ssyncset.done $0x0  }
0x3ee: {  	[sflag:s29] =	ssyncadd.s32 $0xFFFFF000  }
0x3ef: {  	_ =	swait.ge [sflag:s29], $0x1000  }
0x3f0: {  	[sflag:s29] =	ssyncset.done $0x0  }
0x3f1: {  	[sflag:s29] =	ssyncadd.s32 $0xFFFFF000  }
0x3f2: {  	_ =	swait.ge [sflag:s29], $0x1000  }
0x3f3: {  	[sflag:s29] =	ssyncset.done $0x0  }
0x3f4: {  	[sflag:s29] =	ssyncadd.s32 $0xFFFFF000  }
0x3f5: {  	_ =	swait.ge [sflag:s29], $0x1000  }
0x3f6: {  	[sflag:s29] =	ssyncset.done $0x0  }
0x3f7: {  	[sflag:s29] =	ssyncadd.s32 $0xFFFFF000  }
0x3f8: {  	_ =	swait.ge [sflag:s29], $0x1000  }
0x3f9: {  	[sflag:s29] =	ssyncset.done $0x0  }
0x3fa: {  	[sflag:s29] =	ssyncadd.s32 $0xFFFFF000  }
0x3fb: {  	_ =	swait.ge [sflag:s29], $0x1000  }
0x3fc: {  	[sflag:s29] =	ssyncset.done $0x0  }
0x3fd: {  	[sflag:s29] =	ssyncadd.s32 $0xFFFFF000  }
0x3fe: {  	_ =	swait.ge [sflag:s29], $0x1000  }
0x3ff: {  	[sflag:s29] =	ssyncset.done $0x0  }
0x400: {  	[sflag:s29] =	ssyncadd.s32 $0xFFFFF000  }
0x401: {  	_ =	swait.ge [sflag:s29], $0x1000  }
0x402: {  	[sflag:s29] =	ssyncset.done $0x0  }
0x403: {  	[sflag:s29] =	ssyncadd.s32 $0xFFFFF000  }
0x404: {  	_ =	swait.ge [sflag:s29], $0x1000  }
0x405: {  	[sflag:s29] =	ssyncset.done $0x0  }
0x406: {  	[sflag:s29] =	ssyncadd.s32 $0xFFFFF000  }
0x407: {  	_ =	swait.ge [sflag:s29], $0x1000  }
0x408: {  	[sflag:s29] =	ssyncset.done $0x0  }
0x409: {  	[sflag:s29] =	ssyncadd.s32 $0xFFFFF000  }
0x40a: {  	_ =	swait.ge [sflag:s29], $0x1000  }
0x40b: {  	[sflag:s29] =	ssyncset.done $0x0  }
0x40c: {  	[sflag:s29] =	ssyncadd.s32 $0xFFFFF000  }
0x40d: {  	_ =	swait.ge [sflag:s29], $0x1000  }
0x40e: {  	[sflag:s29] =	ssyncset.done $0x0  }
0x40f: {  	[sflag:s29] =	ssyncadd.s32 $0xFFFFF000  }
0x410: {  	_ =	swait.ge [sflag:s29], $0x1000  }
0x411: {  	[sflag:s29] =	ssyncset.done $0x0  }
0x412: {  	[sflag:s29] =	ssyncadd.s32 $0xFFFFF000  }
0x413: {  	_ =	swait.ge [sflag:s29], $0x1000  }
0x414: {  	[sflag:s29] =	ssyncset.done $0x0  }
0x415: {  	[sflag:s29] =	ssyncadd.s32 $0xFFFFF000  }
0x416: {  	_ =	swait.ge [sflag:s29], $0x1000  }
0x417: {  	[sflag:s29] =	ssyncset.done $0x0  }
0x418: {  	[sflag:s29] =	ssyncadd.s32 $0xFFFFF000  }
0x419: {  	_ =	swait.ge [sflag:s29], $0x1000  }
0x41a: {  	s1 =	rddreg [dreg:$0x7]  }
0x41b: {  	s0 =	rddreg [dreg:$0x6];
	s1 =	sadd.s32 $0x1, s1  }
0x41c: {  	p1 =	sne.s32 s1, s0  }
.Ltmp24:
0x41d: {  	_ = 	snop;
	(pc) =	sbr.rel @p1 .LBB2_1-.Ltmp24, $3  }
0x41e: {  	_ =	sdelay $0x1  }
0x41f: {  	[sflag:s29] =	ssyncset.done $0x0  }
0x420: {  	[sflag:s29] =	ssyncadd.s32 $0xFFFFF000  }
0x421: {  	_ =	sfence.sel $0x180000  }
0x422: {  	[bflag:$0x0] =	sbarrier.arrive $0xFFFF  }
0x423: {  	_ =	strace $0x90000047  }
0x424: {  	s0 =	stileid.u32;
	[bflag:$0x2] =	sbarrier.arrive $0xFFFF  }
0x425: {  	p0 =	sne.s32 s0, $0x0;
	s0 =	rddreg [dreg:$0x2]  }
0x426: {  	s0 =	sadd.s32 @!p0 $0x100000, s0  }
0x427: {  	[sflag:s0] =	ssyncadd.tile.s32 @!p0 $0x1;
	_ =	shalt  }
.Lfunc_end2:
_tile_overlayer_lowered:
.L_overlay_start_2:
0x428: {  	(tag) =	ssettag $0x2  }
0x429: {  	s0 =	rddreg [dreg:$0x0];
	s2 =	stileid.u32  }
0x42a: {  	s1 =	rddreg [dreg:$0x1];
	p0 =	sne.s32 s2, $0x0  }
0x42b: {  	s3 =	rddreg [dreg:$0x2];
	[bflag:$0x3] =	sbarrier.arrive $0xFFFF;
	s2 =	simm.s32 @!p0 $0x1C02  }
0x42c: {  	[timem:s3], [sflag:s2] =	dma.local @!p0 [hbm:s0], s1  }
0x42d: {  	s0 =	simm.s32 @!p0 $0x2  }
0x42e: {  	_ =	swait.ge @!p0 [sflag:s0], s1  }
0x42f: {  	s1 =	ssub.s32 @!p0 $0x0, s1;
	[sflag:s0] =	ssyncset.done @!p0 $0x0  }
0x430: {  	[sflag:s0] =	ssyncadd.s32 @!p0 s1  }
0x431: {  	[bflag:$0x3] =	sbarrier.arrive $0xFFFF  }
0x432: {  	_ =	shalt  }

</sc_bundles>
